<compile_context>
chip_gen: v7x
topology: tpu7x:2x2x1
jax: 0.10.2.dev20260603
libtpu: 0.0.44.dev20260713+nightly
codegen_flags: <defaults>
</compile_context>

<pallas_src>
import functools

import jax
import jax.numpy as jnp
from jax import lax
from jax.experimental import pallas as pl
from jax.experimental.pallas import tpu as pltpu
from jax.experimental.pallas import tpu_sc as plsc

BATCH = 16384
CTX = 6
EMBED_DIM = 128
OUTPUTS = 91
OUT_PAD = 128

NC = 2
NS = 16
NW = NC * NS

N_IDX = BATCH * CTX
PER_W = N_IDX // NW
CHUNK = 128
ITERS = PER_W // CHUNK
NBUF = 4


def _sc_gather_body(iters, nbuf, idx_hbm, table_hbm, out_hbm, idx_v, bufs, gsem, ssem):
    per_w = iters * CHUNK
    c = lax.axis_index("c")
    s = lax.axis_index("s")
    wid = s * NC + c
    base = wid * per_w
    pltpu.sync_copy(idx_hbm.at[wid], idx_v)

    def start_gather(b, j):
        pltpu.async_copy(table_hbm.at[idx_v.at[j]], bufs.at[b], gsem.at[b])

    def start_store(b, j):
        pltpu.async_copy(
            bufs.at[b], out_hbm.at[pl.ds(base + j * CHUNK, CHUNK)], ssem.at[b]
        )

    def wait_gather(b):
        pltpu.make_async_copy(
            table_hbm.at[idx_v.at[0]], bufs.at[b], gsem.at[b]
        ).wait()

    def wait_store(b):
        pltpu.make_async_copy(
            bufs.at[b], out_hbm.at[pl.ds(base, CHUNK)], ssem.at[b]
        ).wait()

    for b in range(nbuf):
        start_gather(b, b)

    def outer(t, carry):
        j0 = t * nbuf
        for b in range(nbuf):
            wait_gather(b)
            start_store(b, j0 + b)
        for b in range(nbuf):
            wait_store(b)
            start_gather(b, j0 + nbuf + b)
        return carry

    lax.fori_loop(0, iters // nbuf - 1, outer, 0)

    j0 = iters - nbuf
    for b in range(nbuf):
        wait_gather(b)
        start_store(b, j0 + b)
    for b in range(nbuf):
        wait_store(b)


def _sc_gather(idx3, table, nbuf=NBUF):
    nw, iters, chunk = idx3.shape
    mesh = plsc.VectorSubcoreMesh(core_axis_name="c", subcore_axis_name="s")
    return pl.kernel(
        functools.partial(_sc_gather_body, iters, nbuf),
        mesh=mesh,
        out_type=jax.ShapeDtypeStruct((nw * iters * chunk, EMBED_DIM), jnp.float32),
        scratch_types=[
            pltpu.VMEM((iters, CHUNK), jnp.int32),
            pltpu.VMEM((nbuf, CHUNK, EMBED_DIM), jnp.float32),
            pltpu.SemaphoreType.DMA((nbuf,)),
            pltpu.SemaphoreType.DMA((nbuf,)),
        ],
    )(idx3, table)


def _mlp_compute(x_refs, w1_ref, b1_ref, w2_ref, b2_ref, o_ref):
    ht = jax.lax.dot_general(
        w1_ref[0], x_refs[0][...], (((0,), (1,)), ((), ())),
        preferred_element_type=jnp.float32)
    for k in range(1, CTX):
        ht += jax.lax.dot_general(
            w1_ref[k], x_refs[k][...], (((0,), (1,)), ((), ())),
            preferred_element_type=jnp.float32)
    ht = jnp.maximum(ht + b1_ref[...], 0.0)
    o_ref[...] = (
        jax.lax.dot_general(
            w2_ref[...], ht, (((0,), (0,)), ((), ())),
            preferred_element_type=jnp.float32)
        + b2_ref[...]
    )


def _mlp_body(*refs):
    _mlp_compute(refs[:CTX], refs[CTX], refs[CTX + 1], refs[CTX + 2],
                 refs[CTX + 3], refs[CTX + 5])


def _mlp_body_nobase(*refs):
    _mlp_compute(refs[:CTX], refs[CTX], refs[CTX + 1], refs[CTX + 2],
                 refs[CTX + 3], refs[CTX + 4])


def _x_spec(k, bm, bp):
    nb = bp // bm
    return pl.BlockSpec((bm, EMBED_DIM), lambda i, _k=k, _nb=nb: (_k * _nb + i, 0))


def _mlp_part(xkm, w1k, b1, w2, b2, base, block_off, bm=1024):
    bp = xkm.shape[0] // CTX
    nb = bp // bm
    off = block_off
    extra_specs = [] if base is None else [pl.BlockSpec(memory_space=pl.ANY)]
    extra_args = [] if base is None else [base]
    body = _mlp_body_nobase if base is None else _mlp_body
    return pl.pallas_call(
        body,
        grid=(nb,),
        in_specs=[_x_spec(k, bm, bp) for k in range(CTX)]
        + [
            pl.BlockSpec((CTX, EMBED_DIM, EMBED_DIM), lambda i: (0, 0, 0)),
            pl.BlockSpec((EMBED_DIM, 1), lambda i: (0, 0)),
            pl.BlockSpec((EMBED_DIM, OUTPUTS), lambda i: (0, 0)),
            pl.BlockSpec((OUTPUTS, 1), lambda i: (0, 0)),
        ]
        + extra_specs,
        out_specs=pl.BlockSpec((OUTPUTS, bm), lambda i, _o=off: (0, _o + i)),
        out_shape=jax.ShapeDtypeStruct((OUTPUTS, BATCH), jnp.float32),
        input_output_aliases={} if base is None else {CTX + 4: 0},
    )(*([xkm] * CTX), w1k, b1, w2, b2, *extra_args)


PART_SIZES = (10240, 6144)


def kernel(inputs, emb_table, W1, b1, W2, b2):
    idx_t = inputs.astype(jnp.int32).T
    w1k = W1.reshape(CTX, EMBED_DIM, EMBED_DIM)
    b1r = b1.reshape(EMBED_DIM, 1)
    b2r = b2.reshape(OUTPUTS, 1)
    out = None
    lo = 0
    for p, bp in enumerate(PART_SIZES):
        iters_p = (bp * CTX) // (NW * CHUNK)
        nbuf = min(NBUF, iters_p)
        while iters_p % nbuf:
            nbuf -= 1
        idx3 = idx_t[:, lo:lo + bp].reshape(NW, iters_p, CHUNK)
        xkm = _sc_gather(idx3, emb_table, nbuf=nbuf)
        out = _mlp_part(xkm, w1k, b1r, W2, b2r, out, block_off=lo // 1024)
        lo += bp
    return out.T

# --- scband reference (transcript-rebuilt; emitter-appended) ---
"""Pipeline reference for scband-dependency-model-13829794693855 (READ-ONLY COPY).

The authoritative reference and input builder live on the scoring server;
editing this copy changes nothing except your own understanding.
"""

import jax, jax.numpy as jnp
import numpy as np

WORD_TYPES = 1000000
OUTPUTS = 91
EMBED_DIM = 128
BATCH = 16384
CTX = 6

def setup_inputs(seed: int = 0) -> dict:
    key = jax.random.key(seed)
    k_idx, k_emb, k_w1, k_b1, k_w2, k_b2 = jax.random.split(key, 6)
    inputs = jax.random.randint(k_idx, (BATCH, CTX), 0, WORD_TYPES, dtype=jnp.int64 if jax.config.jax_enable_x64 else jnp.int32)
    emb_table = jax.random.normal(k_emb, (WORD_TYPES, EMBED_DIM), dtype=jnp.float32) * 0.02
    W1 = jax.random.normal(k_w1, (EMBED_DIM * CTX, EMBED_DIM), dtype=jnp.float32) * (1.0 / np.sqrt(EMBED_DIM * CTX))
    b1 = jnp.zeros((EMBED_DIM,), dtype=jnp.float32)
    W2 = jax.random.normal(k_w2, (EMBED_DIM, OUTPUTS), dtype=jnp.float32) * (1.0 / np.sqrt(EMBED_DIM))
    b2 = jnp.zeros((OUTPUTS,), dtype=jnp.float32)
    return {"inputs": inputs, "emb_table": emb_table, "W1": W1, "b1": b1, "W2": W2, "b2": b2}

def reference(inputs, emb_table, W1, b1, W2, b2):
    # embedding lookup: [B, 6] -> [B, 6, 128]
    embedded = jnp.take(emb_table, inputs, axis=0)
    # flatten: [B, 768]
    embedded_flattened = embedded.reshape(embedded.shape[0], -1)
    # hidden linear + relu
    hidden_output = embedded_flattened @ W1 + b1
    activated_output = jax.nn.relu(hidden_output)
    # output linear (raw logits, as in the torch forward)
    output = activated_output @ W2 + b2
    return output

if __name__ == "__main__":
    import jax
    _d = setup_inputs()
    print(jax.jit(kernel)(*tuple(_d.values())))

</pallas_src>

<mosaic_0001>
#map = affine_map<(d0, d1) -> (0, 0, 0)>
#map1 = affine_map<(d0, d1) -> (0, 0)>
module attributes {stable_mosaic.version = 14 : i64} {
  func.func @_sc_gather_body(%arg0: i32, %arg1: i32, %arg2: memref<32x15x128xi32, #tpu.memory_space<hbm>>, %arg3: memref<1000000x128xf32, #tpu.memory_space<hbm>>, %arg4: memref<61440x128xf32, #tpu.memory_space<hbm>>, %arg5: memref<15x128xi32, #tpu.memory_space<vmem>>, %arg6: memref<3x128x128xf32, #tpu.memory_space<vmem>>, %arg7: memref<3x!tpu.dma_semaphore, #tpu.memory_space<semaphore_mem>>, %arg8: memref<3x!tpu.dma_semaphore, #tpu.memory_space<semaphore_mem>>) attributes {dimension_semantics = [#tpu.dimension_semantics<core_parallel>, #tpu.dimension_semantics<subcore_parallel>], iteration_bounds = array<i64: 2, 16>, scalar_prefetch = 0 : i64, scratch_operands = 4 : i64, tpu.core_type = #tpu.core_type<sc_vector_subcore>, window_params = [{transform_indices = #map}, {transform_indices = #map1}, {transform_indices = #map1}]} {
    %mul3A = arith.constant 2 : i32
    %mul3A_0 = arith.muli %arg1, %mul3A : i32
    %add3A = arith.addi %mul3A_0, %arg0 : i32
    %mul3A_1 = arith.constant 1920 : i32
    %mul3A_2 = arith.muli %add3A, %mul3A_1 : i32
    "tpu.region"() ({
      %run_scoped3A = tpu.sem_alloc : memref<!tpu.dma_semaphore, #tpu.memory_space<semaphore_mem>>
      %dma_start3A_198 = arith.constant 0 : i32
      %dma_start3A_199 = arith.constant 0 : i32
      %dma_start3A_200 = tpu.memref_slice %arg2[%add3A, %dma_start3A_198, %dma_start3A_199] : memref<32x15x128xi32, #tpu.memory_space<hbm>> -> memref<1x15x128xi32, #tpu.memory_space<hbm>>
      %dma_start3A_201 = tpu.memref_squeeze %dma_start3A_200 : memref<1x15x128xi32, #tpu.memory_space<hbm>> -> memref<15x128xi32, #tpu.memory_space<hbm>>
      %dma_start3A_202 = arith.constant 0 : i32
      %dma_start3A_203 = arith.constant 0 : i32
      %dma_start3A_204 = tpu.memref_slice %arg2[%add3A, %dma_start3A_202, %dma_start3A_203] : memref<32x15x128xi32, #tpu.memory_space<hbm>> -> memref<1x15x128xi32, #tpu.memory_space<hbm>>
      %dma_start3A_205 = tpu.memref_squeeze %dma_start3A_204 : memref<1x15x128xi32, #tpu.memory_space<hbm>> -> memref<15x128xi32, #tpu.memory_space<hbm>>
      tpu.enqueue_dma source(%dma_start3A_205 : memref<15x128xi32, #tpu.memory_space<hbm>>) target(%arg5 : memref<15x128xi32, #tpu.memory_space<vmem>>) target_semaphore(%run_scoped3A : memref<!tpu.dma_semaphore, #tpu.memory_space<semaphore_mem>>)
      %dma_wait3A_206 = arith.constant 0 : i32
      %dma_wait3A_207 = arith.constant 0 : i32
      %dma_wait3A_208 = tpu.memref_slice %arg2[%add3A, %dma_wait3A_206, %dma_wait3A_207] : memref<32x15x128xi32, #tpu.memory_space<hbm>> -> memref<1x15x128xi32, #tpu.memory_space<hbm>>
      %dma_wait3A_209 = tpu.memref_squeeze %dma_wait3A_208 : memref<1x15x128xi32, #tpu.memory_space<hbm>> -> memref<15x128xi32, #tpu.memory_space<hbm>>
      %dma_wait3A_210 = arith.constant 0 : i32
      %dma_wait3A_211 = arith.constant 0 : i32
      %dma_wait3A_212 = tpu.memref_slice %arg2[%add3A, %dma_wait3A_210, %dma_wait3A_211] : memref<32x15x128xi32, #tpu.memory_space<hbm>> -> memref<1x15x128xi32, #tpu.memory_space<hbm>>
      %dma_wait3A_213 = tpu.memref_squeeze %dma_wait3A_212 : memref<1x15x128xi32, #tpu.memory_space<hbm>> -> memref<15x128xi32, #tpu.memory_space<hbm>>
      tpu.wait_dma2 semaphore(%run_scoped3A : memref<!tpu.dma_semaphore, #tpu.memory_space<semaphore_mem>>) src(%dma_wait3A_213 : memref<15x128xi32, #tpu.memory_space<hbm>>) dst(%arg5 : memref<15x128xi32, #tpu.memory_space<vmem>>)
      tpu.yield
    }) : () -> ()
    %dma_start3A = arith.constant 0 : i32
    %dma_start3A_3 = arith.constant 0 : i32
    %dma_start3A_4 = arith.constant 0 : i32
    %dma_start3A_5 = arith.constant 0 : i32
    %dma_start3A_6 = arith.constant 0 : i32
    %dma_start3A_7 = tpu.memref_slice %arg6[%dma_start3A_3, %dma_start3A_5, %dma_start3A_6] : memref<3x128x128xf32, #tpu.memory_space<vmem>> -> memref<1x128x128xf32, #tpu.memory_space<vmem>>
    %dma_start3A_8 = tpu.memref_squeeze %dma_start3A_7 : memref<1x128x128xf32, #tpu.memory_space<vmem>> -> memref<128x128xf32, #tpu.memory_space<vmem>>
    %dma_start3A_9 = arith.constant 0 : i32
    %dma_start3A_10 = tpu.memref_slice %arg5[%dma_start3A, %dma_start3A_9] : memref<15x128xi32, #tpu.memory_space<vmem>> -> memref<1x128xi32, #tpu.memory_space<vmem>>
    %dma_start3A_11 = tpu.memref_squeeze %dma_start3A_10 : memref<1x128xi32, #tpu.memory_space<vmem>> -> memref<128xi32, #tpu.memory_space<vmem>>
    %dma_start3A_12 = arith.constant 0 : i32
    %dma_start3A_13 = arith.constant 0 : i32
    %dma_start3A_14 = tpu.memref_slice %arg3[%dma_start3A_12, %dma_start3A_13] : memref<1000000x128xf32, #tpu.memory_space<hbm>> -> memref<1000000x128xf32, #tpu.memory_space<hbm>>
    %dma_start3A_15 = tpu.memref_slice %arg7[%dma_start3A_4] : memref<3x!tpu.dma_semaphore, #tpu.memory_space<semaphore_mem>> -> memref<1x!tpu.dma_semaphore, #tpu.memory_space<semaphore_mem>>
    %dma_start3A_16 = tpu.memref_squeeze %dma_start3A_15 : memref<1x!tpu.dma_semaphore, #tpu.memory_space<semaphore_mem>> -> memref<!tpu.dma_semaphore, #tpu.memory_space<semaphore_mem>>
    tpu.enqueue_indirect_dma source(%dma_start3A_14 : memref<1000000x128xf32, #tpu.memory_space<hbm>>) target(%dma_start3A_8 : memref<128x128xf32, #tpu.memory_space<vmem>>) offsets(%dma_start3A_11 : memref<128xi32, #tpu.memory_space<vmem>>) semaphore(%dma_start3A_16 : memref<!tpu.dma_semaphore, #tpu.memory_space<semaphore_mem>>)
    %dma_start3A_17 = arith.constant 1 : i32
    %dma_start3A_18 = arith.constant 1 : i32
    %dma_start3A_19 = arith.constant 1 : i32
    %dma_start3A_20 = arith.constant 0 : i32
    %dma_start3A_21 = arith.constant 0 : i32
    %dma_start3A_22 = tpu.memref_slice %arg6[%dma_start3A_18, %dma_start3A_20, %dma_start3A_21] : memref<3x128x128xf32, #tpu.memory_space<vmem>> -> memref<1x128x128xf32, #tpu.memory_space<vmem>>
    %dma_start3A_23 = tpu.memref_squeeze %dma_start3A_22 : memref<1x128x128xf32, #tpu.memory_space<vmem>> -> memref<128x128xf32, #tpu.memory_space<vmem>>
    %dma_start3A_24 = arith.constant 0 : i32
    %dma_start3A_25 = tpu.memref_slice %arg5[%dma_start3A_17, %dma_start3A_24] : memref<15x128xi32, #tpu.memory_space<vmem>> -> memref<1x128xi32, #tpu.memory_space<vmem>>
    %dma_start3A_26 = tpu.memref_squeeze %dma_start3A_25 : memref<1x128xi32, #tpu.memory_space<vmem>> -> memref<128xi32, #tpu.memory_space<vmem>>
    %dma_start3A_27 = arith.constant 0 : i32
    %dma_start3A_28 = arith.constant 0 : i32
    %dma_start3A_29 = tpu.memref_slice %arg3[%dma_start3A_27, %dma_start3A_28] : memref<1000000x128xf32, #tpu.memory_space<hbm>> -> memref<1000000x128xf32, #tpu.memory_space<hbm>>
    %dma_start3A_30 = tpu.memref_slice %arg7[%dma_start3A_19] : memref<3x!tpu.dma_semaphore, #tpu.memory_space<semaphore_mem>> -> memref<1x!tpu.dma_semaphore, #tpu.memory_space<semaphore_mem>>
    %dma_start3A_31 = tpu.memref_squeeze %dma_start3A_30 : memref<1x!tpu.dma_semaphore, #tpu.memory_space<semaphore_mem>> -> memref<!tpu.dma_semaphore, #tpu.memory_space<semaphore_mem>>
    tpu.enqueue_indirect_dma source(%dma_start3A_29 : memref<1000000x128xf32, #tpu.memory_space<hbm>>) target(%dma_start3A_23 : memref<128x128xf32, #tpu.memory_space<vmem>>) offsets(%dma_start3A_26 : memref<128xi32, #tpu.memory_space<vmem>>) semaphore(%dma_start3A_31 : memref<!tpu.dma_semaphore, #tpu.memory_space<semaphore_mem>>)
    %dma_start3A_32 = arith.constant 2 : i32
    %dma_start3A_33 = arith.constant 2 : i32
    %dma_start3A_34 = arith.constant 2 : i32
    %dma_start3A_35 = arith.constant 0 : i32
    %dma_start3A_36 = arith.constant 0 : i32
    %dma_start3A_37 = tpu.memref_slice %arg6[%dma_start3A_33, %dma_start3A_35, %dma_start3A_36] : memref<3x128x128xf32, #tpu.memory_space<vmem>> -> memref<1x128x128xf32, #tpu.memory_space<vmem>>
    %dma_start3A_38 = tpu.memref_squeeze %dma_start3A_37 : memref<1x128x128xf32, #tpu.memory_space<vmem>> -> memref<128x128xf32, #tpu.memory_space<vmem>>
    %dma_start3A_39 = arith.constant 0 : i32
    %dma_start3A_40 = tpu.memref_slice %arg5[%dma_start3A_32, %dma_start3A_39] : memref<15x128xi32, #tpu.memory_space<vmem>> -> memref<1x128xi32, #tpu.memory_space<vmem>>
    %dma_start3A_41 = tpu.memref_squeeze %dma_start3A_40 : memref<1x128xi32, #tpu.memory_space<vmem>> -> memref<128xi32, #tpu.memory_space<vmem>>
    %dma_start3A_42 = arith.constant 0 : i32
    %dma_start3A_43 = arith.constant 0 : i32
    %dma_start3A_44 = tpu.memref_slice %arg3[%dma_start3A_42, %dma_start3A_43] : memref<1000000x128xf32, #tpu.memory_space<hbm>> -> memref<1000000x128xf32, #tpu.memory_space<hbm>>
    %dma_start3A_45 = tpu.memref_slice %arg7[%dma_start3A_34] : memref<3x!tpu.dma_semaphore, #tpu.memory_space<semaphore_mem>> -> memref<1x!tpu.dma_semaphore, #tpu.memory_space<semaphore_mem>>
    %dma_start3A_46 = tpu.memref_squeeze %dma_start3A_45 : memref<1x!tpu.dma_semaphore, #tpu.memory_space<semaphore_mem>> -> memref<!tpu.dma_semaphore, #tpu.memory_space<semaphore_mem>>
    tpu.enqueue_indirect_dma source(%dma_start3A_44 : memref<1000000x128xf32, #tpu.memory_space<hbm>>) target(%dma_start3A_38 : memref<128x128xf32, #tpu.memory_space<vmem>>) offsets(%dma_start3A_41 : memref<128xi32, #tpu.memory_space<vmem>>) semaphore(%dma_start3A_46 : memref<!tpu.dma_semaphore, #tpu.memory_space<semaphore_mem>>)
    %scan3A = arith.constant 0 : i32
    %scan3A_47 = arith.constant 0 : i32
    %scan3A_48 = arith.constant 4 : i32
    %scan3A_49 = arith.addi %scan3A_47, %scan3A_48 : i32
    %scan3A_50 = arith.constant 1 : i32
    scf.for %scan3A_198 = %scan3A_47 to %scan3A_49 step %scan3A_50  : i32 {
      %mul3A_199 = arith.constant 3 : i32
      %mul3A_200 = arith.muli %scan3A_198, %mul3A_199 : i32
      %dma_wait3A_201 = arith.constant 0 : i32
      %dma_wait3A_202 = arith.constant 0 : i32
      %dma_wait3A_203 = arith.constant 0 : i32
      %dma_wait3A_204 = arith.constant 0 : i32
      %dma_wait3A_205 = arith.constant 0 : i32
      %dma_wait3A_206 = tpu.memref_slice %arg6[%dma_wait3A_202, %dma_wait3A_204, %dma_wait3A_205] : memref<3x128x128xf32, #tpu.memory_space<vmem>> -> memref<1x128x128xf32, #tpu.memory_space<vmem>>
      %dma_wait3A_207 = tpu.memref_squeeze %dma_wait3A_206 : memref<1x128x128xf32, #tpu.memory_space<vmem>> -> memref<128x128xf32, #tpu.memory_space<vmem>>
      %dma_wait3A_208 = arith.constant 0 : i32
      %dma_wait3A_209 = tpu.memref_slice %arg5[%dma_wait3A_201, %dma_wait3A_208] : memref<15x128xi32, #tpu.memory_space<vmem>> -> memref<1x128xi32, #tpu.memory_space<vmem>>
      %dma_wait3A_210 = tpu.memref_squeeze %dma_wait3A_209 : memref<1x128xi32, #tpu.memory_space<vmem>> -> memref<128xi32, #tpu.memory_space<vmem>>
      %dma_wait3A_211 = arith.constant 0 : i32
      %dma_wait3A_212 = arith.constant 0 : i32
      %dma_wait3A_213 = tpu.memref_slice %arg3[%dma_wait3A_211, %dma_wait3A_212] : memref<1000000x128xf32, #tpu.memory_space<hbm>> -> memref<1000000x128xf32, #tpu.memory_space<hbm>>
      %dma_wait3A_214 = tpu.memref_slice %arg7[%dma_wait3A_203] : memref<3x!tpu.dma_semaphore, #tpu.memory_space<semaphore_mem>> -> memref<1x!tpu.dma_semaphore, #tpu.memory_space<semaphore_mem>>
      %dma_wait3A_215 = tpu.memref_squeeze %dma_wait3A_214 : memref<1x!tpu.dma_semaphore, #tpu.memory_space<semaphore_mem>> -> memref<!tpu.dma_semaphore, #tpu.memory_space<semaphore_mem>>
      tpu.wait_indirect_dma semaphore(%dma_wait3A_215 : memref<!tpu.dma_semaphore, #tpu.memory_space<semaphore_mem>>) src(%dma_wait3A_213 : memref<1000000x128xf32, #tpu.memory_space<hbm>>) dst(%dma_wait3A_207 : memref<128x128xf32, #tpu.memory_space<vmem>>)
      %add3A_216 = arith.constant 0 : i32
      %add3A_217 = arith.addi %mul3A_200, %add3A_216 : i32
      %mul3A_218 = arith.constant 128 : i32
      %mul3A_219 = arith.muli %add3A_217, %mul3A_218 : i32
      %add3A_220 = arith.addi %mul3A_2, %mul3A_219 : i32
      %dma_start3A_221 = arith.constant 0 : i32
      %dma_start3A_222 = arith.constant 0 : i32
      %dma_start3A_223 = arith.constant 0 : i32
      %dma_start3A_224 = arith.constant 0 : i32
      %dma_start3A_225 = tpu.memref_slice %arg6[%dma_start3A_221, %dma_start3A_223, %dma_start3A_224] : memref<3x128x128xf32, #tpu.memory_space<vmem>> -> memref<1x128x128xf32, #tpu.memory_space<vmem>>
      %dma_start3A_226 = tpu.memref_squeeze %dma_start3A_225 : memref<1x128x128xf32, #tpu.memory_space<vmem>> -> memref<128x128xf32, #tpu.memory_space<vmem>>
      %dma_start3A_227 = arith.constant 0 : i32
      %dma_start3A_228 = tpu.memref_slice %arg4[%add3A_220, %dma_start3A_227] : memref<61440x128xf32, #tpu.memory_space<hbm>> -> memref<128x128xf32, #tpu.memory_space<hbm>>
      %dma_start3A_229 = tpu.memref_slice %arg8[%dma_start3A_222] : memref<3x!tpu.dma_semaphore, #tpu.memory_space<semaphore_mem>> -> memref<1x!tpu.dma_semaphore, #tpu.memory_space<semaphore_mem>>
      %dma_start3A_230 = tpu.memref_squeeze %dma_start3A_229 : memref<1x!tpu.dma_semaphore, #tpu.memory_space<semaphore_mem>> -> memref<!tpu.dma_semaphore, #tpu.memory_space<semaphore_mem>>
      %dma_start3A_231 = arith.constant 0 : i32
      %dma_start3A_232 = tpu.memref_slice %arg4[%add3A_220, %dma_start3A_231] : memref<61440x128xf32, #tpu.memory_space<hbm>> -> memref<128x128xf32, #tpu.memory_space<hbm>>
      %dma_start3A_233 = arith.constant 0 : i32
      %dma_start3A_234 = arith.constant 0 : i32
      %dma_start3A_235 = tpu.memref_slice %arg6[%dma_start3A_221, %dma_start3A_233, %dma_start3A_234] : memref<3x128x128xf32, #tpu.memory_space<vmem>> -> memref<1x128x128xf32, #tpu.memory_space<vmem>>
      %dma_start3A_236 = tpu.memref_squeeze %dma_start3A_235 : memref<1x128x128xf32, #tpu.memory_space<vmem>> -> memref<128x128xf32, #tpu.memory_space<vmem>>
      tpu.enqueue_dma source(%dma_start3A_236 : memref<128x128xf32, #tpu.memory_space<vmem>>) target(%dma_start3A_232 : memref<128x128xf32, #tpu.memory_space<hbm>>) target_semaphore(%dma_start3A_230 : memref<!tpu.dma_semaphore, #tpu.memory_space<semaphore_mem>>)
      %dma_wait3A_237 = arith.constant 0 : i32
      %dma_wait3A_238 = arith.constant 1 : i32
      %dma_wait3A_239 = arith.constant 1 : i32
      %dma_wait3A_240 = arith.constant 0 : i32
      %dma_wait3A_241 = arith.constant 0 : i32
      %dma_wait3A_242 = tpu.memref_slice %arg6[%dma_wait3A_238, %dma_wait3A_240, %dma_wait3A_241] : memref<3x128x128xf32, #tpu.memory_space<vmem>> -> memref<1x128x128xf32, #tpu.memory_space<vmem>>
      %dma_wait3A_243 = tpu.memref_squeeze %dma_wait3A_242 : memref<1x128x128xf32, #tpu.memory_space<vmem>> -> memref<128x128xf32, #tpu.memory_space<vmem>>
      %dma_wait3A_244 = arith.constant 0 : i32
      %dma_wait3A_245 = tpu.memref_slice %arg5[%dma_wait3A_237, %dma_wait3A_244] : memref<15x128xi32, #tpu.memory_space<vmem>> -> memref<1x128xi32, #tpu.memory_space<vmem>>
      %dma_wait3A_246 = tpu.memref_squeeze %dma_wait3A_245 : memref<1x128xi32, #tpu.memory_space<vmem>> -> memref<128xi32, #tpu.memory_space<vmem>>
      %dma_wait3A_247 = arith.constant 0 : i32
      %dma_wait3A_248 = arith.constant 0 : i32
      %dma_wait3A_249 = tpu.memref_slice %arg3[%dma_wait3A_247, %dma_wait3A_248] : memref<1000000x128xf32, #tpu.memory_space<hbm>> -> memref<1000000x128xf32, #tpu.memory_space<hbm>>
      %dma_wait3A_250 = tpu.memref_slice %arg7[%dma_wait3A_239] : memref<3x!tpu.dma_semaphore, #tpu.memory_space<semaphore_mem>> -> memref<1x!tpu.dma_semaphore, #tpu.memory_space<semaphore_mem>>
      %dma_wait3A_251 = tpu.memref_squeeze %dma_wait3A_250 : memref<1x!tpu.dma_semaphore, #tpu.memory_space<semaphore_mem>> -> memref<!tpu.dma_semaphore, #tpu.memory_space<semaphore_mem>>
      tpu.wait_indirect_dma semaphore(%dma_wait3A_251 : memref<!tpu.dma_semaphore, #tpu.memory_space<semaphore_mem>>) src(%dma_wait3A_249 : memref<1000000x128xf32, #tpu.memory_space<hbm>>) dst(%dma_wait3A_243 : memref<128x128xf32, #tpu.memory_space<vmem>>)
      %add3A_252 = arith.constant 1 : i32
      %add3A_253 = arith.addi %mul3A_200, %add3A_252 : i32
      %mul3A_254 = arith.constant 128 : i32
      %mul3A_255 = arith.muli %add3A_253, %mul3A_254 : i32
      %add3A_256 = arith.addi %mul3A_2, %mul3A_255 : i32
      %dma_start3A_257 = arith.constant 1 : i32
      %dma_start3A_258 = arith.constant 1 : i32
      %dma_start3A_259 = arith.constant 0 : i32
      %dma_start3A_260 = arith.constant 0 : i32
      %dma_start3A_261 = tpu.memref_slice %arg6[%dma_start3A_257, %dma_start3A_259, %dma_start3A_260] : memref<3x128x128xf32, #tpu.memory_space<vmem>> -> memref<1x128x128xf32, #tpu.memory_space<vmem>>
      %dma_start3A_262 = tpu.memref_squeeze %dma_start3A_261 : memref<1x128x128xf32, #tpu.memory_space<vmem>> -> memref<128x128xf32, #tpu.memory_space<vmem>>
      %dma_start3A_263 = arith.constant 0 : i32
      %dma_start3A_264 = tpu.memref_slice %arg4[%add3A_256, %dma_start3A_263] : memref<61440x128xf32, #tpu.memory_space<hbm>> -> memref<128x128xf32, #tpu.memory_space<hbm>>
      %dma_start3A_265 = tpu.memref_slice %arg8[%dma_start3A_258] : memref<3x!tpu.dma_semaphore, #tpu.memory_space<semaphore_mem>> -> memref<1x!tpu.dma_semaphore, #tpu.memory_space<semaphore_mem>>
      %dma_start3A_266 = tpu.memref_squeeze %dma_start3A_265 : memref<1x!tpu.dma_semaphore, #tpu.memory_space<semaphore_mem>> -> memref<!tpu.dma_semaphore, #tpu.memory_space<semaphore_mem>>
      %dma_start3A_267 = arith.constant 0 : i32
      %dma_start3A_268 = tpu.memref_slice %arg4[%add3A_256, %dma_start3A_267] : memref<61440x128xf32, #tpu.memory_space<hbm>> -> memref<128x128xf32, #tpu.memory_space<hbm>>
      %dma_start3A_269 = arith.constant 0 : i32
      %dma_start3A_270 = arith.constant 0 : i32
      %dma_start3A_271 = tpu.memref_slice %arg6[%dma_start3A_257, %dma_start3A_269, %dma_start3A_270] : memref<3x128x128xf32, #tpu.memory_space<vmem>> -> memref<1x128x128xf32, #tpu.memory_space<vmem>>
      %dma_start3A_272 = tpu.memref_squeeze %dma_start3A_271 : memref<1x128x128xf32, #tpu.memory_space<vmem>> -> memref<128x128xf32, #tpu.memory_space<vmem>>
      tpu.enqueue_dma source(%dma_start3A_272 : memref<128x128xf32, #tpu.memory_space<vmem>>) target(%dma_start3A_268 : memref<128x128xf32, #tpu.memory_space<hbm>>) target_semaphore(%dma_start3A_266 : memref<!tpu.dma_semaphore, #tpu.memory_space<semaphore_mem>>)
      %dma_wait3A_273 = arith.constant 0 : i32
      %dma_wait3A_274 = arith.constant 2 : i32
      %dma_wait3A_275 = arith.constant 2 : i32
      %dma_wait3A_276 = arith.constant 0 : i32
      %dma_wait3A_277 = arith.constant 0 : i32
      %dma_wait3A_278 = tpu.memref_slice %arg6[%dma_wait3A_274, %dma_wait3A_276, %dma_wait3A_277] : memref<3x128x128xf32, #tpu.memory_space<vmem>> -> memref<1x128x128xf32, #tpu.memory_space<vmem>>
      %dma_wait3A_279 = tpu.memref_squeeze %dma_wait3A_278 : memref<1x128x128xf32, #tpu.memory_space<vmem>> -> memref<128x128xf32, #tpu.memory_space<vmem>>
      %dma_wait3A_280 = arith.constant 0 : i32
      %dma_wait3A_281 = tpu.memref_slice %arg5[%dma_wait3A_273, %dma_wait3A_280] : memref<15x128xi32, #tpu.memory_space<vmem>> -> memref<1x128xi32, #tpu.memory_space<vmem>>
      %dma_wait3A_282 = tpu.memref_squeeze %dma_wait3A_281 : memref<1x128xi32, #tpu.memory_space<vmem>> -> memref<128xi32, #tpu.memory_space<vmem>>
      %dma_wait3A_283 = arith.constant 0 : i32
      %dma_wait3A_284 = arith.constant 0 : i32
      %dma_wait3A_285 = tpu.memref_slice %arg3[%dma_wait3A_283, %dma_wait3A_284] : memref<1000000x128xf32, #tpu.memory_space<hbm>> -> memref<1000000x128xf32, #tpu.memory_space<hbm>>
      %dma_wait3A_286 = tpu.memref_slice %arg7[%dma_wait3A_275] : memref<3x!tpu.dma_semaphore, #tpu.memory_space<semaphore_mem>> -> memref<1x!tpu.dma_semaphore, #tpu.memory_space<semaphore_mem>>
      %dma_wait3A_287 = tpu.memref_squeeze %dma_wait3A_286 : memref<1x!tpu.dma_semaphore, #tpu.memory_space<semaphore_mem>> -> memref<!tpu.dma_semaphore, #tpu.memory_space<semaphore_mem>>
      tpu.wait_indirect_dma semaphore(%dma_wait3A_287 : memref<!tpu.dma_semaphore, #tpu.memory_space<semaphore_mem>>) src(%dma_wait3A_285 : memref<1000000x128xf32, #tpu.memory_space<hbm>>) dst(%dma_wait3A_279 : memref<128x128xf32, #tpu.memory_space<vmem>>)
      %add3A_288 = arith.constant 2 : i32
      %add3A_289 = arith.addi %mul3A_200, %add3A_288 : i32
      %mul3A_290 = arith.constant 128 : i32
      %mul3A_291 = arith.muli %add3A_289, %mul3A_290 : i32
      %add3A_292 = arith.addi %mul3A_2, %mul3A_291 : i32
      %dma_start3A_293 = arith.constant 2 : i32
      %dma_start3A_294 = arith.constant 2 : i32
      %dma_start3A_295 = arith.constant 0 : i32
      %dma_start3A_296 = arith.constant 0 : i32
      %dma_start3A_297 = tpu.memref_slice %arg6[%dma_start3A_293, %dma_start3A_295, %dma_start3A_296] : memref<3x128x128xf32, #tpu.memory_space<vmem>> -> memref<1x128x128xf32, #tpu.memory_space<vmem>>
      %dma_start3A_298 = tpu.memref_squeeze %dma_start3A_297 : memref<1x128x128xf32, #tpu.memory_space<vmem>> -> memref<128x128xf32, #tpu.memory_space<vmem>>
      %dma_start3A_299 = arith.constant 0 : i32
      %dma_start3A_300 = tpu.memref_slice %arg4[%add3A_292, %dma_start3A_299] : memref<61440x128xf32, #tpu.memory_space<hbm>> -> memref<128x128xf32, #tpu.memory_space<hbm>>
      %dma_start3A_301 = tpu.memref_slice %arg8[%dma_start3A_294] : memref<3x!tpu.dma_semaphore, #tpu.memory_space<semaphore_mem>> -> memref<1x!tpu.dma_semaphore, #tpu.memory_space<semaphore_mem>>
      %dma_start3A_302 = tpu.memref_squeeze %dma_start3A_301 : memref<1x!tpu.dma_semaphore, #tpu.memory_space<semaphore_mem>> -> memref<!tpu.dma_semaphore, #tpu.memory_space<semaphore_mem>>
      %dma_start3A_303 = arith.constant 0 : i32
      %dma_start3A_304 = tpu.memref_slice %arg4[%add3A_292, %dma_start3A_303] : memref<61440x128xf32, #tpu.memory_space<hbm>> -> memref<128x128xf32, #tpu.memory_space<hbm>>
      %dma_start3A_305 = arith.constant 0 : i32
      %dma_start3A_306 = arith.constant 0 : i32
      %dma_start3A_307 = tpu.memref_slice %arg6[%dma_start3A_293, %dma_start3A_305, %dma_start3A_306] : memref<3x128x128xf32, #tpu.memory_space<vmem>> -> memref<1x128x128xf32, #tpu.memory_space<vmem>>
      %dma_start3A_308 = tpu.memref_squeeze %dma_start3A_307 : memref<1x128x128xf32, #tpu.memory_space<vmem>> -> memref<128x128xf32, #tpu.memory_space<vmem>>
      tpu.enqueue_dma source(%dma_start3A_308 : memref<128x128xf32, #tpu.memory_space<vmem>>) target(%dma_start3A_304 : memref<128x128xf32, #tpu.memory_space<hbm>>) target_semaphore(%dma_start3A_302 : memref<!tpu.dma_semaphore, #tpu.memory_space<semaphore_mem>>)
      %dma_wait3A_309 = arith.constant 0 : i32
      %dma_wait3A_310 = arith.constant 0 : i32
      %dma_wait3A_311 = arith.constant 0 : i32
      %dma_wait3A_312 = arith.constant 0 : i32
      %dma_wait3A_313 = tpu.memref_slice %arg6[%dma_wait3A_309, %dma_wait3A_311, %dma_wait3A_312] : memref<3x128x128xf32, #tpu.memory_space<vmem>> -> memref<1x128x128xf32, #tpu.memory_space<vmem>>
      %dma_wait3A_314 = tpu.memref_squeeze %dma_wait3A_313 : memref<1x128x128xf32, #tpu.memory_space<vmem>> -> memref<128x128xf32, #tpu.memory_space<vmem>>
      %dma_wait3A_315 = arith.constant 0 : i32
      %dma_wait3A_316 = tpu.memref_slice %arg4[%mul3A_2, %dma_wait3A_315] : memref<61440x128xf32, #tpu.memory_space<hbm>> -> memref<128x128xf32, #tpu.memory_space<hbm>>
      %dma_wait3A_317 = tpu.memref_slice %arg8[%dma_wait3A_310] : memref<3x!tpu.dma_semaphore, #tpu.memory_space<semaphore_mem>> -> memref<1x!tpu.dma_semaphore, #tpu.memory_space<semaphore_mem>>
      %dma_wait3A_318 = tpu.memref_squeeze %dma_wait3A_317 : memref<1x!tpu.dma_semaphore, #tpu.memory_space<semaphore_mem>> -> memref<!tpu.dma_semaphore, #tpu.memory_space<semaphore_mem>>
      %dma_wait3A_319 = arith.constant 0 : i32
      %dma_wait3A_320 = tpu.memref_slice %arg4[%mul3A_2, %dma_wait3A_319] : memref<61440x128xf32, #tpu.memory_space<hbm>> -> memref<128x128xf32, #tpu.memory_space<hbm>>
      %dma_wait3A_321 = arith.constant 0 : i32
      %dma_wait3A_322 = arith.constant 0 : i32
      %dma_wait3A_323 = tpu.memref_slice %arg6[%dma_wait3A_309, %dma_wait3A_321, %dma_wait3A_322] : memref<3x128x128xf32, #tpu.memory_space<vmem>> -> memref<1x128x128xf32, #tpu.memory_space<vmem>>
      %dma_wait3A_324 = tpu.memref_squeeze %dma_wait3A_323 : memref<1x128x128xf32, #tpu.memory_space<vmem>> -> memref<128x128xf32, #tpu.memory_space<vmem>>
      tpu.wait_dma2 semaphore(%dma_wait3A_318 : memref<!tpu.dma_semaphore, #tpu.memory_space<semaphore_mem>>) src(%dma_wait3A_324 : memref<128x128xf32, #tpu.memory_space<vmem>>) dst(%dma_wait3A_320 : memref<128x128xf32, #tpu.memory_space<hbm>>)
      %add3A_325 = arith.constant 3 : i32
      %add3A_326 = arith.addi %mul3A_200, %add3A_325 : i32
      %add3A_327 = arith.constant 0 : i32
      %add3A_328 = arith.addi %add3A_326, %add3A_327 : i32
      %dma_start3A_329 = arith.constant 0 : i32
      %dma_start3A_330 = arith.constant 0 : i32
      %dma_start3A_331 = arith.constant 0 : i32
      %dma_start3A_332 = arith.constant 0 : i32
      %dma_start3A_333 = tpu.memref_slice %arg6[%dma_start3A_329, %dma_start3A_331, %dma_start3A_332] : memref<3x128x128xf32, #tpu.memory_space<vmem>> -> memref<1x128x128xf32, #tpu.memory_space<vmem>>
      %dma_start3A_334 = tpu.memref_squeeze %dma_start3A_333 : memref<1x128x128xf32, #tpu.memory_space<vmem>> -> memref<128x128xf32, #tpu.memory_space<vmem>>
      %dma_start3A_335 = arith.constant 0 : i32
      %dma_start3A_336 = tpu.memref_slice %arg5[%add3A_328, %dma_start3A_335] : memref<15x128xi32, #tpu.memory_space<vmem>> -> memref<1x128xi32, #tpu.memory_space<vmem>>
      %dma_start3A_337 = tpu.memref_squeeze %dma_start3A_336 : memref<1x128xi32, #tpu.memory_space<vmem>> -> memref<128xi32, #tpu.memory_space<vmem>>
      %dma_start3A_338 = arith.constant 0 : i32
      %dma_start3A_339 = arith.constant 0 : i32
      %dma_start3A_340 = tpu.memref_slice %arg3[%dma_start3A_338, %dma_start3A_339] : memref<1000000x128xf32, #tpu.memory_space<hbm>> -> memref<1000000x128xf32, #tpu.memory_space<hbm>>
      %dma_start3A_341 = tpu.memref_slice %arg7[%dma_start3A_330] : memref<3x!tpu.dma_semaphore, #tpu.memory_space<semaphore_mem>> -> memref<1x!tpu.dma_semaphore, #tpu.memory_space<semaphore_mem>>
      %dma_start3A_342 = tpu.memref_squeeze %dma_start3A_341 : memref<1x!tpu.dma_semaphore, #tpu.memory_space<semaphore_mem>> -> memref<!tpu.dma_semaphore, #tpu.memory_space<semaphore_mem>>
      tpu.enqueue_indirect_dma source(%dma_start3A_340 : memref<1000000x128xf32, #tpu.memory_space<hbm>>) target(%dma_start3A_334 : memref<128x128xf32, #tpu.memory_space<vmem>>) offsets(%dma_start3A_337 : memref<128xi32, #tpu.memory_space<vmem>>) semaphore(%dma_start3A_342 : memref<!tpu.dma_semaphore, #tpu.memory_space<semaphore_mem>>)
      %dma_wait3A_343 = arith.constant 1 : i32
      %dma_wait3A_344 = arith.constant 1 : i32
      %dma_wait3A_345 = arith.constant 0 : i32
      %dma_wait3A_346 = arith.constant 0 : i32
      %dma_wait3A_347 = tpu.memref_slice %arg6[%dma_wait3A_343, %dma_wait3A_345, %dma_wait3A_346] : memref<3x128x128xf32, #tpu.memory_space<vmem>> -> memref<1x128x128xf32, #tpu.memory_space<vmem>>
      %dma_wait3A_348 = tpu.memref_squeeze %dma_wait3A_347 : memref<1x128x128xf32, #tpu.memory_space<vmem>> -> memref<128x128xf32, #tpu.memory_space<vmem>>
      %dma_wait3A_349 = arith.constant 0 : i32
      %dma_wait3A_350 = tpu.memref_slice %arg4[%mul3A_2, %dma_wait3A_349] : memref<61440x128xf32, #tpu.memory_space<hbm>> -> memref<128x128xf32, #tpu.memory_space<hbm>>
      %dma_wait3A_351 = tpu.memref_slice %arg8[%dma_wait3A_344] : memref<3x!tpu.dma_semaphore, #tpu.memory_space<semaphore_mem>> -> memref<1x!tpu.dma_semaphore, #tpu.memory_space<semaphore_mem>>
      %dma_wait3A_352 = tpu.memref_squeeze %dma_wait3A_351 : memref<1x!tpu.dma_semaphore, #tpu.memory_space<semaphore_mem>> -> memref<!tpu.dma_semaphore, #tpu.memory_space<semaphore_mem>>
      %dma_wait3A_353 = arith.constant 0 : i32
      %dma_wait3A_354 = tpu.memref_slice %arg4[%mul3A_2, %dma_wait3A_353] : memref<61440x128xf32, #tpu.memory_space<hbm>> -> memref<128x128xf32, #tpu.memory_space<hbm>>
      %dma_wait3A_355 = arith.constant 0 : i32
      %dma_wait3A_356 = arith.constant 0 : i32
      %dma_wait3A_357 = tpu.memref_slice %arg6[%dma_wait3A_343, %dma_wait3A_355, %dma_wait3A_356] : memref<3x128x128xf32, #tpu.memory_space<vmem>> -> memref<1x128x128xf32, #tpu.memory_space<vmem>>
      %dma_wait3A_358 = tpu.memref_squeeze %dma_wait3A_357 : memref<1x128x128xf32, #tpu.memory_space<vmem>> -> memref<128x128xf32, #tpu.memory_space<vmem>>
      tpu.wait_dma2 semaphore(%dma_wait3A_352 : memref<!tpu.dma_semaphore, #tpu.memory_space<semaphore_mem>>) src(%dma_wait3A_358 : memref<128x128xf32, #tpu.memory_space<vmem>>) dst(%dma_wait3A_354 : memref<128x128xf32, #tpu.memory_space<hbm>>)
      %add3A_359 = arith.constant 3 : i32
      %add3A_360 = arith.addi %mul3A_200, %add3A_359 : i32
      %add3A_361 = arith.constant 1 : i32
      %add3A_362 = arith.addi %add3A_360, %add3A_361 : i32
      %dma_start3A_363 = arith.constant 1 : i32
      %dma_start3A_364 = arith.constant 1 : i32
      %dma_start3A_365 = arith.constant 0 : i32
      %dma_start3A_366 = arith.constant 0 : i32
      %dma_start3A_367 = tpu.memref_slice %arg6[%dma_start3A_363, %dma_start3A_365, %dma_start3A_366] : memref<3x128x128xf32, #tpu.memory_space<vmem>> -> memref<1x128x128xf32, #tpu.memory_space<vmem>>
      %dma_start3A_368 = tpu.memref_squeeze %dma_start3A_367 : memref<1x128x128xf32, #tpu.memory_space<vmem>> -> memref<128x128xf32, #tpu.memory_space<vmem>>
      %dma_start3A_369 = arith.constant 0 : i32
      %dma_start3A_370 = tpu.memref_slice %arg5[%add3A_362, %dma_start3A_369] : memref<15x128xi32, #tpu.memory_space<vmem>> -> memref<1x128xi32, #tpu.memory_space<vmem>>
      %dma_start3A_371 = tpu.memref_squeeze %dma_start3A_370 : memref<1x128xi32, #tpu.memory_space<vmem>> -> memref<128xi32, #tpu.memory_space<vmem>>
      %dma_start3A_372 = arith.constant 0 : i32
      %dma_start3A_373 = arith.constant 0 : i32
      %dma_start3A_374 = tpu.memref_slice %arg3[%dma_start3A_372, %dma_start3A_373] : memref<1000000x128xf32, #tpu.memory_space<hbm>> -> memref<1000000x128xf32, #tpu.memory_space<hbm>>
      %dma_start3A_375 = tpu.memref_slice %arg7[%dma_start3A_364] : memref<3x!tpu.dma_semaphore, #tpu.memory_space<semaphore_mem>> -> memref<1x!tpu.dma_semaphore, #tpu.memory_space<semaphore_mem>>
      %dma_start3A_376 = tpu.memref_squeeze %dma_start3A_375 : memref<1x!tpu.dma_semaphore, #tpu.memory_space<semaphore_mem>> -> memref<!tpu.dma_semaphore, #tpu.memory_space<semaphore_mem>>
      tpu.enqueue_indirect_dma source(%dma_start3A_374 : memref<1000000x128xf32, #tpu.memory_space<hbm>>) target(%dma_start3A_368 : memref<128x128xf32, #tpu.memory_space<vmem>>) offsets(%dma_start3A_371 : memref<128xi32, #tpu.memory_space<vmem>>) semaphore(%dma_start3A_376 : memref<!tpu.dma_semaphore, #tpu.memory_space<semaphore_mem>>)
      %dma_wait3A_377 = arith.constant 2 : i32
      %dma_wait3A_378 = arith.constant 2 : i32
      %dma_wait3A_379 = arith.constant 0 : i32
      %dma_wait3A_380 = arith.constant 0 : i32
      %dma_wait3A_381 = tpu.memref_slice %arg6[%dma_wait3A_377, %dma_wait3A_379, %dma_wait3A_380] : memref<3x128x128xf32, #tpu.memory_space<vmem>> -> memref<1x128x128xf32, #tpu.memory_space<vmem>>
      %dma_wait3A_382 = tpu.memref_squeeze %dma_wait3A_381 : memref<1x128x128xf32, #tpu.memory_space<vmem>> -> memref<128x128xf32, #tpu.memory_space<vmem>>
      %dma_wait3A_383 = arith.constant 0 : i32
      %dma_wait3A_384 = tpu.memref_slice %arg4[%mul3A_2, %dma_wait3A_383] : memref<61440x128xf32, #tpu.memory_space<hbm>> -> memref<128x128xf32, #tpu.memory_space<hbm>>
      %dma_wait3A_385 = tpu.memref_slice %arg8[%dma_wait3A_378] : memref<3x!tpu.dma_semaphore, #tpu.memory_space<semaphore_mem>> -> memref<1x!tpu.dma_semaphore, #tpu.memory_space<semaphore_mem>>
      %dma_wait3A_386 = tpu.memref_squeeze %dma_wait3A_385 : memref<1x!tpu.dma_semaphore, #tpu.memory_space<semaphore_mem>> -> memref<!tpu.dma_semaphore, #tpu.memory_space<semaphore_mem>>
      %dma_wait3A_387 = arith.constant 0 : i32
      %dma_wait3A_388 = tpu.memref_slice %arg4[%mul3A_2, %dma_wait3A_387] : memref<61440x128xf32, #tpu.memory_space<hbm>> -> memref<128x128xf32, #tpu.memory_space<hbm>>
      %dma_wait3A_389 = arith.constant 0 : i32
      %dma_wait3A_390 = arith.constant 0 : i32
      %dma_wait3A_391 = tpu.memref_slice %arg6[%dma_wait3A_377, %dma_wait3A_389, %dma_wait3A_390] : memref<3x128x128xf32, #tpu.memory_space<vmem>> -> memref<1x128x128xf32, #tpu.memory_space<vmem>>
      %dma_wait3A_392 = tpu.memref_squeeze %dma_wait3A_391 : memref<1x128x128xf32, #tpu.memory_space<vmem>> -> memref<128x128xf32, #tpu.memory_space<vmem>>
      tpu.wait_dma2 semaphore(%dma_wait3A_386 : memref<!tpu.dma_semaphore, #tpu.memory_space<semaphore_mem>>) src(%dma_wait3A_392 : memref<128x128xf32, #tpu.memory_space<vmem>>) dst(%dma_wait3A_388 : memref<128x128xf32, #tpu.memory_space<hbm>>)
      %add3A_393 = arith.constant 3 : i32
      %add3A_394 = arith.addi %mul3A_200, %add3A_393 : i32
      %add3A_395 = arith.constant 2 : i32
      %add3A_396 = arith.addi %add3A_394, %add3A_395 : i32
      %dma_start3A_397 = arith.constant 2 : i32
      %dma_start3A_398 = arith.constant 2 : i32
      %dma_start3A_399 = arith.constant 0 : i32
      %dma_start3A_400 = arith.constant 0 : i32
      %dma_start3A_401 = tpu.memref_slice %arg6[%dma_start3A_397, %dma_start3A_399, %dma_start3A_400] : memref<3x128x128xf32, #tpu.memory_space<vmem>> -> memref<1x128x128xf32, #tpu.memory_space<vmem>>
      %dma_start3A_402 = tpu.memref_squeeze %dma_start3A_401 : memref<1x128x128xf32, #tpu.memory_space<vmem>> -> memref<128x128xf32, #tpu.memory_space<vmem>>
      %dma_start3A_403 = arith.constant 0 : i32
      %dma_start3A_404 = tpu.memref_slice %arg5[%add3A_396, %dma_start3A_403] : memref<15x128xi32, #tpu.memory_space<vmem>> -> memref<1x128xi32, #tpu.memory_space<vmem>>
      %dma_start3A_405 = tpu.memref_squeeze %dma_start3A_404 : memref<1x128xi32, #tpu.memory_space<vmem>> -> memref<128xi32, #tpu.memory_space<vmem>>
      %dma_start3A_406 = arith.constant 0 : i32
      %dma_start3A_407 = arith.constant 0 : i32
      %dma_start3A_408 = tpu.memref_slice %arg3[%dma_start3A_406, %dma_start3A_407] : memref<1000000x128xf32, #tpu.memory_space<hbm>> -> memref<1000000x128xf32, #tpu.memory_space<hbm>>
      %dma_start3A_409 = tpu.memref_slice %arg7[%dma_start3A_398] : memref<3x!tpu.dma_semaphore, #tpu.memory_space<semaphore_mem>> -> memref<1x!tpu.dma_semaphore, #tpu.memory_space<semaphore_mem>>
      %dma_start3A_410 = tpu.memref_squeeze %dma_start3A_409 : memref<1x!tpu.dma_semaphore, #tpu.memory_space<semaphore_mem>> -> memref<!tpu.dma_semaphore, #tpu.memory_space<semaphore_mem>>
      tpu.enqueue_indirect_dma source(%dma_start3A_408 : memref<1000000x128xf32, #tpu.memory_space<hbm>>) target(%dma_start3A_402 : memref<128x128xf32, #tpu.memory_space<vmem>>) offsets(%dma_start3A_405 : memref<128xi32, #tpu.memory_space<vmem>>) semaphore(%dma_start3A_410 : memref<!tpu.dma_semaphore, #tpu.memory_space<semaphore_mem>>)
    }
    %scan3A_51 = arith.constant 4 : i32
    %dma_wait3A = arith.constant 0 : i32
    %dma_wait3A_52 = arith.constant 0 : i32
    %dma_wait3A_53 = arith.constant 0 : i32
    %dma_wait3A_54 = arith.constant 0 : i32
    %dma_wait3A_55 = arith.constant 0 : i32
    %dma_wait3A_56 = tpu.memref_slice %arg6[%dma_wait3A_52, %dma_wait3A_54, %dma_wait3A_55] : memref<3x128x128xf32, #tpu.memory_space<vmem>> -> memref<1x128x128xf32, #tpu.memory_space<vmem>>
    %dma_wait3A_57 = tpu.memref_squeeze %dma_wait3A_56 : memref<1x128x128xf32, #tpu.memory_space<vmem>> -> memref<128x128xf32, #tpu.memory_space<vmem>>
    %dma_wait3A_58 = arith.constant 0 : i32
    %dma_wait3A_59 = tpu.memref_slice %arg5[%dma_wait3A, %dma_wait3A_58] : memref<15x128xi32, #tpu.memory_space<vmem>> -> memref<1x128xi32, #tpu.memory_space<vmem>>
    %dma_wait3A_60 = tpu.memref_squeeze %dma_wait3A_59 : memref<1x128xi32, #tpu.memory_space<vmem>> -> memref<128xi32, #tpu.memory_space<vmem>>
    %dma_wait3A_61 = arith.constant 0 : i32
    %dma_wait3A_62 = arith.constant 0 : i32
    %dma_wait3A_63 = tpu.memref_slice %arg3[%dma_wait3A_61, %dma_wait3A_62] : memref<1000000x128xf32, #tpu.memory_space<hbm>> -> memref<1000000x128xf32, #tpu.memory_space<hbm>>
    %dma_wait3A_64 = tpu.memref_slice %arg7[%dma_wait3A_53] : memref<3x!tpu.dma_semaphore, #tpu.memory_space<semaphore_mem>> -> memref<1x!tpu.dma_semaphore, #tpu.memory_space<semaphore_mem>>
    %dma_wait3A_65 = tpu.memref_squeeze %dma_wait3A_64 : memref<1x!tpu.dma_semaphore, #tpu.memory_space<semaphore_mem>> -> memref<!tpu.dma_semaphore, #tpu.memory_space<semaphore_mem>>
    tpu.wait_indirect_dma semaphore(%dma_wait3A_65 : memref<!tpu.dma_semaphore, #tpu.memory_space<semaphore_mem>>) src(%dma_wait3A_63 : memref<1000000x128xf32, #tpu.memory_space<hbm>>) dst(%dma_wait3A_57 : memref<128x128xf32, #tpu.memory_space<vmem>>)
    %add3A_66 = arith.constant 1536 : i32
    %add3A_67 = arith.addi %mul3A_2, %add3A_66 : i32
    %dma_start3A_68 = arith.constant 0 : i32
    %dma_start3A_69 = arith.constant 0 : i32
    %dma_start3A_70 = arith.constant 0 : i32
    %dma_start3A_71 = arith.constant 0 : i32
    %dma_start3A_72 = tpu.memref_slice %arg6[%dma_start3A_68, %dma_start3A_70, %dma_start3A_71] : memref<3x128x128xf32, #tpu.memory_space<vmem>> -> memref<1x128x128xf32, #tpu.memory_space<vmem>>
    %dma_start3A_73 = tpu.memref_squeeze %dma_start3A_72 : memref<1x128x128xf32, #tpu.memory_space<vmem>> -> memref<128x128xf32, #tpu.memory_space<vmem>>
    %dma_start3A_74 = arith.constant 0 : i32
    %dma_start3A_75 = tpu.memref_slice %arg4[%add3A_67, %dma_start3A_74] : memref<61440x128xf32, #tpu.memory_space<hbm>> -> memref<128x128xf32, #tpu.memory_space<hbm>>
    %dma_start3A_76 = tpu.memref_slice %arg8[%dma_start3A_69] : memref<3x!tpu.dma_semaphore, #tpu.memory_space<semaphore_mem>> -> memref<1x!tpu.dma_semaphore, #tpu.memory_space<semaphore_mem>>
    %dma_start3A_77 = tpu.memref_squeeze %dma_start3A_76 : memref<1x!tpu.dma_semaphore, #tpu.memory_space<semaphore_mem>> -> memref<!tpu.dma_semaphore, #tpu.memory_space<semaphore_mem>>
    %dma_start3A_78 = arith.constant 0 : i32
    %dma_start3A_79 = tpu.memref_slice %arg4[%add3A_67, %dma_start3A_78] : memref<61440x128xf32, #tpu.memory_space<hbm>> -> memref<128x128xf32, #tpu.memory_space<hbm>>
    %dma_start3A_80 = arith.constant 0 : i32
    %dma_start3A_81 = arith.constant 0 : i32
    %dma_start3A_82 = tpu.memref_slice %arg6[%dma_start3A_68, %dma_start3A_80, %dma_start3A_81] : memref<3x128x128xf32, #tpu.memory_space<vmem>> -> memref<1x128x128xf32, #tpu.memory_space<vmem>>
    %dma_start3A_83 = tpu.memref_squeeze %dma_start3A_82 : memref<1x128x128xf32, #tpu.memory_space<vmem>> -> memref<128x128xf32, #tpu.memory_space<vmem>>
    tpu.enqueue_dma source(%dma_start3A_83 : memref<128x128xf32, #tpu.memory_space<vmem>>) target(%dma_start3A_79 : memref<128x128xf32, #tpu.memory_space<hbm>>) target_semaphore(%dma_start3A_77 : memref<!tpu.dma_semaphore, #tpu.memory_space<semaphore_mem>>)
    %dma_wait3A_84 = arith.constant 0 : i32
    %dma_wait3A_85 = arith.constant 1 : i32
    %dma_wait3A_86 = arith.constant 1 : i32
    %dma_wait3A_87 = arith.constant 0 : i32
    %dma_wait3A_88 = arith.constant 0 : i32
    %dma_wait3A_89 = tpu.memref_slice %arg6[%dma_wait3A_85, %dma_wait3A_87, %dma_wait3A_88] : memref<3x128x128xf32, #tpu.memory_space<vmem>> -> memref<1x128x128xf32, #tpu.memory_space<vmem>>
    %dma_wait3A_90 = tpu.memref_squeeze %dma_wait3A_89 : memref<1x128x128xf32, #tpu.memory_space<vmem>> -> memref<128x128xf32, #tpu.memory_space<vmem>>
    %dma_wait3A_91 = arith.constant 0 : i32
    %dma_wait3A_92 = tpu.memref_slice %arg5[%dma_wait3A_84, %dma_wait3A_91] : memref<15x128xi32, #tpu.memory_space<vmem>> -> memref<1x128xi32, #tpu.memory_space<vmem>>
    %dma_wait3A_93 = tpu.memref_squeeze %dma_wait3A_92 : memref<1x128xi32, #tpu.memory_space<vmem>> -> memref<128xi32, #tpu.memory_space<vmem>>
    %dma_wait3A_94 = arith.constant 0 : i32
    %dma_wait3A_95 = arith.constant 0 : i32
    %dma_wait3A_96 = tpu.memref_slice %arg3[%dma_wait3A_94, %dma_wait3A_95] : memref<1000000x128xf32, #tpu.memory_space<hbm>> -> memref<1000000x128xf32, #tpu.memory_space<hbm>>
    %dma_wait3A_97 = tpu.memref_slice %arg7[%dma_wait3A_86] : memref<3x!tpu.dma_semaphore, #tpu.memory_space<semaphore_mem>> -> memref<1x!tpu.dma_semaphore, #tpu.memory_space<semaphore_mem>>
    %dma_wait3A_98 = tpu.memref_squeeze %dma_wait3A_97 : memref<1x!tpu.dma_semaphore, #tpu.memory_space<semaphore_mem>> -> memref<!tpu.dma_semaphore, #tpu.memory_space<semaphore_mem>>
    tpu.wait_indirect_dma semaphore(%dma_wait3A_98 : memref<!tpu.dma_semaphore, #tpu.memory_space<semaphore_mem>>) src(%dma_wait3A_96 : memref<1000000x128xf32, #tpu.memory_space<hbm>>) dst(%dma_wait3A_90 : memref<128x128xf32, #tpu.memory_space<vmem>>)
    %add3A_99 = arith.constant 1664 : i32
    %add3A_100 = arith.addi %mul3A_2, %add3A_99 : i32
    %dma_start3A_101 = arith.constant 1 : i32
    %dma_start3A_102 = arith.constant 1 : i32
    %dma_start3A_103 = arith.constant 0 : i32
    %dma_start3A_104 = arith.constant 0 : i32
    %dma_start3A_105 = tpu.memref_slice %arg6[%dma_start3A_101, %dma_start3A_103, %dma_start3A_104] : memref<3x128x128xf32, #tpu.memory_space<vmem>> -> memref<1x128x128xf32, #tpu.memory_space<vmem>>
    %dma_start3A_106 = tpu.memref_squeeze %dma_start3A_105 : memref<1x128x128xf32, #tpu.memory_space<vmem>> -> memref<128x128xf32, #tpu.memory_space<vmem>>
    %dma_start3A_107 = arith.constant 0 : i32
    %dma_start3A_108 = tpu.memref_slice %arg4[%add3A_100, %dma_start3A_107] : memref<61440x128xf32, #tpu.memory_space<hbm>> -> memref<128x128xf32, #tpu.memory_space<hbm>>
    %dma_start3A_109 = tpu.memref_slice %arg8[%dma_start3A_102] : memref<3x!tpu.dma_semaphore, #tpu.memory_space<semaphore_mem>> -> memref<1x!tpu.dma_semaphore, #tpu.memory_space<semaphore_mem>>
    %dma_start3A_110 = tpu.memref_squeeze %dma_start3A_109 : memref<1x!tpu.dma_semaphore, #tpu.memory_space<semaphore_mem>> -> memref<!tpu.dma_semaphore, #tpu.memory_space<semaphore_mem>>
    %dma_start3A_111 = arith.constant 0 : i32
    %dma_start3A_112 = tpu.memref_slice %arg4[%add3A_100, %dma_start3A_111] : memref<61440x128xf32, #tpu.memory_space<hbm>> -> memref<128x128xf32, #tpu.memory_space<hbm>>
    %dma_start3A_113 = arith.constant 0 : i32
    %dma_start3A_114 = arith.constant 0 : i32
    %dma_start3A_115 = tpu.memref_slice %arg6[%dma_start3A_101, %dma_start3A_113, %dma_start3A_114] : memref<3x128x128xf32, #tpu.memory_space<vmem>> -> memref<1x128x128xf32, #tpu.memory_space<vmem>>
    %dma_start3A_116 = tpu.memref_squeeze %dma_start3A_115 : memref<1x128x128xf32, #tpu.memory_space<vmem>> -> memref<128x128xf32, #tpu.memory_space<vmem>>
    tpu.enqueue_dma source(%dma_start3A_116 : memref<128x128xf32, #tpu.memory_space<vmem>>) target(%dma_start3A_112 : memref<128x128xf32, #tpu.memory_space<hbm>>) target_semaphore(%dma_start3A_110 : memref<!tpu.dma_semaphore, #tpu.memory_space<semaphore_mem>>)
    %dma_wait3A_117 = arith.constant 0 : i32
    %dma_wait3A_118 = arith.constant 2 : i32
    %dma_wait3A_119 = arith.constant 2 : i32
    %dma_wait3A_120 = arith.constant 0 : i32
    %dma_wait3A_121 = arith.constant 0 : i32
    %dma_wait3A_122 = tpu.memref_slice %arg6[%dma_wait3A_118, %dma_wait3A_120, %dma_wait3A_121] : memref<3x128x128xf32, #tpu.memory_space<vmem>> -> memref<1x128x128xf32, #tpu.memory_space<vmem>>
    %dma_wait3A_123 = tpu.memref_squeeze %dma_wait3A_122 : memref<1x128x128xf32, #tpu.memory_space<vmem>> -> memref<128x128xf32, #tpu.memory_space<vmem>>
    %dma_wait3A_124 = arith.constant 0 : i32
    %dma_wait3A_125 = tpu.memref_slice %arg5[%dma_wait3A_117, %dma_wait3A_124] : memref<15x128xi32, #tpu.memory_space<vmem>> -> memref<1x128xi32, #tpu.memory_space<vmem>>
    %dma_wait3A_126 = tpu.memref_squeeze %dma_wait3A_125 : memref<1x128xi32, #tpu.memory_space<vmem>> -> memref<128xi32, #tpu.memory_space<vmem>>
    %dma_wait3A_127 = arith.constant 0 : i32
    %dma_wait3A_128 = arith.constant 0 : i32
    %dma_wait3A_129 = tpu.memref_slice %arg3[%dma_wait3A_127, %dma_wait3A_128] : memref<1000000x128xf32, #tpu.memory_space<hbm>> -> memref<1000000x128xf32, #tpu.memory_space<hbm>>
    %dma_wait3A_130 = tpu.memref_slice %arg7[%dma_wait3A_119] : memref<3x!tpu.dma_semaphore, #tpu.memory_space<semaphore_mem>> -> memref<1x!tpu.dma_semaphore, #tpu.memory_space<semaphore_mem>>
    %dma_wait3A_131 = tpu.memref_squeeze %dma_wait3A_130 : memref<1x!tpu.dma_semaphore, #tpu.memory_space<semaphore_mem>> -> memref<!tpu.dma_semaphore, #tpu.memory_space<semaphore_mem>>
    tpu.wait_indirect_dma semaphore(%dma_wait3A_131 : memref<!tpu.dma_semaphore, #tpu.memory_space<semaphore_mem>>) src(%dma_wait3A_129 : memref<1000000x128xf32, #tpu.memory_space<hbm>>) dst(%dma_wait3A_123 : memref<128x128xf32, #tpu.memory_space<vmem>>)
    %add3A_132 = arith.constant 1792 : i32
    %add3A_133 = arith.addi %mul3A_2, %add3A_132 : i32
    %dma_start3A_134 = arith.constant 2 : i32
    %dma_start3A_135 = arith.constant 2 : i32
    %dma_start3A_136 = arith.constant 0 : i32
    %dma_start3A_137 = arith.constant 0 : i32
    %dma_start3A_138 = tpu.memref_slice %arg6[%dma_start3A_134, %dma_start3A_136, %dma_start3A_137] : memref<3x128x128xf32, #tpu.memory_space<vmem>> -> memref<1x128x128xf32, #tpu.memory_space<vmem>>
    %dma_start3A_139 = tpu.memref_squeeze %dma_start3A_138 : memref<1x128x128xf32, #tpu.memory_space<vmem>> -> memref<128x128xf32, #tpu.memory_space<vmem>>
    %dma_start3A_140 = arith.constant 0 : i32
    %dma_start3A_141 = tpu.memref_slice %arg4[%add3A_133, %dma_start3A_140] : memref<61440x128xf32, #tpu.memory_space<hbm>> -> memref<128x128xf32, #tpu.memory_space<hbm>>
    %dma_start3A_142 = tpu.memref_slice %arg8[%dma_start3A_135] : memref<3x!tpu.dma_semaphore, #tpu.memory_space<semaphore_mem>> -> memref<1x!tpu.dma_semaphore, #tpu.memory_space<semaphore_mem>>
    %dma_start3A_143 = tpu.memref_squeeze %dma_start3A_142 : memref<1x!tpu.dma_semaphore, #tpu.memory_space<semaphore_mem>> -> memref<!tpu.dma_semaphore, #tpu.memory_space<semaphore_mem>>
    %dma_start3A_144 = arith.constant 0 : i32
    %dma_start3A_145 = tpu.memref_slice %arg4[%add3A_133, %dma_start3A_144] : memref<61440x128xf32, #tpu.memory_space<hbm>> -> memref<128x128xf32, #tpu.memory_space<hbm>>
    %dma_start3A_146 = arith.constant 0 : i32
    %dma_start3A_147 = arith.constant 0 : i32
    %dma_start3A_148 = tpu.memref_slice %arg6[%dma_start3A_134, %dma_start3A_146, %dma_start3A_147] : memref<3x128x128xf32, #tpu.memory_space<vmem>> -> memref<1x128x128xf32, #tpu.memory_space<vmem>>
    %dma_start3A_149 = tpu.memref_squeeze %dma_start3A_148 : memref<1x128x128xf32, #tpu.memory_space<vmem>> -> memref<128x128xf32, #tpu.memory_space<vmem>>
    tpu.enqueue_dma source(%dma_start3A_149 : memref<128x128xf32, #tpu.memory_space<vmem>>) target(%dma_start3A_145 : memref<128x128xf32, #tpu.memory_space<hbm>>) target_semaphore(%dma_start3A_143 : memref<!tpu.dma_semaphore, #tpu.memory_space<semaphore_mem>>)
    %dma_wait3A_150 = arith.constant 0 : i32
    %dma_wait3A_151 = arith.constant 0 : i32
    %dma_wait3A_152 = arith.constant 0 : i32
    %dma_wait3A_153 = arith.constant 0 : i32
    %dma_wait3A_154 = tpu.memref_slice %arg6[%dma_wait3A_150, %dma_wait3A_152, %dma_wait3A_153] : memref<3x128x128xf32, #tpu.memory_space<vmem>> -> memref<1x128x128xf32, #tpu.memory_space<vmem>>
    %dma_wait3A_155 = tpu.memref_squeeze %dma_wait3A_154 : memref<1x128x128xf32, #tpu.memory_space<vmem>> -> memref<128x128xf32, #tpu.memory_space<vmem>>
    %dma_wait3A_156 = arith.constant 0 : i32
    %dma_wait3A_157 = tpu.memref_slice %arg4[%mul3A_2, %dma_wait3A_156] : memref<61440x128xf32, #tpu.memory_space<hbm>> -> memref<128x128xf32, #tpu.memory_space<hbm>>
    %dma_wait3A_158 = tpu.memref_slice %arg8[%dma_wait3A_151] : memref<3x!tpu.dma_semaphore, #tpu.memory_space<semaphore_mem>> -> memref<1x!tpu.dma_semaphore, #tpu.memory_space<semaphore_mem>>
    %dma_wait3A_159 = tpu.memref_squeeze %dma_wait3A_158 : memref<1x!tpu.dma_semaphore, #tpu.memory_space<semaphore_mem>> -> memref<!tpu.dma_semaphore, #tpu.memory_space<semaphore_mem>>
    %dma_wait3A_160 = arith.constant 0 : i32
    %dma_wait3A_161 = tpu.memref_slice %arg4[%mul3A_2, %dma_wait3A_160] : memref<61440x128xf32, #tpu.memory_space<hbm>> -> memref<128x128xf32, #tpu.memory_space<hbm>>
    %dma_wait3A_162 = arith.constant 0 : i32
    %dma_wait3A_163 = arith.constant 0 : i32
    %dma_wait3A_164 = tpu.memref_slice %arg6[%dma_wait3A_150, %dma_wait3A_162, %dma_wait3A_163] : memref<3x128x128xf32, #tpu.memory_space<vmem>> -> memref<1x128x128xf32, #tpu.memory_space<vmem>>
    %dma_wait3A_165 = tpu.memref_squeeze %dma_wait3A_164 : memref<1x128x128xf32, #tpu.memory_space<vmem>> -> memref<128x128xf32, #tpu.memory_space<vmem>>
    tpu.wait_dma2 semaphore(%dma_wait3A_159 : memref<!tpu.dma_semaphore, #tpu.memory_space<semaphore_mem>>) src(%dma_wait3A_165 : memref<128x128xf32, #tpu.memory_space<vmem>>) dst(%dma_wait3A_161 : memref<128x128xf32, #tpu.memory_space<hbm>>)
    %dma_wait3A_166 = arith.constant 1 : i32
    %dma_wait3A_167 = arith.constant 1 : i32
    %dma_wait3A_168 = arith.constant 0 : i32
    %dma_wait3A_169 = arith.constant 0 : i32
    %dma_wait3A_170 = tpu.memref_slice %arg6[%dma_wait3A_166, %dma_wait3A_168, %dma_wait3A_169] : memref<3x128x128xf32, #tpu.memory_space<vmem>> -> memref<1x128x128xf32, #tpu.memory_space<vmem>>
    %dma_wait3A_171 = tpu.memref_squeeze %dma_wait3A_170 : memref<1x128x128xf32, #tpu.memory_space<vmem>> -> memref<128x128xf32, #tpu.memory_space<vmem>>
    %dma_wait3A_172 = arith.constant 0 : i32
    %dma_wait3A_173 = tpu.memref_slice %arg4[%mul3A_2, %dma_wait3A_172] : memref<61440x128xf32, #tpu.memory_space<hbm>> -> memref<128x128xf32, #tpu.memory_space<hbm>>
    %dma_wait3A_174 = tpu.memref_slice %arg8[%dma_wait3A_167] : memref<3x!tpu.dma_semaphore, #tpu.memory_space<semaphore_mem>> -> memref<1x!tpu.dma_semaphore, #tpu.memory_space<semaphore_mem>>
    %dma_wait3A_175 = tpu.memref_squeeze %dma_wait3A_174 : memref<1x!tpu.dma_semaphore, #tpu.memory_space<semaphore_mem>> -> memref<!tpu.dma_semaphore, #tpu.memory_space<semaphore_mem>>
    %dma_wait3A_176 = arith.constant 0 : i32
    %dma_wait3A_177 = tpu.memref_slice %arg4[%mul3A_2, %dma_wait3A_176] : memref<61440x128xf32, #tpu.memory_space<hbm>> -> memref<128x128xf32, #tpu.memory_space<hbm>>
    %dma_wait3A_178 = arith.constant 0 : i32
    %dma_wait3A_179 = arith.constant 0 : i32
    %dma_wait3A_180 = tpu.memref_slice %arg6[%dma_wait3A_166, %dma_wait3A_178, %dma_wait3A_179] : memref<3x128x128xf32, #tpu.memory_space<vmem>> -> memref<1x128x128xf32, #tpu.memory_space<vmem>>
    %dma_wait3A_181 = tpu.memref_squeeze %dma_wait3A_180 : memref<1x128x128xf32, #tpu.memory_space<vmem>> -> memref<128x128xf32, #tpu.memory_space<vmem>>
    tpu.wait_dma2 semaphore(%dma_wait3A_175 : memref<!tpu.dma_semaphore, #tpu.memory_space<semaphore_mem>>) src(%dma_wait3A_181 : memref<128x128xf32, #tpu.memory_space<vmem>>) dst(%dma_wait3A_177 : memref<128x128xf32, #tpu.memory_space<hbm>>)
    %dma_wait3A_182 = arith.constant 2 : i32
    %dma_wait3A_183 = arith.constant 2 : i32
    %dma_wait3A_184 = arith.constant 0 : i32
    %dma_wait3A_185 = arith.constant 0 : i32
    %dma_wait3A_186 = tpu.memref_slice %arg6[%dma_wait3A_182, %dma_wait3A_184, %dma_wait3A_185] : memref<3x128x128xf32, #tpu.memory_space<vmem>> -> memref<1x128x128xf32, #tpu.memory_space<vmem>>
    %dma_wait3A_187 = tpu.memref_squeeze %dma_wait3A_186 : memref<1x128x128xf32, #tpu.memory_space<vmem>> -> memref<128x128xf32, #tpu.memory_space<vmem>>
    %dma_wait3A_188 = arith.constant 0 : i32
    %dma_wait3A_189 = tpu.memref_slice %arg4[%mul3A_2, %dma_wait3A_188] : memref<61440x128xf32, #tpu.memory_space<hbm>> -> memref<128x128xf32, #tpu.memory_space<hbm>>
    %dma_wait3A_190 = tpu.memref_slice %arg8[%dma_wait3A_183] : memref<3x!tpu.dma_semaphore, #tpu.memory_space<semaphore_mem>> -> memref<1x!tpu.dma_semaphore, #tpu.memory_space<semaphore_mem>>
    %dma_wait3A_191 = tpu.memref_squeeze %dma_wait3A_190 : memref<1x!tpu.dma_semaphore, #tpu.memory_space<semaphore_mem>> -> memref<!tpu.dma_semaphore, #tpu.memory_space<semaphore_mem>>
    %dma_wait3A_192 = arith.constant 0 : i32
    %dma_wait3A_193 = tpu.memref_slice %arg4[%mul3A_2, %dma_wait3A_192] : memref<61440x128xf32, #tpu.memory_space<hbm>> -> memref<128x128xf32, #tpu.memory_space<hbm>>
    %dma_wait3A_194 = arith.constant 0 : i32
    %dma_wait3A_195 = arith.constant 0 : i32
    %dma_wait3A_196 = tpu.memref_slice %arg6[%dma_wait3A_182, %dma_wait3A_194, %dma_wait3A_195] : memref<3x128x128xf32, #tpu.memory_space<vmem>> -> memref<1x128x128xf32, #tpu.memory_space<vmem>>
    %dma_wait3A_197 = tpu.memref_squeeze %dma_wait3A_196 : memref<1x128x128xf32, #tpu.memory_space<vmem>> -> memref<128x128xf32, #tpu.memory_space<vmem>>
    tpu.wait_dma2 semaphore(%dma_wait3A_191 : memref<!tpu.dma_semaphore, #tpu.memory_space<semaphore_mem>>) src(%dma_wait3A_197 : memref<128x128xf32, #tpu.memory_space<vmem>>) dst(%dma_wait3A_193 : memref<128x128xf32, #tpu.memory_space<hbm>>)
    return
  }
}

#map = affine_map<(d0, d1) -> (0, 0, 0)>
#map1 = affine_map<(d0, d1) -> (0, 0)>
module attributes {stable_mosaic.version = 14 : i64} {
  func.func @_sc_gather_body(%arg0: i32, %arg1: i32, %arg2: memref<32x9x128xi32, #tpu.memory_space<hbm>>, %arg3: memref<1000000x128xf32, #tpu.memory_space<hbm>>, %arg4: memref<36864x128xf32, #tpu.memory_space<hbm>>, %arg5: memref<9x128xi32, #tpu.memory_space<vmem>>, %arg6: memref<3x128x128xf32, #tpu.memory_space<vmem>>, %arg7: memref<3x!tpu.dma_semaphore, #tpu.memory_space<semaphore_mem>>, %arg8: memref<3x!tpu.dma_semaphore, #tpu.memory_space<semaphore_mem>>) attributes {dimension_semantics = [#tpu.dimension_semantics<core_parallel>, #tpu.dimension_semantics<subcore_parallel>], iteration_bounds = array<i64: 2, 16>, scalar_prefetch = 0 : i64, scratch_operands = 4 : i64, tpu.core_type = #tpu.core_type<sc_vector_subcore>, window_params = [{transform_indices = #map}, {transform_indices = #map1}, {transform_indices = #map1}]} {
    %mul3A = arith.constant 2 : i32
    %mul3A_0 = arith.muli %arg1, %mul3A : i32
    %add3A = arith.addi %mul3A_0, %arg0 : i32
    %mul3A_1 = arith.constant 1152 : i32
    %mul3A_2 = arith.muli %add3A, %mul3A_1 : i32
    "tpu.region"() ({
      %run_scoped3A = tpu.sem_alloc : memref<!tpu.dma_semaphore, #tpu.memory_space<semaphore_mem>>
      %dma_start3A_198 = arith.constant 0 : i32
      %dma_start3A_199 = arith.constant 0 : i32
      %dma_start3A_200 = tpu.memref_slice %arg2[%add3A, %dma_start3A_198, %dma_start3A_199] : memref<32x9x128xi32, #tpu.memory_space<hbm>> -> memref<1x9x128xi32, #tpu.memory_space<hbm>>
      %dma_start3A_201 = tpu.memref_squeeze %dma_start3A_200 : memref<1x9x128xi32, #tpu.memory_space<hbm>> -> memref<9x128xi32, #tpu.memory_space<hbm>>
      %dma_start3A_202 = arith.constant 0 : i32
      %dma_start3A_203 = arith.constant 0 : i32
      %dma_start3A_204 = tpu.memref_slice %arg2[%add3A, %dma_start3A_202, %dma_start3A_203] : memref<32x9x128xi32, #tpu.memory_space<hbm>> -> memref<1x9x128xi32, #tpu.memory_space<hbm>>
      %dma_start3A_205 = tpu.memref_squeeze %dma_start3A_204 : memref<1x9x128xi32, #tpu.memory_space<hbm>> -> memref<9x128xi32, #tpu.memory_space<hbm>>
      tpu.enqueue_dma source(%dma_start3A_205 : memref<9x128xi32, #tpu.memory_space<hbm>>) target(%arg5 : memref<9x128xi32, #tpu.memory_space<vmem>>) target_semaphore(%run_scoped3A : memref<!tpu.dma_semaphore, #tpu.memory_space<semaphore_mem>>)
      %dma_wait3A_206 = arith.constant 0 : i32
      %dma_wait3A_207 = arith.constant 0 : i32
      %dma_wait3A_208 = tpu.memref_slice %arg2[%add3A, %dma_wait3A_206, %dma_wait3A_207] : memref<32x9x128xi32, #tpu.memory_space<hbm>> -> memref<1x9x128xi32, #tpu.memory_space<hbm>>
      %dma_wait3A_209 = tpu.memref_squeeze %dma_wait3A_208 : memref<1x9x128xi32, #tpu.memory_space<hbm>> -> memref<9x128xi32, #tpu.memory_space<hbm>>
      %dma_wait3A_210 = arith.constant 0 : i32
      %dma_wait3A_211 = arith.constant 0 : i32
      %dma_wait3A_212 = tpu.memref_slice %arg2[%add3A, %dma_wait3A_210, %dma_wait3A_211] : memref<32x9x128xi32, #tpu.memory_space<hbm>> -> memref<1x9x128xi32, #tpu.memory_space<hbm>>
      %dma_wait3A_213 = tpu.memref_squeeze %dma_wait3A_212 : memref<1x9x128xi32, #tpu.memory_space<hbm>> -> memref<9x128xi32, #tpu.memory_space<hbm>>
      tpu.wait_dma2 semaphore(%run_scoped3A : memref<!tpu.dma_semaphore, #tpu.memory_space<semaphore_mem>>) src(%dma_wait3A_213 : memref<9x128xi32, #tpu.memory_space<hbm>>) dst(%arg5 : memref<9x128xi32, #tpu.memory_space<vmem>>)
      tpu.yield
    }) : () -> ()
    %dma_start3A = arith.constant 0 : i32
    %dma_start3A_3 = arith.constant 0 : i32
    %dma_start3A_4 = arith.constant 0 : i32
    %dma_start3A_5 = arith.constant 0 : i32
    %dma_start3A_6 = arith.constant 0 : i32
    %dma_start3A_7 = tpu.memref_slice %arg6[%dma_start3A_3, %dma_start3A_5, %dma_start3A_6] : memref<3x128x128xf32, #tpu.memory_space<vmem>> -> memref<1x128x128xf32, #tpu.memory_space<vmem>>
    %dma_start3A_8 = tpu.memref_squeeze %dma_start3A_7 : memref<1x128x128xf32, #tpu.memory_space<vmem>> -> memref<128x128xf32, #tpu.memory_space<vmem>>
    %dma_start3A_9 = arith.constant 0 : i32
    %dma_start3A_10 = tpu.memref_slice %arg5[%dma_start3A, %dma_start3A_9] : memref<9x128xi32, #tpu.memory_space<vmem>> -> memref<1x128xi32, #tpu.memory_space<vmem>>
    %dma_start3A_11 = tpu.memref_squeeze %dma_start3A_10 : memref<1x128xi32, #tpu.memory_space<vmem>> -> memref<128xi32, #tpu.memory_space<vmem>>
    %dma_start3A_12 = arith.constant 0 : i32
    %dma_start3A_13 = arith.constant 0 : i32
    %dma_start3A_14 = tpu.memref_slice %arg3[%dma_start3A_12, %dma_start3A_13] : memref<1000000x128xf32, #tpu.memory_space<hbm>> -> memref<1000000x128xf32, #tpu.memory_space<hbm>>
    %dma_start3A_15 = tpu.memref_slice %arg7[%dma_start3A_4] : memref<3x!tpu.dma_semaphore, #tpu.memory_space<semaphore_mem>> -> memref<1x!tpu.dma_semaphore, #tpu.memory_space<semaphore_mem>>
    %dma_start3A_16 = tpu.memref_squeeze %dma_start3A_15 : memref<1x!tpu.dma_semaphore, #tpu.memory_space<semaphore_mem>> -> memref<!tpu.dma_semaphore, #tpu.memory_space<semaphore_mem>>
    tpu.enqueue_indirect_dma source(%dma_start3A_14 : memref<1000000x128xf32, #tpu.memory_space<hbm>>) target(%dma_start3A_8 : memref<128x128xf32, #tpu.memory_space<vmem>>) offsets(%dma_start3A_11 : memref<128xi32, #tpu.memory_space<vmem>>) semaphore(%dma_start3A_16 : memref<!tpu.dma_semaphore, #tpu.memory_space<semaphore_mem>>)
    %dma_start3A_17 = arith.constant 1 : i32
    %dma_start3A_18 = arith.constant 1 : i32
    %dma_start3A_19 = arith.constant 1 : i32
    %dma_start3A_20 = arith.constant 0 : i32
    %dma_start3A_21 = arith.constant 0 : i32
    %dma_start3A_22 = tpu.memref_slice %arg6[%dma_start3A_18, %dma_start3A_20, %dma_start3A_21] : memref<3x128x128xf32, #tpu.memory_space<vmem>> -> memref<1x128x128xf32, #tpu.memory_space<vmem>>
    %dma_start3A_23 = tpu.memref_squeeze %dma_start3A_22 : memref<1x128x128xf32, #tpu.memory_space<vmem>> -> memref<128x128xf32, #tpu.memory_space<vmem>>
    %dma_start3A_24 = arith.constant 0 : i32
    %dma_start3A_25 = tpu.memref_slice %arg5[%dma_start3A_17, %dma_start3A_24] : memref<9x128xi32, #tpu.memory_space<vmem>> -> memref<1x128xi32, #tpu.memory_space<vmem>>
    %dma_start3A_26 = tpu.memref_squeeze %dma_start3A_25 : memref<1x128xi32, #tpu.memory_space<vmem>> -> memref<128xi32, #tpu.memory_space<vmem>>
    %dma_start3A_27 = arith.constant 0 : i32
    %dma_start3A_28 = arith.constant 0 : i32
    %dma_start3A_29 = tpu.memref_slice %arg3[%dma_start3A_27, %dma_start3A_28] : memref<1000000x128xf32, #tpu.memory_space<hbm>> -> memref<1000000x128xf32, #tpu.memory_space<hbm>>
    %dma_start3A_30 = tpu.memref_slice %arg7[%dma_start3A_19] : memref<3x!tpu.dma_semaphore, #tpu.memory_space<semaphore_mem>> -> memref<1x!tpu.dma_semaphore, #tpu.memory_space<semaphore_mem>>
    %dma_start3A_31 = tpu.memref_squeeze %dma_start3A_30 : memref<1x!tpu.dma_semaphore, #tpu.memory_space<semaphore_mem>> -> memref<!tpu.dma_semaphore, #tpu.memory_space<semaphore_mem>>
    tpu.enqueue_indirect_dma source(%dma_start3A_29 : memref<1000000x128xf32, #tpu.memory_space<hbm>>) target(%dma_start3A_23 : memref<128x128xf32, #tpu.memory_space<vmem>>) offsets(%dma_start3A_26 : memref<128xi32, #tpu.memory_space<vmem>>) semaphore(%dma_start3A_31 : memref<!tpu.dma_semaphore, #tpu.memory_space<semaphore_mem>>)
    %dma_start3A_32 = arith.constant 2 : i32
    %dma_start3A_33 = arith.constant 2 : i32
    %dma_start3A_34 = arith.constant 2 : i32
    %dma_start3A_35 = arith.constant 0 : i32
    %dma_start3A_36 = arith.constant 0 : i32
    %dma_start3A_37 = tpu.memref_slice %arg6[%dma_start3A_33, %dma_start3A_35, %dma_start3A_36] : memref<3x128x128xf32, #tpu.memory_space<vmem>> -> memref<1x128x128xf32, #tpu.memory_space<vmem>>
    %dma_start3A_38 = tpu.memref_squeeze %dma_start3A_37 : memref<1x128x128xf32, #tpu.memory_space<vmem>> -> memref<128x128xf32, #tpu.memory_space<vmem>>
    %dma_start3A_39 = arith.constant 0 : i32
    %dma_start3A_40 = tpu.memref_slice %arg5[%dma_start3A_32, %dma_start3A_39] : memref<9x128xi32, #tpu.memory_space<vmem>> -> memref<1x128xi32, #tpu.memory_space<vmem>>
    %dma_start3A_41 = tpu.memref_squeeze %dma_start3A_40 : memref<1x128xi32, #tpu.memory_space<vmem>> -> memref<128xi32, #tpu.memory_space<vmem>>
    %dma_start3A_42 = arith.constant 0 : i32
    %dma_start3A_43 = arith.constant 0 : i32
    %dma_start3A_44 = tpu.memref_slice %arg3[%dma_start3A_42, %dma_start3A_43] : memref<1000000x128xf32, #tpu.memory_space<hbm>> -> memref<1000000x128xf32, #tpu.memory_space<hbm>>
    %dma_start3A_45 = tpu.memref_slice %arg7[%dma_start3A_34] : memref<3x!tpu.dma_semaphore, #tpu.memory_space<semaphore_mem>> -> memref<1x!tpu.dma_semaphore, #tpu.memory_space<semaphore_mem>>
    %dma_start3A_46 = tpu.memref_squeeze %dma_start3A_45 : memref<1x!tpu.dma_semaphore, #tpu.memory_space<semaphore_mem>> -> memref<!tpu.dma_semaphore, #tpu.memory_space<semaphore_mem>>
    tpu.enqueue_indirect_dma source(%dma_start3A_44 : memref<1000000x128xf32, #tpu.memory_space<hbm>>) target(%dma_start3A_38 : memref<128x128xf32, #tpu.memory_space<vmem>>) offsets(%dma_start3A_41 : memref<128xi32, #tpu.memory_space<vmem>>) semaphore(%dma_start3A_46 : memref<!tpu.dma_semaphore, #tpu.memory_space<semaphore_mem>>)
    %scan3A = arith.constant 0 : i32
    %scan3A_47 = arith.constant 0 : i32
    %scan3A_48 = arith.constant 2 : i32
    %scan3A_49 = arith.addi %scan3A_47, %scan3A_48 : i32
    %scan3A_50 = arith.constant 1 : i32
    scf.for %scan3A_198 = %scan3A_47 to %scan3A_49 step %scan3A_50  : i32 {
      %mul3A_199 = arith.constant 3 : i32
      %mul3A_200 = arith.muli %scan3A_198, %mul3A_199 : i32
      %dma_wait3A_201 = arith.constant 0 : i32
      %dma_wait3A_202 = arith.constant 0 : i32
      %dma_wait3A_203 = arith.constant 0 : i32
      %dma_wait3A_204 = arith.constant 0 : i32
      %dma_wait3A_205 = arith.constant 0 : i32
      %dma_wait3A_206 = tpu.memref_slice %arg6[%dma_wait3A_202, %dma_wait3A_204, %dma_wait3A_205] : memref<3x128x128xf32, #tpu.memory_space<vmem>> -> memref<1x128x128xf32, #tpu.memory_space<vmem>>
      %dma_wait3A_207 = tpu.memref_squeeze %dma_wait3A_206 : memref<1x128x128xf32, #tpu.memory_space<vmem>> -> memref<128x128xf32, #tpu.memory_space<vmem>>
      %dma_wait3A_208 = arith.constant 0 : i32
      %dma_wait3A_209 = tpu.memref_slice %arg5[%dma_wait3A_201, %dma_wait3A_208] : memref<9x128xi32, #tpu.memory_space<vmem>> -> memref<1x128xi32, #tpu.memory_space<vmem>>
      %dma_wait3A_210 = tpu.memref_squeeze %dma_wait3A_209 : memref<1x128xi32, #tpu.memory_space<vmem>> -> memref<128xi32, #tpu.memory_space<vmem>>
      %dma_wait3A_211 = arith.constant 0 : i32
      %dma_wait3A_212 = arith.constant 0 : i32
      %dma_wait3A_213 = tpu.memref_slice %arg3[%dma_wait3A_211, %dma_wait3A_212] : memref<1000000x128xf32, #tpu.memory_space<hbm>> -> memref<1000000x128xf32, #tpu.memory_space<hbm>>
      %dma_wait3A_214 = tpu.memref_slice %arg7[%dma_wait3A_203] : memref<3x!tpu.dma_semaphore, #tpu.memory_space<semaphore_mem>> -> memref<1x!tpu.dma_semaphore, #tpu.memory_space<semaphore_mem>>
      %dma_wait3A_215 = tpu.memref_squeeze %dma_wait3A_214 : memref<1x!tpu.dma_semaphore, #tpu.memory_space<semaphore_mem>> -> memref<!tpu.dma_semaphore, #tpu.memory_space<semaphore_mem>>
      tpu.wait_indirect_dma semaphore(%dma_wait3A_215 : memref<!tpu.dma_semaphore, #tpu.memory_space<semaphore_mem>>) src(%dma_wait3A_213 : memref<1000000x128xf32, #tpu.memory_space<hbm>>) dst(%dma_wait3A_207 : memref<128x128xf32, #tpu.memory_space<vmem>>)
      %add3A_216 = arith.constant 0 : i32
      %add3A_217 = arith.addi %mul3A_200, %add3A_216 : i32
      %mul3A_218 = arith.constant 128 : i32
      %mul3A_219 = arith.muli %add3A_217, %mul3A_218 : i32
      %add3A_220 = arith.addi %mul3A_2, %mul3A_219 : i32
      %dma_start3A_221 = arith.constant 0 : i32
      %dma_start3A_222 = arith.constant 0 : i32
      %dma_start3A_223 = arith.constant 0 : i32
      %dma_start3A_224 = arith.constant 0 : i32
      %dma_start3A_225 = tpu.memref_slice %arg6[%dma_start3A_221, %dma_start3A_223, %dma_start3A_224] : memref<3x128x128xf32, #tpu.memory_space<vmem>> -> memref<1x128x128xf32, #tpu.memory_space<vmem>>
      %dma_start3A_226 = tpu.memref_squeeze %dma_start3A_225 : memref<1x128x128xf32, #tpu.memory_space<vmem>> -> memref<128x128xf32, #tpu.memory_space<vmem>>
      %dma_start3A_227 = arith.constant 0 : i32
      %dma_start3A_228 = tpu.memref_slice %arg4[%add3A_220, %dma_start3A_227] : memref<36864x128xf32, #tpu.memory_space<hbm>> -> memref<128x128xf32, #tpu.memory_space<hbm>>
      %dma_start3A_229 = tpu.memref_slice %arg8[%dma_start3A_222] : memref<3x!tpu.dma_semaphore, #tpu.memory_space<semaphore_mem>> -> memref<1x!tpu.dma_semaphore, #tpu.memory_space<semaphore_mem>>
      %dma_start3A_230 = tpu.memref_squeeze %dma_start3A_229 : memref<1x!tpu.dma_semaphore, #tpu.memory_space<semaphore_mem>> -> memref<!tpu.dma_semaphore, #tpu.memory_space<semaphore_mem>>
      %dma_start3A_231 = arith.constant 0 : i32
      %dma_start3A_232 = tpu.memref_slice %arg4[%add3A_220, %dma_start3A_231] : memref<36864x128xf32, #tpu.memory_space<hbm>> -> memref<128x128xf32, #tpu.memory_space<hbm>>
      %dma_start3A_233 = arith.constant 0 : i32
      %dma_start3A_234 = arith.constant 0 : i32
      %dma_start3A_235 = tpu.memref_slice %arg6[%dma_start3A_221, %dma_start3A_233, %dma_start3A_234] : memref<3x128x128xf32, #tpu.memory_space<vmem>> -> memref<1x128x128xf32, #tpu.memory_space<vmem>>
      %dma_start3A_236 = tpu.memref_squeeze %dma_start3A_235 : memref<1x128x128xf32, #tpu.memory_space<vmem>> -> memref<128x128xf32, #tpu.memory_space<vmem>>
      tpu.enqueue_dma source(%dma_start3A_236 : memref<128x128xf32, #tpu.memory_space<vmem>>) target(%dma_start3A_232 : memref<128x128xf32, #tpu.memory_space<hbm>>) target_semaphore(%dma_start3A_230 : memref<!tpu.dma_semaphore, #tpu.memory_space<semaphore_mem>>)
      %dma_wait3A_237 = arith.constant 0 : i32
      %dma_wait3A_238 = arith.constant 1 : i32
      %dma_wait3A_239 = arith.constant 1 : i32
      %dma_wait3A_240 = arith.constant 0 : i32
      %dma_wait3A_241 = arith.constant 0 : i32
      %dma_wait3A_242 = tpu.memref_slice %arg6[%dma_wait3A_238, %dma_wait3A_240, %dma_wait3A_241] : memref<3x128x128xf32, #tpu.memory_space<vmem>> -> memref<1x128x128xf32, #tpu.memory_space<vmem>>
      %dma_wait3A_243 = tpu.memref_squeeze %dma_wait3A_242 : memref<1x128x128xf32, #tpu.memory_space<vmem>> -> memref<128x128xf32, #tpu.memory_space<vmem>>
      %dma_wait3A_244 = arith.constant 0 : i32
      %dma_wait3A_245 = tpu.memref_slice %arg5[%dma_wait3A_237, %dma_wait3A_244] : memref<9x128xi32, #tpu.memory_space<vmem>> -> memref<1x128xi32, #tpu.memory_space<vmem>>
      %dma_wait3A_246 = tpu.memref_squeeze %dma_wait3A_245 : memref<1x128xi32, #tpu.memory_space<vmem>> -> memref<128xi32, #tpu.memory_space<vmem>>
      %dma_wait3A_247 = arith.constant 0 : i32
      %dma_wait3A_248 = arith.constant 0 : i32
      %dma_wait3A_249 = tpu.memref_slice %arg3[%dma_wait3A_247, %dma_wait3A_248] : memref<1000000x128xf32, #tpu.memory_space<hbm>> -> memref<1000000x128xf32, #tpu.memory_space<hbm>>
      %dma_wait3A_250 = tpu.memref_slice %arg7[%dma_wait3A_239] : memref<3x!tpu.dma_semaphore, #tpu.memory_space<semaphore_mem>> -> memref<1x!tpu.dma_semaphore, #tpu.memory_space<semaphore_mem>>
      %dma_wait3A_251 = tpu.memref_squeeze %dma_wait3A_250 : memref<1x!tpu.dma_semaphore, #tpu.memory_space<semaphore_mem>> -> memref<!tpu.dma_semaphore, #tpu.memory_space<semaphore_mem>>
      tpu.wait_indirect_dma semaphore(%dma_wait3A_251 : memref<!tpu.dma_semaphore, #tpu.memory_space<semaphore_mem>>) src(%dma_wait3A_249 : memref<1000000x128xf32, #tpu.memory_space<hbm>>) dst(%dma_wait3A_243 : memref<128x128xf32, #tpu.memory_space<vmem>>)
      %add3A_252 = arith.constant 1 : i32
      %add3A_253 = arith.addi %mul3A_200, %add3A_252 : i32
      %mul3A_254 = arith.constant 128 : i32
      %mul3A_255 = arith.muli %add3A_253, %mul3A_254 : i32
      %add3A_256 = arith.addi %mul3A_2, %mul3A_255 : i32
      %dma_start3A_257 = arith.constant 1 : i32
      %dma_start3A_258 = arith.constant 1 : i32
      %dma_start3A_259 = arith.constant 0 : i32
      %dma_start3A_260 = arith.constant 0 : i32
      %dma_start3A_261 = tpu.memref_slice %arg6[%dma_start3A_257, %dma_start3A_259, %dma_start3A_260] : memref<3x128x128xf32, #tpu.memory_space<vmem>> -> memref<1x128x128xf32, #tpu.memory_space<vmem>>
      %dma_start3A_262 = tpu.memref_squeeze %dma_start3A_261 : memref<1x128x128xf32, #tpu.memory_space<vmem>> -> memref<128x128xf32, #tpu.memory_space<vmem>>
      %dma_start3A_263 = arith.constant 0 : i32
      %dma_start3A_264 = tpu.memref_slice %arg4[%add3A_256, %dma_start3A_263] : memref<36864x128xf32, #tpu.memory_space<hbm>> -> memref<128x128xf32, #tpu.memory_space<hbm>>
      %dma_start3A_265 = tpu.memref_slice %arg8[%dma_start3A_258] : memref<3x!tpu.dma_semaphore, #tpu.memory_space<semaphore_mem>> -> memref<1x!tpu.dma_semaphore, #tpu.memory_space<semaphore_mem>>
      %dma_start3A_266 = tpu.memref_squeeze %dma_start3A_265 : memref<1x!tpu.dma_semaphore, #tpu.memory_space<semaphore_mem>> -> memref<!tpu.dma_semaphore, #tpu.memory_space<semaphore_mem>>
      %dma_start3A_267 = arith.constant 0 : i32
      %dma_start3A_268 = tpu.memref_slice %arg4[%add3A_256, %dma_start3A_267] : memref<36864x128xf32, #tpu.memory_space<hbm>> -> memref<128x128xf32, #tpu.memory_space<hbm>>
      %dma_start3A_269 = arith.constant 0 : i32
      %dma_start3A_270 = arith.constant 0 : i32
      %dma_start3A_271 = tpu.memref_slice %arg6[%dma_start3A_257, %dma_start3A_269, %dma_start3A_270] : memref<3x128x128xf32, #tpu.memory_space<vmem>> -> memref<1x128x128xf32, #tpu.memory_space<vmem>>
      %dma_start3A_272 = tpu.memref_squeeze %dma_start3A_271 : memref<1x128x128xf32, #tpu.memory_space<vmem>> -> memref<128x128xf32, #tpu.memory_space<vmem>>
      tpu.enqueue_dma source(%dma_start3A_272 : memref<128x128xf32, #tpu.memory_space<vmem>>) target(%dma_start3A_268 : memref<128x128xf32, #tpu.memory_space<hbm>>) target_semaphore(%dma_start3A_266 : memref<!tpu.dma_semaphore, #tpu.memory_space<semaphore_mem>>)
      %dma_wait3A_273 = arith.constant 0 : i32
      %dma_wait3A_274 = arith.constant 2 : i32
      %dma_wait3A_275 = arith.constant 2 : i32
      %dma_wait3A_276 = arith.constant 0 : i32
      %dma_wait3A_277 = arith.constant 0 : i32
      %dma_wait3A_278 = tpu.memref_slice %arg6[%dma_wait3A_274, %dma_wait3A_276, %dma_wait3A_277] : memref<3x128x128xf32, #tpu.memory_space<vmem>> -> memref<1x128x128xf32, #tpu.memory_space<vmem>>
      %dma_wait3A_279 = tpu.memref_squeeze %dma_wait3A_278 : memref<1x128x128xf32, #tpu.memory_space<vmem>> -> memref<128x128xf32, #tpu.memory_space<vmem>>
      %dma_wait3A_280 = arith.constant 0 : i32
      %dma_wait3A_281 = tpu.memref_slice %arg5[%dma_wait3A_273, %dma_wait3A_280] : memref<9x128xi32, #tpu.memory_space<vmem>> -> memref<1x128xi32, #tpu.memory_space<vmem>>
      %dma_wait3A_282 = tpu.memref_squeeze %dma_wait3A_281 : memref<1x128xi32, #tpu.memory_space<vmem>> -> memref<128xi32, #tpu.memory_space<vmem>>
      %dma_wait3A_283 = arith.constant 0 : i32
      %dma_wait3A_284 = arith.constant 0 : i32
      %dma_wait3A_285 = tpu.memref_slice %arg3[%dma_wait3A_283, %dma_wait3A_284] : memref<1000000x128xf32, #tpu.memory_space<hbm>> -> memref<1000000x128xf32, #tpu.memory_space<hbm>>
      %dma_wait3A_286 = tpu.memref_slice %arg7[%dma_wait3A_275] : memref<3x!tpu.dma_semaphore, #tpu.memory_space<semaphore_mem>> -> memref<1x!tpu.dma_semaphore, #tpu.memory_space<semaphore_mem>>
      %dma_wait3A_287 = tpu.memref_squeeze %dma_wait3A_286 : memref<1x!tpu.dma_semaphore, #tpu.memory_space<semaphore_mem>> -> memref<!tpu.dma_semaphore, #tpu.memory_space<semaphore_mem>>
      tpu.wait_indirect_dma semaphore(%dma_wait3A_287 : memref<!tpu.dma_semaphore, #tpu.memory_space<semaphore_mem>>) src(%dma_wait3A_285 : memref<1000000x128xf32, #tpu.memory_space<hbm>>) dst(%dma_wait3A_279 : memref<128x128xf32, #tpu.memory_space<vmem>>)
      %add3A_288 = arith.constant 2 : i32
      %add3A_289 = arith.addi %mul3A_200, %add3A_288 : i32
      %mul3A_290 = arith.constant 128 : i32
      %mul3A_291 = arith.muli %add3A_289, %mul3A_290 : i32
      %add3A_292 = arith.addi %mul3A_2, %mul3A_291 : i32
      %dma_start3A_293 = arith.constant 2 : i32
      %dma_start3A_294 = arith.constant 2 : i32
      %dma_start3A_295 = arith.constant 0 : i32
      %dma_start3A_296 = arith.constant 0 : i32
      %dma_start3A_297 = tpu.memref_slice %arg6[%dma_start3A_293, %dma_start3A_295, %dma_start3A_296] : memref<3x128x128xf32, #tpu.memory_space<vmem>> -> memref<1x128x128xf32, #tpu.memory_space<vmem>>
      %dma_start3A_298 = tpu.memref_squeeze %dma_start3A_297 : memref<1x128x128xf32, #tpu.memory_space<vmem>> -> memref<128x128xf32, #tpu.memory_space<vmem>>
      %dma_start3A_299 = arith.constant 0 : i32
      %dma_start3A_300 = tpu.memref_slice %arg4[%add3A_292, %dma_start3A_299] : memref<36864x128xf32, #tpu.memory_space<hbm>> -> memref<128x128xf32, #tpu.memory_space<hbm>>
      %dma_start3A_301 = tpu.memref_slice %arg8[%dma_start3A_294] : memref<3x!tpu.dma_semaphore, #tpu.memory_space<semaphore_mem>> -> memref<1x!tpu.dma_semaphore, #tpu.memory_space<semaphore_mem>>
      %dma_start3A_302 = tpu.memref_squeeze %dma_start3A_301 : memref<1x!tpu.dma_semaphore, #tpu.memory_space<semaphore_mem>> -> memref<!tpu.dma_semaphore, #tpu.memory_space<semaphore_mem>>
      %dma_start3A_303 = arith.constant 0 : i32
      %dma_start3A_304 = tpu.memref_slice %arg4[%add3A_292, %dma_start3A_303] : memref<36864x128xf32, #tpu.memory_space<hbm>> -> memref<128x128xf32, #tpu.memory_space<hbm>>
      %dma_start3A_305 = arith.constant 0 : i32
      %dma_start3A_306 = arith.constant 0 : i32
      %dma_start3A_307 = tpu.memref_slice %arg6[%dma_start3A_293, %dma_start3A_305, %dma_start3A_306] : memref<3x128x128xf32, #tpu.memory_space<vmem>> -> memref<1x128x128xf32, #tpu.memory_space<vmem>>
      %dma_start3A_308 = tpu.memref_squeeze %dma_start3A_307 : memref<1x128x128xf32, #tpu.memory_space<vmem>> -> memref<128x128xf32, #tpu.memory_space<vmem>>
      tpu.enqueue_dma source(%dma_start3A_308 : memref<128x128xf32, #tpu.memory_space<vmem>>) target(%dma_start3A_304 : memref<128x128xf32, #tpu.memory_space<hbm>>) target_semaphore(%dma_start3A_302 : memref<!tpu.dma_semaphore, #tpu.memory_space<semaphore_mem>>)
      %dma_wait3A_309 = arith.constant 0 : i32
      %dma_wait3A_310 = arith.constant 0 : i32
      %dma_wait3A_311 = arith.constant 0 : i32
      %dma_wait3A_312 = arith.constant 0 : i32
      %dma_wait3A_313 = tpu.memref_slice %arg6[%dma_wait3A_309, %dma_wait3A_311, %dma_wait3A_312] : memref<3x128x128xf32, #tpu.memory_space<vmem>> -> memref<1x128x128xf32, #tpu.memory_space<vmem>>
      %dma_wait3A_314 = tpu.memref_squeeze %dma_wait3A_313 : memref<1x128x128xf32, #tpu.memory_space<vmem>> -> memref<128x128xf32, #tpu.memory_space<vmem>>
      %dma_wait3A_315 = arith.constant 0 : i32
      %dma_wait3A_316 = tpu.memref_slice %arg4[%mul3A_2, %dma_wait3A_315] : memref<36864x128xf32, #tpu.memory_space<hbm>> -> memref<128x128xf32, #tpu.memory_space<hbm>>
      %dma_wait3A_317 = tpu.memref_slice %arg8[%dma_wait3A_310] : memref<3x!tpu.dma_semaphore, #tpu.memory_space<semaphore_mem>> -> memref<1x!tpu.dma_semaphore, #tpu.memory_space<semaphore_mem>>
      %dma_wait3A_318 = tpu.memref_squeeze %dma_wait3A_317 : memref<1x!tpu.dma_semaphore, #tpu.memory_space<semaphore_mem>> -> memref<!tpu.dma_semaphore, #tpu.memory_space<semaphore_mem>>
      %dma_wait3A_319 = arith.constant 0 : i32
      %dma_wait3A_320 = tpu.memref_slice %arg4[%mul3A_2, %dma_wait3A_319] : memref<36864x128xf32, #tpu.memory_space<hbm>> -> memref<128x128xf32, #tpu.memory_space<hbm>>
      %dma_wait3A_321 = arith.constant 0 : i32
      %dma_wait3A_322 = arith.constant 0 : i32
      %dma_wait3A_323 = tpu.memref_slice %arg6[%dma_wait3A_309, %dma_wait3A_321, %dma_wait3A_322] : memref<3x128x128xf32, #tpu.memory_space<vmem>> -> memref<1x128x128xf32, #tpu.memory_space<vmem>>
      %dma_wait3A_324 = tpu.memref_squeeze %dma_wait3A_323 : memref<1x128x128xf32, #tpu.memory_space<vmem>> -> memref<128x128xf32, #tpu.memory_space<vmem>>
      tpu.wait_dma2 semaphore(%dma_wait3A_318 : memref<!tpu.dma_semaphore, #tpu.memory_space<semaphore_mem>>) src(%dma_wait3A_324 : memref<128x128xf32, #tpu.memory_space<vmem>>) dst(%dma_wait3A_320 : memref<128x128xf32, #tpu.memory_space<hbm>>)
      %add3A_325 = arith.constant 3 : i32
      %add3A_326 = arith.addi %mul3A_200, %add3A_325 : i32
      %add3A_327 = arith.constant 0 : i32
      %add3A_328 = arith.addi %add3A_326, %add3A_327 : i32
      %dma_start3A_329 = arith.constant 0 : i32
      %dma_start3A_330 = arith.constant 0 : i32
      %dma_start3A_331 = arith.constant 0 : i32
      %dma_start3A_332 = arith.constant 0 : i32
      %dma_start3A_333 = tpu.memref_slice %arg6[%dma_start3A_329, %dma_start3A_331, %dma_start3A_332] : memref<3x128x128xf32, #tpu.memory_space<vmem>> -> memref<1x128x128xf32, #tpu.memory_space<vmem>>
      %dma_start3A_334 = tpu.memref_squeeze %dma_start3A_333 : memref<1x128x128xf32, #tpu.memory_space<vmem>> -> memref<128x128xf32, #tpu.memory_space<vmem>>
      %dma_start3A_335 = arith.constant 0 : i32
      %dma_start3A_336 = tpu.memref_slice %arg5[%add3A_328, %dma_start3A_335] : memref<9x128xi32, #tpu.memory_space<vmem>> -> memref<1x128xi32, #tpu.memory_space<vmem>>
      %dma_start3A_337 = tpu.memref_squeeze %dma_start3A_336 : memref<1x128xi32, #tpu.memory_space<vmem>> -> memref<128xi32, #tpu.memory_space<vmem>>
      %dma_start3A_338 = arith.constant 0 : i32
      %dma_start3A_339 = arith.constant 0 : i32
      %dma_start3A_340 = tpu.memref_slice %arg3[%dma_start3A_338, %dma_start3A_339] : memref<1000000x128xf32, #tpu.memory_space<hbm>> -> memref<1000000x128xf32, #tpu.memory_space<hbm>>
      %dma_start3A_341 = tpu.memref_slice %arg7[%dma_start3A_330] : memref<3x!tpu.dma_semaphore, #tpu.memory_space<semaphore_mem>> -> memref<1x!tpu.dma_semaphore, #tpu.memory_space<semaphore_mem>>
      %dma_start3A_342 = tpu.memref_squeeze %dma_start3A_341 : memref<1x!tpu.dma_semaphore, #tpu.memory_space<semaphore_mem>> -> memref<!tpu.dma_semaphore, #tpu.memory_space<semaphore_mem>>
      tpu.enqueue_indirect_dma source(%dma_start3A_340 : memref<1000000x128xf32, #tpu.memory_space<hbm>>) target(%dma_start3A_334 : memref<128x128xf32, #tpu.memory_space<vmem>>) offsets(%dma_start3A_337 : memref<128xi32, #tpu.memory_space<vmem>>) semaphore(%dma_start3A_342 : memref<!tpu.dma_semaphore, #tpu.memory_space<semaphore_mem>>)
      %dma_wait3A_343 = arith.constant 1 : i32
      %dma_wait3A_344 = arith.constant 1 : i32
      %dma_wait3A_345 = arith.constant 0 : i32
      %dma_wait3A_346 = arith.constant 0 : i32
      %dma_wait3A_347 = tpu.memref_slice %arg6[%dma_wait3A_343, %dma_wait3A_345, %dma_wait3A_346] : memref<3x128x128xf32, #tpu.memory_space<vmem>> -> memref<1x128x128xf32, #tpu.memory_space<vmem>>
      %dma_wait3A_348 = tpu.memref_squeeze %dma_wait3A_347 : memref<1x128x128xf32, #tpu.memory_space<vmem>> -> memref<128x128xf32, #tpu.memory_space<vmem>>
      %dma_wait3A_349 = arith.constant 0 : i32
      %dma_wait3A_350 = tpu.memref_slice %arg4[%mul3A_2, %dma_wait3A_349] : memref<36864x128xf32, #tpu.memory_space<hbm>> -> memref<128x128xf32, #tpu.memory_space<hbm>>
      %dma_wait3A_351 = tpu.memref_slice %arg8[%dma_wait3A_344] : memref<3x!tpu.dma_semaphore, #tpu.memory_space<semaphore_mem>> -> memref<1x!tpu.dma_semaphore, #tpu.memory_space<semaphore_mem>>
      %dma_wait3A_352 = tpu.memref_squeeze %dma_wait3A_351 : memref<1x!tpu.dma_semaphore, #tpu.memory_space<semaphore_mem>> -> memref<!tpu.dma_semaphore, #tpu.memory_space<semaphore_mem>>
      %dma_wait3A_353 = arith.constant 0 : i32
      %dma_wait3A_354 = tpu.memref_slice %arg4[%mul3A_2, %dma_wait3A_353] : memref<36864x128xf32, #tpu.memory_space<hbm>> -> memref<128x128xf32, #tpu.memory_space<hbm>>
      %dma_wait3A_355 = arith.constant 0 : i32
      %dma_wait3A_356 = arith.constant 0 : i32
      %dma_wait3A_357 = tpu.memref_slice %arg6[%dma_wait3A_343, %dma_wait3A_355, %dma_wait3A_356] : memref<3x128x128xf32, #tpu.memory_space<vmem>> -> memref<1x128x128xf32, #tpu.memory_space<vmem>>
      %dma_wait3A_358 = tpu.memref_squeeze %dma_wait3A_357 : memref<1x128x128xf32, #tpu.memory_space<vmem>> -> memref<128x128xf32, #tpu.memory_space<vmem>>
      tpu.wait_dma2 semaphore(%dma_wait3A_352 : memref<!tpu.dma_semaphore, #tpu.memory_space<semaphore_mem>>) src(%dma_wait3A_358 : memref<128x128xf32, #tpu.memory_space<vmem>>) dst(%dma_wait3A_354 : memref<128x128xf32, #tpu.memory_space<hbm>>)
      %add3A_359 = arith.constant 3 : i32
      %add3A_360 = arith.addi %mul3A_200, %add3A_359 : i32
      %add3A_361 = arith.constant 1 : i32
      %add3A_362 = arith.addi %add3A_360, %add3A_361 : i32
      %dma_start3A_363 = arith.constant 1 : i32
      %dma_start3A_364 = arith.constant 1 : i32
      %dma_start3A_365 = arith.constant 0 : i32
      %dma_start3A_366 = arith.constant 0 : i32
      %dma_start3A_367 = tpu.memref_slice %arg6[%dma_start3A_363, %dma_start3A_365, %dma_start3A_366] : memref<3x128x128xf32, #tpu.memory_space<vmem>> -> memref<1x128x128xf32, #tpu.memory_space<vmem>>
      %dma_start3A_368 = tpu.memref_squeeze %dma_start3A_367 : memref<1x128x128xf32, #tpu.memory_space<vmem>> -> memref<128x128xf32, #tpu.memory_space<vmem>>
      %dma_start3A_369 = arith.constant 0 : i32
      %dma_start3A_370 = tpu.memref_slice %arg5[%add3A_362, %dma_start3A_369] : memref<9x128xi32, #tpu.memory_space<vmem>> -> memref<1x128xi32, #tpu.memory_space<vmem>>
      %dma_start3A_371 = tpu.memref_squeeze %dma_start3A_370 : memref<1x128xi32, #tpu.memory_space<vmem>> -> memref<128xi32, #tpu.memory_space<vmem>>
      %dma_start3A_372 = arith.constant 0 : i32
      %dma_start3A_373 = arith.constant 0 : i32
      %dma_start3A_374 = tpu.memref_slice %arg3[%dma_start3A_372, %dma_start3A_373] : memref<1000000x128xf32, #tpu.memory_space<hbm>> -> memref<1000000x128xf32, #tpu.memory_space<hbm>>
      %dma_start3A_375 = tpu.memref_slice %arg7[%dma_start3A_364] : memref<3x!tpu.dma_semaphore, #tpu.memory_space<semaphore_mem>> -> memref<1x!tpu.dma_semaphore, #tpu.memory_space<semaphore_mem>>
      %dma_start3A_376 = tpu.memref_squeeze %dma_start3A_375 : memref<1x!tpu.dma_semaphore, #tpu.memory_space<semaphore_mem>> -> memref<!tpu.dma_semaphore, #tpu.memory_space<semaphore_mem>>
      tpu.enqueue_indirect_dma source(%dma_start3A_374 : memref<1000000x128xf32, #tpu.memory_space<hbm>>) target(%dma_start3A_368 : memref<128x128xf32, #tpu.memory_space<vmem>>) offsets(%dma_start3A_371 : memref<128xi32, #tpu.memory_space<vmem>>) semaphore(%dma_start3A_376 : memref<!tpu.dma_semaphore, #tpu.memory_space<semaphore_mem>>)
      %dma_wait3A_377 = arith.constant 2 : i32
      %dma_wait3A_378 = arith.constant 2 : i32
      %dma_wait3A_379 = arith.constant 0 : i32
      %dma_wait3A_380 = arith.constant 0 : i32
      %dma_wait3A_381 = tpu.memref_slice %arg6[%dma_wait3A_377, %dma_wait3A_379, %dma_wait3A_380] : memref<3x128x128xf32, #tpu.memory_space<vmem>> -> memref<1x128x128xf32, #tpu.memory_space<vmem>>
      %dma_wait3A_382 = tpu.memref_squeeze %dma_wait3A_381 : memref<1x128x128xf32, #tpu.memory_space<vmem>> -> memref<128x128xf32, #tpu.memory_space<vmem>>
      %dma_wait3A_383 = arith.constant 0 : i32
      %dma_wait3A_384 = tpu.memref_slice %arg4[%mul3A_2, %dma_wait3A_383] : memref<36864x128xf32, #tpu.memory_space<hbm>> -> memref<128x128xf32, #tpu.memory_space<hbm>>
      %dma_wait3A_385 = tpu.memref_slice %arg8[%dma_wait3A_378] : memref<3x!tpu.dma_semaphore, #tpu.memory_space<semaphore_mem>> -> memref<1x!tpu.dma_semaphore, #tpu.memory_space<semaphore_mem>>
      %dma_wait3A_386 = tpu.memref_squeeze %dma_wait3A_385 : memref<1x!tpu.dma_semaphore, #tpu.memory_space<semaphore_mem>> -> memref<!tpu.dma_semaphore, #tpu.memory_space<semaphore_mem>>
      %dma_wait3A_387 = arith.constant 0 : i32
      %dma_wait3A_388 = tpu.memref_slice %arg4[%mul3A_2, %dma_wait3A_387] : memref<36864x128xf32, #tpu.memory_space<hbm>> -> memref<128x128xf32, #tpu.memory_space<hbm>>
      %dma_wait3A_389 = arith.constant 0 : i32
      %dma_wait3A_390 = arith.constant 0 : i32
      %dma_wait3A_391 = tpu.memref_slice %arg6[%dma_wait3A_377, %dma_wait3A_389, %dma_wait3A_390] : memref<3x128x128xf32, #tpu.memory_space<vmem>> -> memref<1x128x128xf32, #tpu.memory_space<vmem>>
      %dma_wait3A_392 = tpu.memref_squeeze %dma_wait3A_391 : memref<1x128x128xf32, #tpu.memory_space<vmem>> -> memref<128x128xf32, #tpu.memory_space<vmem>>
      tpu.wait_dma2 semaphore(%dma_wait3A_386 : memref<!tpu.dma_semaphore, #tpu.memory_space<semaphore_mem>>) src(%dma_wait3A_392 : memref<128x128xf32, #tpu.memory_space<vmem>>) dst(%dma_wait3A_388 : memref<128x128xf32, #tpu.memory_space<hbm>>)
      %add3A_393 = arith.constant 3 : i32
      %add3A_394 = arith.addi %mul3A_200, %add3A_393 : i32
      %add3A_395 = arith.constant 2 : i32
      %add3A_396 = arith.addi %add3A_394, %add3A_395 : i32
      %dma_start3A_397 = arith.constant 2 : i32
      %dma_start3A_398 = arith.constant 2 : i32
      %dma_start3A_399 = arith.constant 0 : i32
      %dma_start3A_400 = arith.constant 0 : i32
      %dma_start3A_401 = tpu.memref_slice %arg6[%dma_start3A_397, %dma_start3A_399, %dma_start3A_400] : memref<3x128x128xf32, #tpu.memory_space<vmem>> -> memref<1x128x128xf32, #tpu.memory_space<vmem>>
      %dma_start3A_402 = tpu.memref_squeeze %dma_start3A_401 : memref<1x128x128xf32, #tpu.memory_space<vmem>> -> memref<128x128xf32, #tpu.memory_space<vmem>>
      %dma_start3A_403 = arith.constant 0 : i32
      %dma_start3A_404 = tpu.memref_slice %arg5[%add3A_396, %dma_start3A_403] : memref<9x128xi32, #tpu.memory_space<vmem>> -> memref<1x128xi32, #tpu.memory_space<vmem>>
      %dma_start3A_405 = tpu.memref_squeeze %dma_start3A_404 : memref<1x128xi32, #tpu.memory_space<vmem>> -> memref<128xi32, #tpu.memory_space<vmem>>
      %dma_start3A_406 = arith.constant 0 : i32
      %dma_start3A_407 = arith.constant 0 : i32
      %dma_start3A_408 = tpu.memref_slice %arg3[%dma_start3A_406, %dma_start3A_407] : memref<1000000x128xf32, #tpu.memory_space<hbm>> -> memref<1000000x128xf32, #tpu.memory_space<hbm>>
      %dma_start3A_409 = tpu.memref_slice %arg7[%dma_start3A_398] : memref<3x!tpu.dma_semaphore, #tpu.memory_space<semaphore_mem>> -> memref<1x!tpu.dma_semaphore, #tpu.memory_space<semaphore_mem>>
      %dma_start3A_410 = tpu.memref_squeeze %dma_start3A_409 : memref<1x!tpu.dma_semaphore, #tpu.memory_space<semaphore_mem>> -> memref<!tpu.dma_semaphore, #tpu.memory_space<semaphore_mem>>
      tpu.enqueue_indirect_dma source(%dma_start3A_408 : memref<1000000x128xf32, #tpu.memory_space<hbm>>) target(%dma_start3A_402 : memref<128x128xf32, #tpu.memory_space<vmem>>) offsets(%dma_start3A_405 : memref<128xi32, #tpu.memory_space<vmem>>) semaphore(%dma_start3A_410 : memref<!tpu.dma_semaphore, #tpu.memory_space<semaphore_mem>>)
    }
    %scan3A_51 = arith.constant 2 : i32
    %dma_wait3A = arith.constant 0 : i32
    %dma_wait3A_52 = arith.constant 0 : i32
    %dma_wait3A_53 = arith.constant 0 : i32
    %dma_wait3A_54 = arith.constant 0 : i32
    %dma_wait3A_55 = arith.constant 0 : i32
    %dma_wait3A_56 = tpu.memref_slice %arg6[%dma_wait3A_52, %dma_wait3A_54, %dma_wait3A_55] : memref<3x128x128xf32, #tpu.memory_space<vmem>> -> memref<1x128x128xf32, #tpu.memory_space<vmem>>
    %dma_wait3A_57 = tpu.memref_squeeze %dma_wait3A_56 : memref<1x128x128xf32, #tpu.memory_space<vmem>> -> memref<128x128xf32, #tpu.memory_space<vmem>>
    %dma_wait3A_58 = arith.constant 0 : i32
    %dma_wait3A_59 = tpu.memref_slice %arg5[%dma_wait3A, %dma_wait3A_58] : memref<9x128xi32, #tpu.memory_space<vmem>> -> memref<1x128xi32, #tpu.memory_space<vmem>>
    %dma_wait3A_60 = tpu.memref_squeeze %dma_wait3A_59 : memref<1x128xi32, #tpu.memory_space<vmem>> -> memref<128xi32, #tpu.memory_space<vmem>>
    %dma_wait3A_61 = arith.constant 0 : i32
    %dma_wait3A_62 = arith.constant 0 : i32
    %dma_wait3A_63 = tpu.memref_slice %arg3[%dma_wait3A_61, %dma_wait3A_62] : memref<1000000x128xf32, #tpu.memory_space<hbm>> -> memref<1000000x128xf32, #tpu.memory_space<hbm>>
    %dma_wait3A_64 = tpu.memref_slice %arg7[%dma_wait3A_53] : memref<3x!tpu.dma_semaphore, #tpu.memory_space<semaphore_mem>> -> memref<1x!tpu.dma_semaphore, #tpu.memory_space<semaphore_mem>>
    %dma_wait3A_65 = tpu.memref_squeeze %dma_wait3A_64 : memref<1x!tpu.dma_semaphore, #tpu.memory_space<semaphore_mem>> -> memref<!tpu.dma_semaphore, #tpu.memory_space<semaphore_mem>>
    tpu.wait_indirect_dma semaphore(%dma_wait3A_65 : memref<!tpu.dma_semaphore, #tpu.memory_space<semaphore_mem>>) src(%dma_wait3A_63 : memref<1000000x128xf32, #tpu.memory_space<hbm>>) dst(%dma_wait3A_57 : memref<128x128xf32, #tpu.memory_space<vmem>>)
    %add3A_66 = arith.constant 768 : i32
    %add3A_67 = arith.addi %mul3A_2, %add3A_66 : i32
    %dma_start3A_68 = arith.constant 0 : i32
    %dma_start3A_69 = arith.constant 0 : i32
    %dma_start3A_70 = arith.constant 0 : i32
    %dma_start3A_71 = arith.constant 0 : i32
    %dma_start3A_72 = tpu.memref_slice %arg6[%dma_start3A_68, %dma_start3A_70, %dma_start3A_71] : memref<3x128x128xf32, #tpu.memory_space<vmem>> -> memref<1x128x128xf32, #tpu.memory_space<vmem>>
    %dma_start3A_73 = tpu.memref_squeeze %dma_start3A_72 : memref<1x128x128xf32, #tpu.memory_space<vmem>> -> memref<128x128xf32, #tpu.memory_space<vmem>>
    %dma_start3A_74 = arith.constant 0 : i32
    %dma_start3A_75 = tpu.memref_slice %arg4[%add3A_67, %dma_start3A_74] : memref<36864x128xf32, #tpu.memory_space<hbm>> -> memref<128x128xf32, #tpu.memory_space<hbm>>
    %dma_start3A_76 = tpu.memref_slice %arg8[%dma_start3A_69] : memref<3x!tpu.dma_semaphore, #tpu.memory_space<semaphore_mem>> -> memref<1x!tpu.dma_semaphore, #tpu.memory_space<semaphore_mem>>
    %dma_start3A_77 = tpu.memref_squeeze %dma_start3A_76 : memref<1x!tpu.dma_semaphore, #tpu.memory_space<semaphore_mem>> -> memref<!tpu.dma_semaphore, #tpu.memory_space<semaphore_mem>>
    %dma_start3A_78 = arith.constant 0 : i32
    %dma_start3A_79 = tpu.memref_slice %arg4[%add3A_67, %dma_start3A_78] : memref<36864x128xf32, #tpu.memory_space<hbm>> -> memref<128x128xf32, #tpu.memory_space<hbm>>
    %dma_start3A_80 = arith.constant 0 : i32
    %dma_start3A_81 = arith.constant 0 : i32
    %dma_start3A_82 = tpu.memref_slice %arg6[%dma_start3A_68, %dma_start3A_80, %dma_start3A_81] : memref<3x128x128xf32, #tpu.memory_space<vmem>> -> memref<1x128x128xf32, #tpu.memory_space<vmem>>
    %dma_start3A_83 = tpu.memref_squeeze %dma_start3A_82 : memref<1x128x128xf32, #tpu.memory_space<vmem>> -> memref<128x128xf32, #tpu.memory_space<vmem>>
    tpu.enqueue_dma source(%dma_start3A_83 : memref<128x128xf32, #tpu.memory_space<vmem>>) target(%dma_start3A_79 : memref<128x128xf32, #tpu.memory_space<hbm>>) target_semaphore(%dma_start3A_77 : memref<!tpu.dma_semaphore, #tpu.memory_space<semaphore_mem>>)
    %dma_wait3A_84 = arith.constant 0 : i32
    %dma_wait3A_85 = arith.constant 1 : i32
    %dma_wait3A_86 = arith.constant 1 : i32
    %dma_wait3A_87 = arith.constant 0 : i32
    %dma_wait3A_88 = arith.constant 0 : i32
    %dma_wait3A_89 = tpu.memref_slice %arg6[%dma_wait3A_85, %dma_wait3A_87, %dma_wait3A_88] : memref<3x128x128xf32, #tpu.memory_space<vmem>> -> memref<1x128x128xf32, #tpu.memory_space<vmem>>
    %dma_wait3A_90 = tpu.memref_squeeze %dma_wait3A_89 : memref<1x128x128xf32, #tpu.memory_space<vmem>> -> memref<128x128xf32, #tpu.memory_space<vmem>>
    %dma_wait3A_91 = arith.constant 0 : i32
    %dma_wait3A_92 = tpu.memref_slice %arg5[%dma_wait3A_84, %dma_wait3A_91] : memref<9x128xi32, #tpu.memory_space<vmem>> -> memref<1x128xi32, #tpu.memory_space<vmem>>
    %dma_wait3A_93 = tpu.memref_squeeze %dma_wait3A_92 : memref<1x128xi32, #tpu.memory_space<vmem>> -> memref<128xi32, #tpu.memory_space<vmem>>
    %dma_wait3A_94 = arith.constant 0 : i32
    %dma_wait3A_95 = arith.constant 0 : i32
    %dma_wait3A_96 = tpu.memref_slice %arg3[%dma_wait3A_94, %dma_wait3A_95] : memref<1000000x128xf32, #tpu.memory_space<hbm>> -> memref<1000000x128xf32, #tpu.memory_space<hbm>>
    %dma_wait3A_97 = tpu.memref_slice %arg7[%dma_wait3A_86] : memref<3x!tpu.dma_semaphore, #tpu.memory_space<semaphore_mem>> -> memref<1x!tpu.dma_semaphore, #tpu.memory_space<semaphore_mem>>
    %dma_wait3A_98 = tpu.memref_squeeze %dma_wait3A_97 : memref<1x!tpu.dma_semaphore, #tpu.memory_space<semaphore_mem>> -> memref<!tpu.dma_semaphore, #tpu.memory_space<semaphore_mem>>
    tpu.wait_indirect_dma semaphore(%dma_wait3A_98 : memref<!tpu.dma_semaphore, #tpu.memory_space<semaphore_mem>>) src(%dma_wait3A_96 : memref<1000000x128xf32, #tpu.memory_space<hbm>>) dst(%dma_wait3A_90 : memref<128x128xf32, #tpu.memory_space<vmem>>)
    %add3A_99 = arith.constant 896 : i32
    %add3A_100 = arith.addi %mul3A_2, %add3A_99 : i32
    %dma_start3A_101 = arith.constant 1 : i32
    %dma_start3A_102 = arith.constant 1 : i32
    %dma_start3A_103 = arith.constant 0 : i32
    %dma_start3A_104 = arith.constant 0 : i32
    %dma_start3A_105 = tpu.memref_slice %arg6[%dma_start3A_101, %dma_start3A_103, %dma_start3A_104] : memref<3x128x128xf32, #tpu.memory_space<vmem>> -> memref<1x128x128xf32, #tpu.memory_space<vmem>>
    %dma_start3A_106 = tpu.memref_squeeze %dma_start3A_105 : memref<1x128x128xf32, #tpu.memory_space<vmem>> -> memref<128x128xf32, #tpu.memory_space<vmem>>
    %dma_start3A_107 = arith.constant 0 : i32
    %dma_start3A_108 = tpu.memref_slice %arg4[%add3A_100, %dma_start3A_107] : memref<36864x128xf32, #tpu.memory_space<hbm>> -> memref<128x128xf32, #tpu.memory_space<hbm>>
    %dma_start3A_109 = tpu.memref_slice %arg8[%dma_start3A_102] : memref<3x!tpu.dma_semaphore, #tpu.memory_space<semaphore_mem>> -> memref<1x!tpu.dma_semaphore, #tpu.memory_space<semaphore_mem>>
    %dma_start3A_110 = tpu.memref_squeeze %dma_start3A_109 : memref<1x!tpu.dma_semaphore, #tpu.memory_space<semaphore_mem>> -> memref<!tpu.dma_semaphore, #tpu.memory_space<semaphore_mem>>
    %dma_start3A_111 = arith.constant 0 : i32
    %dma_start3A_112 = tpu.memref_slice %arg4[%add3A_100, %dma_start3A_111] : memref<36864x128xf32, #tpu.memory_space<hbm>> -> memref<128x128xf32, #tpu.memory_space<hbm>>
    %dma_start3A_113 = arith.constant 0 : i32
    %dma_start3A_114 = arith.constant 0 : i32
    %dma_start3A_115 = tpu.memref_slice %arg6[%dma_start3A_101, %dma_start3A_113, %dma_start3A_114] : memref<3x128x128xf32, #tpu.memory_space<vmem>> -> memref<1x128x128xf32, #tpu.memory_space<vmem>>
    %dma_start3A_116 = tpu.memref_squeeze %dma_start3A_115 : memref<1x128x128xf32, #tpu.memory_space<vmem>> -> memref<128x128xf32, #tpu.memory_space<vmem>>
    tpu.enqueue_dma source(%dma_start3A_116 : memref<128x128xf32, #tpu.memory_space<vmem>>) target(%dma_start3A_112 : memref<128x128xf32, #tpu.memory_space<hbm>>) target_semaphore(%dma_start3A_110 : memref<!tpu.dma_semaphore, #tpu.memory_space<semaphore_mem>>)
    %dma_wait3A_117 = arith.constant 0 : i32
    %dma_wait3A_118 = arith.constant 2 : i32
    %dma_wait3A_119 = arith.constant 2 : i32
    %dma_wait3A_120 = arith.constant 0 : i32
    %dma_wait3A_121 = arith.constant 0 : i32
    %dma_wait3A_122 = tpu.memref_slice %arg6[%dma_wait3A_118, %dma_wait3A_120, %dma_wait3A_121] : memref<3x128x128xf32, #tpu.memory_space<vmem>> -> memref<1x128x128xf32, #tpu.memory_space<vmem>>
    %dma_wait3A_123 = tpu.memref_squeeze %dma_wait3A_122 : memref<1x128x128xf32, #tpu.memory_space<vmem>> -> memref<128x128xf32, #tpu.memory_space<vmem>>
    %dma_wait3A_124 = arith.constant 0 : i32
    %dma_wait3A_125 = tpu.memref_slice %arg5[%dma_wait3A_117, %dma_wait3A_124] : memref<9x128xi32, #tpu.memory_space<vmem>> -> memref<1x128xi32, #tpu.memory_space<vmem>>
    %dma_wait3A_126 = tpu.memref_squeeze %dma_wait3A_125 : memref<1x128xi32, #tpu.memory_space<vmem>> -> memref<128xi32, #tpu.memory_space<vmem>>
    %dma_wait3A_127 = arith.constant 0 : i32
    %dma_wait3A_128 = arith.constant 0 : i32
    %dma_wait3A_129 = tpu.memref_slice %arg3[%dma_wait3A_127, %dma_wait3A_128] : memref<1000000x128xf32, #tpu.memory_space<hbm>> -> memref<1000000x128xf32, #tpu.memory_space<hbm>>
    %dma_wait3A_130 = tpu.memref_slice %arg7[%dma_wait3A_119] : memref<3x!tpu.dma_semaphore, #tpu.memory_space<semaphore_mem>> -> memref<1x!tpu.dma_semaphore, #tpu.memory_space<semaphore_mem>>
    %dma_wait3A_131 = tpu.memref_squeeze %dma_wait3A_130 : memref<1x!tpu.dma_semaphore, #tpu.memory_space<semaphore_mem>> -> memref<!tpu.dma_semaphore, #tpu.memory_space<semaphore_mem>>
    tpu.wait_indirect_dma semaphore(%dma_wait3A_131 : memref<!tpu.dma_semaphore, #tpu.memory_space<semaphore_mem>>) src(%dma_wait3A_129 : memref<1000000x128xf32, #tpu.memory_space<hbm>>) dst(%dma_wait3A_123 : memref<128x128xf32, #tpu.memory_space<vmem>>)
    %add3A_132 = arith.constant 1024 : i32
    %add3A_133 = arith.addi %mul3A_2, %add3A_132 : i32
    %dma_start3A_134 = arith.constant 2 : i32
    %dma_start3A_135 = arith.constant 2 : i32
    %dma_start3A_136 = arith.constant 0 : i32
    %dma_start3A_137 = arith.constant 0 : i32
    %dma_start3A_138 = tpu.memref_slice %arg6[%dma_start3A_134, %dma_start3A_136, %dma_start3A_137] : memref<3x128x128xf32, #tpu.memory_space<vmem>> -> memref<1x128x128xf32, #tpu.memory_space<vmem>>
    %dma_start3A_139 = tpu.memref_squeeze %dma_start3A_138 : memref<1x128x128xf32, #tpu.memory_space<vmem>> -> memref<128x128xf32, #tpu.memory_space<vmem>>
    %dma_start3A_140 = arith.constant 0 : i32
    %dma_start3A_141 = tpu.memref_slice %arg4[%add3A_133, %dma_start3A_140] : memref<36864x128xf32, #tpu.memory_space<hbm>> -> memref<128x128xf32, #tpu.memory_space<hbm>>
    %dma_start3A_142 = tpu.memref_slice %arg8[%dma_start3A_135] : memref<3x!tpu.dma_semaphore, #tpu.memory_space<semaphore_mem>> -> memref<1x!tpu.dma_semaphore, #tpu.memory_space<semaphore_mem>>
    %dma_start3A_143 = tpu.memref_squeeze %dma_start3A_142 : memref<1x!tpu.dma_semaphore, #tpu.memory_space<semaphore_mem>> -> memref<!tpu.dma_semaphore, #tpu.memory_space<semaphore_mem>>
    %dma_start3A_144 = arith.constant 0 : i32
    %dma_start3A_145 = tpu.memref_slice %arg4[%add3A_133, %dma_start3A_144] : memref<36864x128xf32, #tpu.memory_space<hbm>> -> memref<128x128xf32, #tpu.memory_space<hbm>>
    %dma_start3A_146 = arith.constant 0 : i32
    %dma_start3A_147 = arith.constant 0 : i32
    %dma_start3A_148 = tpu.memref_slice %arg6[%dma_start3A_134, %dma_start3A_146, %dma_start3A_147] : memref<3x128x128xf32, #tpu.memory_space<vmem>> -> memref<1x128x128xf32, #tpu.memory_space<vmem>>
    %dma_start3A_149 = tpu.memref_squeeze %dma_start3A_148 : memref<1x128x128xf32, #tpu.memory_space<vmem>> -> memref<128x128xf32, #tpu.memory_space<vmem>>
    tpu.enqueue_dma source(%dma_start3A_149 : memref<128x128xf32, #tpu.memory_space<vmem>>) target(%dma_start3A_145 : memref<128x128xf32, #tpu.memory_space<hbm>>) target_semaphore(%dma_start3A_143 : memref<!tpu.dma_semaphore, #tpu.memory_space<semaphore_mem>>)
    %dma_wait3A_150 = arith.constant 0 : i32
    %dma_wait3A_151 = arith.constant 0 : i32
    %dma_wait3A_152 = arith.constant 0 : i32
    %dma_wait3A_153 = arith.constant 0 : i32
    %dma_wait3A_154 = tpu.memref_slice %arg6[%dma_wait3A_150, %dma_wait3A_152, %dma_wait3A_153] : memref<3x128x128xf32, #tpu.memory_space<vmem>> -> memref<1x128x128xf32, #tpu.memory_space<vmem>>
    %dma_wait3A_155 = tpu.memref_squeeze %dma_wait3A_154 : memref<1x128x128xf32, #tpu.memory_space<vmem>> -> memref<128x128xf32, #tpu.memory_space<vmem>>
    %dma_wait3A_156 = arith.constant 0 : i32
    %dma_wait3A_157 = tpu.memref_slice %arg4[%mul3A_2, %dma_wait3A_156] : memref<36864x128xf32, #tpu.memory_space<hbm>> -> memref<128x128xf32, #tpu.memory_space<hbm>>
    %dma_wait3A_158 = tpu.memref_slice %arg8[%dma_wait3A_151] : memref<3x!tpu.dma_semaphore, #tpu.memory_space<semaphore_mem>> -> memref<1x!tpu.dma_semaphore, #tpu.memory_space<semaphore_mem>>
    %dma_wait3A_159 = tpu.memref_squeeze %dma_wait3A_158 : memref<1x!tpu.dma_semaphore, #tpu.memory_space<semaphore_mem>> -> memref<!tpu.dma_semaphore, #tpu.memory_space<semaphore_mem>>
    %dma_wait3A_160 = arith.constant 0 : i32
    %dma_wait3A_161 = tpu.memref_slice %arg4[%mul3A_2, %dma_wait3A_160] : memref<36864x128xf32, #tpu.memory_space<hbm>> -> memref<128x128xf32, #tpu.memory_space<hbm>>
    %dma_wait3A_162 = arith.constant 0 : i32
    %dma_wait3A_163 = arith.constant 0 : i32
    %dma_wait3A_164 = tpu.memref_slice %arg6[%dma_wait3A_150, %dma_wait3A_162, %dma_wait3A_163] : memref<3x128x128xf32, #tpu.memory_space<vmem>> -> memref<1x128x128xf32, #tpu.memory_space<vmem>>
    %dma_wait3A_165 = tpu.memref_squeeze %dma_wait3A_164 : memref<1x128x128xf32, #tpu.memory_space<vmem>> -> memref<128x128xf32, #tpu.memory_space<vmem>>
    tpu.wait_dma2 semaphore(%dma_wait3A_159 : memref<!tpu.dma_semaphore, #tpu.memory_space<semaphore_mem>>) src(%dma_wait3A_165 : memref<128x128xf32, #tpu.memory_space<vmem>>) dst(%dma_wait3A_161 : memref<128x128xf32, #tpu.memory_space<hbm>>)
    %dma_wait3A_166 = arith.constant 1 : i32
    %dma_wait3A_167 = arith.constant 1 : i32
    %dma_wait3A_168 = arith.constant 0 : i32
    %dma_wait3A_169 = arith.constant 0 : i32
    %dma_wait3A_170 = tpu.memref_slice %arg6[%dma_wait3A_166, %dma_wait3A_168, %dma_wait3A_169] : memref<3x128x128xf32, #tpu.memory_space<vmem>> -> memref<1x128x128xf32, #tpu.memory_space<vmem>>
    %dma_wait3A_171 = tpu.memref_squeeze %dma_wait3A_170 : memref<1x128x128xf32, #tpu.memory_space<vmem>> -> memref<128x128xf32, #tpu.memory_space<vmem>>
    %dma_wait3A_172 = arith.constant 0 : i32
    %dma_wait3A_173 = tpu.memref_slice %arg4[%mul3A_2, %dma_wait3A_172] : memref<36864x128xf32, #tpu.memory_space<hbm>> -> memref<128x128xf32, #tpu.memory_space<hbm>>
    %dma_wait3A_174 = tpu.memref_slice %arg8[%dma_wait3A_167] : memref<3x!tpu.dma_semaphore, #tpu.memory_space<semaphore_mem>> -> memref<1x!tpu.dma_semaphore, #tpu.memory_space<semaphore_mem>>
    %dma_wait3A_175 = tpu.memref_squeeze %dma_wait3A_174 : memref<1x!tpu.dma_semaphore, #tpu.memory_space<semaphore_mem>> -> memref<!tpu.dma_semaphore, #tpu.memory_space<semaphore_mem>>
    %dma_wait3A_176 = arith.constant 0 : i32
    %dma_wait3A_177 = tpu.memref_slice %arg4[%mul3A_2, %dma_wait3A_176] : memref<36864x128xf32, #tpu.memory_space<hbm>> -> memref<128x128xf32, #tpu.memory_space<hbm>>
    %dma_wait3A_178 = arith.constant 0 : i32
    %dma_wait3A_179 = arith.constant 0 : i32
    %dma_wait3A_180 = tpu.memref_slice %arg6[%dma_wait3A_166, %dma_wait3A_178, %dma_wait3A_179] : memref<3x128x128xf32, #tpu.memory_space<vmem>> -> memref<1x128x128xf32, #tpu.memory_space<vmem>>
    %dma_wait3A_181 = tpu.memref_squeeze %dma_wait3A_180 : memref<1x128x128xf32, #tpu.memory_space<vmem>> -> memref<128x128xf32, #tpu.memory_space<vmem>>
    tpu.wait_dma2 semaphore(%dma_wait3A_175 : memref<!tpu.dma_semaphore, #tpu.memory_space<semaphore_mem>>) src(%dma_wait3A_181 : memref<128x128xf32, #tpu.memory_space<vmem>>) dst(%dma_wait3A_177 : memref<128x128xf32, #tpu.memory_space<hbm>>)
    %dma_wait3A_182 = arith.constant 2 : i32
    %dma_wait3A_183 = arith.constant 2 : i32
    %dma_wait3A_184 = arith.constant 0 : i32
    %dma_wait3A_185 = arith.constant 0 : i32
    %dma_wait3A_186 = tpu.memref_slice %arg6[%dma_wait3A_182, %dma_wait3A_184, %dma_wait3A_185] : memref<3x128x128xf32, #tpu.memory_space<vmem>> -> memref<1x128x128xf32, #tpu.memory_space<vmem>>
    %dma_wait3A_187 = tpu.memref_squeeze %dma_wait3A_186 : memref<1x128x128xf32, #tpu.memory_space<vmem>> -> memref<128x128xf32, #tpu.memory_space<vmem>>
    %dma_wait3A_188 = arith.constant 0 : i32
    %dma_wait3A_189 = tpu.memref_slice %arg4[%mul3A_2, %dma_wait3A_188] : memref<36864x128xf32, #tpu.memory_space<hbm>> -> memref<128x128xf32, #tpu.memory_space<hbm>>
    %dma_wait3A_190 = tpu.memref_slice %arg8[%dma_wait3A_183] : memref<3x!tpu.dma_semaphore, #tpu.memory_space<semaphore_mem>> -> memref<1x!tpu.dma_semaphore, #tpu.memory_space<semaphore_mem>>
    %dma_wait3A_191 = tpu.memref_squeeze %dma_wait3A_190 : memref<1x!tpu.dma_semaphore, #tpu.memory_space<semaphore_mem>> -> memref<!tpu.dma_semaphore, #tpu.memory_space<semaphore_mem>>
    %dma_wait3A_192 = arith.constant 0 : i32
    %dma_wait3A_193 = tpu.memref_slice %arg4[%mul3A_2, %dma_wait3A_192] : memref<36864x128xf32, #tpu.memory_space<hbm>> -> memref<128x128xf32, #tpu.memory_space<hbm>>
    %dma_wait3A_194 = arith.constant 0 : i32
    %dma_wait3A_195 = arith.constant 0 : i32
    %dma_wait3A_196 = tpu.memref_slice %arg6[%dma_wait3A_182, %dma_wait3A_194, %dma_wait3A_195] : memref<3x128x128xf32, #tpu.memory_space<vmem>> -> memref<1x128x128xf32, #tpu.memory_space<vmem>>
    %dma_wait3A_197 = tpu.memref_squeeze %dma_wait3A_196 : memref<1x128x128xf32, #tpu.memory_space<vmem>> -> memref<128x128xf32, #tpu.memory_space<vmem>>
    tpu.wait_dma2 semaphore(%dma_wait3A_191 : memref<!tpu.dma_semaphore, #tpu.memory_space<semaphore_mem>>) src(%dma_wait3A_197 : memref<128x128xf32, #tpu.memory_space<vmem>>) dst(%dma_wait3A_193 : memref<128x128xf32, #tpu.memory_space<hbm>>)
    return
  }
}

module attributes {stable_mosaic.version = 14 : i64} {
  func.func @_mlp_body(%arg0: i32, %arg1: memref<1024x128xf32, #tpu.memory_space<vmem>>, %arg2: memref<1024x128xf32, #tpu.memory_space<vmem>>, %arg3: memref<1024x128xf32, #tpu.memory_space<vmem>>, %arg4: memref<1024x128xf32, #tpu.memory_space<vmem>>, %arg5: memref<1024x128xf32, #tpu.memory_space<vmem>>, %arg6: memref<1024x128xf32, #tpu.memory_space<vmem>>, %arg7: memref<6x128x128xf32, #tpu.memory_space<vmem>>, %arg8: memref<128x1xf32, #tpu.memory_space<vmem>>, %arg9: memref<128x91xf32, #tpu.memory_space<vmem>>, %arg10: memref<91x1xf32, #tpu.memory_space<vmem>>, %arg11: memref<91x16384xf32, #tpu.memory_space<any>>, %arg12: memref<91x1024xf32, #tpu.memory_space<vmem>>) attributes {dimension_semantics = [#tpu.dimension_semantics<arbitrary>], iteration_bounds = array<i64: 6>, scalar_prefetch = 0 : i64, scratch_operands = 0 : i64, tpu.core_type = #tpu.core_type<tc>, window_params = [{transform_indices = @transform_0, window_bounds = array<i64: 1024, 128>}, {transform_indices = @transform_1, window_bounds = array<i64: 1024, 128>}, {transform_indices = @transform_2, window_bounds = array<i64: 1024, 128>}, {transform_indices = @transform_3, window_bounds = array<i64: 1024, 128>}, {transform_indices = @transform_4, window_bounds = array<i64: 1024, 128>}, {transform_indices = @transform_5, window_bounds = array<i64: 1024, 128>}, {pipeline_mode = #tpu.pipeline_mode<synchronous>, transform_indices = @transform_6, window_bounds = array<i64: 6, 128, 128>}, {pipeline_mode = #tpu.pipeline_mode<synchronous>, transform_indices = @transform_7, window_bounds = array<i64: 128, 1>}, {pipeline_mode = #tpu.pipeline_mode<synchronous>, transform_indices = @transform_8, window_bounds = array<i64: 128, 91>}, {pipeline_mode = #tpu.pipeline_mode<synchronous>, transform_indices = @transform_9, window_bounds = array<i64: 91, 1>}, {}, {transform_indices = @transform_11, window_bounds = array<i64: 91, 1024>}]} {
    %get3A = arith.constant 0 : index
    %get3A_0 = arith.constant 0 : index
    %get3A_1 = arith.constant 0 : index
    %get3A_2 = vector.load %arg7[%get3A, %get3A_0, %get3A_1] : memref<6x128x128xf32, #tpu.memory_space<vmem>>, vector<1x128x128xf32>
    %get3A_3 = vector.shape_cast %get3A_2 : vector<1x128x128xf32> to vector<128x128xf32>
    %get3A_4 = arith.constant 0 : index
    %get3A_5 = arith.constant 0 : index
    %get3A_6 = vector.load %arg1[%get3A_4, %get3A_5] : memref<1024x128xf32, #tpu.memory_space<vmem>>, vector<1024x128xf32>
    %dot_general3A = arith.constant dense<0.000000e+00> : vector<128x1024xf32>
    %dot_general3A_7 = tpu.matmul %get3A_3, %get3A_6, %dot_general3A {dimension_numbers = #tpu.dot_dimension_numbers<[0], [1], [1], [0], [0, 1, 1, 0], [], []>, transpose_lhs_hint = false} : vector<128x128xf32>, vector<1024x128xf32>, vector<128x1024xf32> -> vector<128x1024xf32>
    %get3A_8 = arith.constant 1 : index
    %get3A_9 = arith.constant 0 : index
    %get3A_10 = arith.constant 0 : index
    %get3A_11 = vector.load %arg7[%get3A_8, %get3A_9, %get3A_10] : memref<6x128x128xf32, #tpu.memory_space<vmem>>, vector<1x128x128xf32>
    %get3A_12 = vector.shape_cast %get3A_11 : vector<1x128x128xf32> to vector<128x128xf32>
    %get3A_13 = arith.constant 0 : index
    %get3A_14 = arith.constant 0 : index
    %get3A_15 = vector.load %arg2[%get3A_13, %get3A_14] : memref<1024x128xf32, #tpu.memory_space<vmem>>, vector<1024x128xf32>
    %dot_general3A_16 = arith.constant dense<0.000000e+00> : vector<128x1024xf32>
    %dot_general3A_17 = tpu.matmul %get3A_12, %get3A_15, %dot_general3A_16 {dimension_numbers = #tpu.dot_dimension_numbers<[0], [1], [1], [0], [0, 1, 1, 0], [], []>, transpose_lhs_hint = false} : vector<128x128xf32>, vector<1024x128xf32>, vector<128x1024xf32> -> vector<128x1024xf32>
    %add3A = arith.addf %dot_general3A_7, %dot_general3A_17 : vector<128x1024xf32>
    %get3A_18 = arith.constant 2 : index
    %get3A_19 = arith.constant 0 : index
    %get3A_20 = arith.constant 0 : index
    %get3A_21 = vector.load %arg7[%get3A_18, %get3A_19, %get3A_20] : memref<6x128x128xf32, #tpu.memory_space<vmem>>, vector<1x128x128xf32>
    %get3A_22 = vector.shape_cast %get3A_21 : vector<1x128x128xf32> to vector<128x128xf32>
    %get3A_23 = arith.constant 0 : index
    %get3A_24 = arith.constant 0 : index
    %get3A_25 = vector.load %arg3[%get3A_23, %get3A_24] : memref<1024x128xf32, #tpu.memory_space<vmem>>, vector<1024x128xf32>
    %dot_general3A_26 = arith.constant dense<0.000000e+00> : vector<128x1024xf32>
    %dot_general3A_27 = tpu.matmul %get3A_22, %get3A_25, %dot_general3A_26 {dimension_numbers = #tpu.dot_dimension_numbers<[0], [1], [1], [0], [0, 1, 1, 0], [], []>, transpose_lhs_hint = false} : vector<128x128xf32>, vector<1024x128xf32>, vector<128x1024xf32> -> vector<128x1024xf32>
    %add3A_28 = arith.addf %add3A, %dot_general3A_27 : vector<128x1024xf32>
    %get3A_29 = arith.constant 3 : index
    %get3A_30 = arith.constant 0 : index
    %get3A_31 = arith.constant 0 : index
    %get3A_32 = vector.load %arg7[%get3A_29, %get3A_30, %get3A_31] : memref<6x128x128xf32, #tpu.memory_space<vmem>>, vector<1x128x128xf32>
    %get3A_33 = vector.shape_cast %get3A_32 : vector<1x128x128xf32> to vector<128x128xf32>
    %get3A_34 = arith.constant 0 : index
    %get3A_35 = arith.constant 0 : index
    %get3A_36 = vector.load %arg4[%get3A_34, %get3A_35] : memref<1024x128xf32, #tpu.memory_space<vmem>>, vector<1024x128xf32>
    %dot_general3A_37 = arith.constant dense<0.000000e+00> : vector<128x1024xf32>
    %dot_general3A_38 = tpu.matmul %get3A_33, %get3A_36, %dot_general3A_37 {dimension_numbers = #tpu.dot_dimension_numbers<[0], [1], [1], [0], [0, 1, 1, 0], [], []>, transpose_lhs_hint = false} : vector<128x128xf32>, vector<1024x128xf32>, vector<128x1024xf32> -> vector<128x1024xf32>
    %add3A_39 = arith.addf %add3A_28, %dot_general3A_38 : vector<128x1024xf32>
    %get3A_40 = arith.constant 4 : index
    %get3A_41 = arith.constant 0 : index
    %get3A_42 = arith.constant 0 : index
    %get3A_43 = vector.load %arg7[%get3A_40, %get3A_41, %get3A_42] : memref<6x128x128xf32, #tpu.memory_space<vmem>>, vector<1x128x128xf32>
    %get3A_44 = vector.shape_cast %get3A_43 : vector<1x128x128xf32> to vector<128x128xf32>
    %get3A_45 = arith.constant 0 : index
    %get3A_46 = arith.constant 0 : index
    %get3A_47 = vector.load %arg5[%get3A_45, %get3A_46] : memref<1024x128xf32, #tpu.memory_space<vmem>>, vector<1024x128xf32>
    %dot_general3A_48 = arith.constant dense<0.000000e+00> : vector<128x1024xf32>
    %dot_general3A_49 = tpu.matmul %get3A_44, %get3A_47, %dot_general3A_48 {dimension_numbers = #tpu.dot_dimension_numbers<[0], [1], [1], [0], [0, 1, 1, 0], [], []>, transpose_lhs_hint = false} : vector<128x128xf32>, vector<1024x128xf32>, vector<128x1024xf32> -> vector<128x1024xf32>
    %add3A_50 = arith.addf %add3A_39, %dot_general3A_49 : vector<128x1024xf32>
    %get3A_51 = arith.constant 5 : index
    %get3A_52 = arith.constant 0 : index
    %get3A_53 = arith.constant 0 : index
    %get3A_54 = vector.load %arg7[%get3A_51, %get3A_52, %get3A_53] : memref<6x128x128xf32, #tpu.memory_space<vmem>>, vector<1x128x128xf32>
    %get3A_55 = vector.shape_cast %get3A_54 : vector<1x128x128xf32> to vector<128x128xf32>
    %get3A_56 = arith.constant 0 : index
    %get3A_57 = arith.constant 0 : index
    %get3A_58 = vector.load %arg6[%get3A_56, %get3A_57] : memref<1024x128xf32, #tpu.memory_space<vmem>>, vector<1024x128xf32>
    %dot_general3A_59 = arith.constant dense<0.000000e+00> : vector<128x1024xf32>
    %dot_general3A_60 = tpu.matmul %get3A_55, %get3A_58, %dot_general3A_59 {dimension_numbers = #tpu.dot_dimension_numbers<[0], [1], [1], [0], [0, 1, 1, 0], [], []>, transpose_lhs_hint = false} : vector<128x128xf32>, vector<1024x128xf32>, vector<128x1024xf32> -> vector<128x1024xf32>
    %add3A_61 = arith.addf %add3A_50, %dot_general3A_60 : vector<128x1024xf32>
    %get3A_62 = arith.constant 0 : index
    %get3A_63 = arith.constant 0 : index
    %get3A_64 = vector.load %arg8[%get3A_62, %get3A_63] : memref<128x1xf32, #tpu.memory_space<vmem>>, vector<128x1xf32>
    %add3A_65 = vector.broadcast %get3A_64 : vector<128x1xf32> to vector<128x1024xf32>
    %add3A_66 = arith.addf %add3A_61, %add3A_65 : vector<128x1024xf32>
    %max3A = arith.constant 0.000000e+00 : f32
    %max3A_67 = vector.broadcast %max3A : f32 to vector<128x1024xf32>
    %max3A_68 = arith.maximumf %add3A_66, %max3A_67 : vector<128x1024xf32>
    %get3A_69 = arith.constant 0 : index
    %get3A_70 = arith.constant 0 : index
    %get3A_71 = vector.load %arg9[%get3A_69, %get3A_70] : memref<128x91xf32, #tpu.memory_space<vmem>>, vector<128x91xf32>
    %dot_general3A_72 = arith.constant dense<0.000000e+00> : vector<91x1024xf32>
    %dot_general3A_73 = tpu.matmul %get3A_71, %max3A_68, %dot_general3A_72 {dimension_numbers = #tpu.dot_dimension_numbers<[0], [0], [1], [1], [0, 1, 1, 1], [], []>, transpose_lhs_hint = false} : vector<128x91xf32>, vector<128x1024xf32>, vector<91x1024xf32> -> vector<91x1024xf32>
    %get3A_74 = arith.constant 0 : index
    %get3A_75 = arith.constant 0 : index
    %get3A_76 = vector.load %arg10[%get3A_74, %get3A_75] : memref<91x1xf32, #tpu.memory_space<vmem>>, vector<91x1xf32>
    %add3A_77 = vector.broadcast %get3A_76 : vector<91x1xf32> to vector<91x1024xf32>
    %add3A_78 = arith.addf %dot_general3A_73, %add3A_77 : vector<91x1024xf32>
    %swap3A = arith.constant 0 : index
    %swap3A_79 = arith.constant 0 : index
    %swap3A_80 = vector.load %arg12[%swap3A, %swap3A_79] : memref<91x1024xf32, #tpu.memory_space<vmem>>, vector<91x1024xf32>
    tpu.vector_store %arg12[%swap3A, %swap3A_79], %add3A_78 {strides = array<i32>} : memref<91x1024xf32, #tpu.memory_space<vmem>>, vector<91x1024xf32>,
    return
  }
  func.func @transform_0(%arg0: i32) -> (i32, i32) {
    %add3A = arith.constant 0 : i32
    %add3A_0 = arith.addi %add3A, %arg0 : i32
    %c0_i32 = arith.constant 0 : i32
    %c0_i32_1 = arith.constant 0 : i32
    return %add3A_0, %c0_i32 : i32, i32
  }
  func.func @transform_1(%arg0: i32) -> (i32, i32) {
    %add3A = arith.constant 6 : i32
    %add3A_0 = arith.addi %add3A, %arg0 : i32
    %c0_i32 = arith.constant 0 : i32
    %c0_i32_1 = arith.constant 0 : i32
    return %add3A_0, %c0_i32 : i32, i32
  }
  func.func @transform_2(%arg0: i32) -> (i32, i32) {
    %add3A = arith.constant 12 : i32
    %add3A_0 = arith.addi %add3A, %arg0 : i32
    %c0_i32 = arith.constant 0 : i32
    %c0_i32_1 = arith.constant 0 : i32
    return %add3A_0, %c0_i32 : i32, i32
  }
  func.func @transform_3(%arg0: i32) -> (i32, i32) {
    %add3A = arith.constant 18 : i32
    %add3A_0 = arith.addi %add3A, %arg0 : i32
    %c0_i32 = arith.constant 0 : i32
    %c0_i32_1 = arith.constant 0 : i32
    return %add3A_0, %c0_i32 : i32, i32
  }
  func.func @transform_4(%arg0: i32) -> (i32, i32) {
    %add3A = arith.constant 24 : i32
    %add3A_0 = arith.addi %add3A, %arg0 : i32
    %c0_i32 = arith.constant 0 : i32
    %c0_i32_1 = arith.constant 0 : i32
    return %add3A_0, %c0_i32 : i32, i32
  }
  func.func @transform_5(%arg0: i32) -> (i32, i32) {
    %add3A = arith.constant 30 : i32
    %add3A_0 = arith.addi %add3A, %arg0 : i32
    %c0_i32 = arith.constant 0 : i32
    %c0_i32_1 = arith.constant 0 : i32
    return %add3A_0, %c0_i32 : i32, i32
  }
  func.func @transform_6(%arg0: i32) -> (i32, i32, i32) {
    %c0_i32 = arith.constant 0 : i32
    %c0_i32_0 = arith.constant 0 : i32
    %c0_i32_1 = arith.constant 0 : i32
    %c0_i32_2 = arith.constant 0 : i32
    return %c0_i32, %c0_i32_0, %c0_i32_1 : i32, i32, i32
  }
  func.func @transform_7(%arg0: i32) -> (i32, i32) {
    %c0_i32 = arith.constant 0 : i32
    %c0_i32_0 = arith.constant 0 : i32
    %c0_i32_1 = arith.constant 0 : i32
    return %c0_i32, %c0_i32_0 : i32, i32
  }
  func.func @transform_8(%arg0: i32) -> (i32, i32) {
    %c0_i32 = arith.constant 0 : i32
    %c0_i32_0 = arith.constant 0 : i32
    %c0_i32_1 = arith.constant 0 : i32
    return %c0_i32, %c0_i32_0 : i32, i32
  }
  func.func @transform_9(%arg0: i32) -> (i32, i32) {
    %c0_i32 = arith.constant 0 : i32
    %c0_i32_0 = arith.constant 0 : i32
    %c0_i32_1 = arith.constant 0 : i32
    return %c0_i32, %c0_i32_0 : i32, i32
  }
  func.func @transform_11(%arg0: i32) -> (i32, i32) {
    %add3A = arith.constant 10 : i32
    %add3A_0 = arith.addi %add3A, %arg0 : i32
    %c0_i32 = arith.constant 0 : i32
    %c0_i32_1 = arith.constant 0 : i32
    return %c0_i32, %add3A_0 : i32, i32
  }
}

module attributes {stable_mosaic.version = 14 : i64} {
  func.func @_mlp_body_nobase(%arg0: i32, %arg1: memref<1024x128xf32, #tpu.memory_space<vmem>>, %arg2: memref<1024x128xf32, #tpu.memory_space<vmem>>, %arg3: memref<1024x128xf32, #tpu.memory_space<vmem>>, %arg4: memref<1024x128xf32, #tpu.memory_space<vmem>>, %arg5: memref<1024x128xf32, #tpu.memory_space<vmem>>, %arg6: memref<1024x128xf32, #tpu.memory_space<vmem>>, %arg7: memref<6x128x128xf32, #tpu.memory_space<vmem>>, %arg8: memref<128x1xf32, #tpu.memory_space<vmem>>, %arg9: memref<128x91xf32, #tpu.memory_space<vmem>>, %arg10: memref<91x1xf32, #tpu.memory_space<vmem>>, %arg11: memref<91x1024xf32, #tpu.memory_space<vmem>>) attributes {dimension_semantics = [#tpu.dimension_semantics<arbitrary>], iteration_bounds = array<i64: 10>, scalar_prefetch = 0 : i64, scratch_operands = 0 : i64, tpu.core_type = #tpu.core_type<tc>, window_params = [{transform_indices = @transform_0, window_bounds = array<i64: 1024, 128>}, {transform_indices = @transform_1, window_bounds = array<i64: 1024, 128>}, {transform_indices = @transform_2, window_bounds = array<i64: 1024, 128>}, {transform_indices = @transform_3, window_bounds = array<i64: 1024, 128>}, {transform_indices = @transform_4, window_bounds = array<i64: 1024, 128>}, {transform_indices = @transform_5, window_bounds = array<i64: 1024, 128>}, {pipeline_mode = #tpu.pipeline_mode<synchronous>, transform_indices = @transform_6, window_bounds = array<i64: 6, 128, 128>}, {pipeline_mode = #tpu.pipeline_mode<synchronous>, transform_indices = @transform_7, window_bounds = array<i64: 128, 1>}, {pipeline_mode = #tpu.pipeline_mode<synchronous>, transform_indices = @transform_8, window_bounds = array<i64: 128, 91>}, {pipeline_mode = #tpu.pipeline_mode<synchronous>, transform_indices = @transform_9, window_bounds = array<i64: 91, 1>}, {transform_indices = @transform_10, window_bounds = array<i64: 91, 1024>}]} {
    %get3A = arith.constant 0 : index
    %get3A_0 = arith.constant 0 : index
    %get3A_1 = arith.constant 0 : index
    %get3A_2 = vector.load %arg7[%get3A, %get3A_0, %get3A_1] : memref<6x128x128xf32, #tpu.memory_space<vmem>>, vector<1x128x128xf32>
    %get3A_3 = vector.shape_cast %get3A_2 : vector<1x128x128xf32> to vector<128x128xf32>
    %get3A_4 = arith.constant 0 : index
    %get3A_5 = arith.constant 0 : index
    %get3A_6 = vector.load %arg1[%get3A_4, %get3A_5] : memref<1024x128xf32, #tpu.memory_space<vmem>>, vector<1024x128xf32>
    %dot_general3A = arith.constant dense<0.000000e+00> : vector<128x1024xf32>
    %dot_general3A_7 = tpu.matmul %get3A_3, %get3A_6, %dot_general3A {dimension_numbers = #tpu.dot_dimension_numbers<[0], [1], [1], [0], [0, 1, 1, 0], [], []>, transpose_lhs_hint = false} : vector<128x128xf32>, vector<1024x128xf32>, vector<128x1024xf32> -> vector<128x1024xf32>
    %get3A_8 = arith.constant 1 : index
    %get3A_9 = arith.constant 0 : index
    %get3A_10 = arith.constant 0 : index
    %get3A_11 = vector.load %arg7[%get3A_8, %get3A_9, %get3A_10] : memref<6x128x128xf32, #tpu.memory_space<vmem>>, vector<1x128x128xf32>
    %get3A_12 = vector.shape_cast %get3A_11 : vector<1x128x128xf32> to vector<128x128xf32>
    %get3A_13 = arith.constant 0 : index
    %get3A_14 = arith.constant 0 : index
    %get3A_15 = vector.load %arg2[%get3A_13, %get3A_14] : memref<1024x128xf32, #tpu.memory_space<vmem>>, vector<1024x128xf32>
    %dot_general3A_16 = arith.constant dense<0.000000e+00> : vector<128x1024xf32>
    %dot_general3A_17 = tpu.matmul %get3A_12, %get3A_15, %dot_general3A_16 {dimension_numbers = #tpu.dot_dimension_numbers<[0], [1], [1], [0], [0, 1, 1, 0], [], []>, transpose_lhs_hint = false} : vector<128x128xf32>, vector<1024x128xf32>, vector<128x1024xf32> -> vector<128x1024xf32>
    %add3A = arith.addf %dot_general3A_7, %dot_general3A_17 : vector<128x1024xf32>
    %get3A_18 = arith.constant 2 : index
    %get3A_19 = arith.constant 0 : index
    %get3A_20 = arith.constant 0 : index
    %get3A_21 = vector.load %arg7[%get3A_18, %get3A_19, %get3A_20] : memref<6x128x128xf32, #tpu.memory_space<vmem>>, vector<1x128x128xf32>
    %get3A_22 = vector.shape_cast %get3A_21 : vector<1x128x128xf32> to vector<128x128xf32>
    %get3A_23 = arith.constant 0 : index
    %get3A_24 = arith.constant 0 : index
    %get3A_25 = vector.load %arg3[%get3A_23, %get3A_24] : memref<1024x128xf32, #tpu.memory_space<vmem>>, vector<1024x128xf32>
    %dot_general3A_26 = arith.constant dense<0.000000e+00> : vector<128x1024xf32>
    %dot_general3A_27 = tpu.matmul %get3A_22, %get3A_25, %dot_general3A_26 {dimension_numbers = #tpu.dot_dimension_numbers<[0], [1], [1], [0], [0, 1, 1, 0], [], []>, transpose_lhs_hint = false} : vector<128x128xf32>, vector<1024x128xf32>, vector<128x1024xf32> -> vector<128x1024xf32>
    %add3A_28 = arith.addf %add3A, %dot_general3A_27 : vector<128x1024xf32>
    %get3A_29 = arith.constant 3 : index
    %get3A_30 = arith.constant 0 : index
    %get3A_31 = arith.constant 0 : index
    %get3A_32 = vector.load %arg7[%get3A_29, %get3A_30, %get3A_31] : memref<6x128x128xf32, #tpu.memory_space<vmem>>, vector<1x128x128xf32>
    %get3A_33 = vector.shape_cast %get3A_32 : vector<1x128x128xf32> to vector<128x128xf32>
    %get3A_34 = arith.constant 0 : index
    %get3A_35 = arith.constant 0 : index
    %get3A_36 = vector.load %arg4[%get3A_34, %get3A_35] : memref<1024x128xf32, #tpu.memory_space<vmem>>, vector<1024x128xf32>
    %dot_general3A_37 = arith.constant dense<0.000000e+00> : vector<128x1024xf32>
    %dot_general3A_38 = tpu.matmul %get3A_33, %get3A_36, %dot_general3A_37 {dimension_numbers = #tpu.dot_dimension_numbers<[0], [1], [1], [0], [0, 1, 1, 0], [], []>, transpose_lhs_hint = false} : vector<128x128xf32>, vector<1024x128xf32>, vector<128x1024xf32> -> vector<128x1024xf32>
    %add3A_39 = arith.addf %add3A_28, %dot_general3A_38 : vector<128x1024xf32>
    %get3A_40 = arith.constant 4 : index
    %get3A_41 = arith.constant 0 : index
    %get3A_42 = arith.constant 0 : index
    %get3A_43 = vector.load %arg7[%get3A_40, %get3A_41, %get3A_42] : memref<6x128x128xf32, #tpu.memory_space<vmem>>, vector<1x128x128xf32>
    %get3A_44 = vector.shape_cast %get3A_43 : vector<1x128x128xf32> to vector<128x128xf32>
    %get3A_45 = arith.constant 0 : index
    %get3A_46 = arith.constant 0 : index
    %get3A_47 = vector.load %arg5[%get3A_45, %get3A_46] : memref<1024x128xf32, #tpu.memory_space<vmem>>, vector<1024x128xf32>
    %dot_general3A_48 = arith.constant dense<0.000000e+00> : vector<128x1024xf32>
    %dot_general3A_49 = tpu.matmul %get3A_44, %get3A_47, %dot_general3A_48 {dimension_numbers = #tpu.dot_dimension_numbers<[0], [1], [1], [0], [0, 1, 1, 0], [], []>, transpose_lhs_hint = false} : vector<128x128xf32>, vector<1024x128xf32>, vector<128x1024xf32> -> vector<128x1024xf32>
    %add3A_50 = arith.addf %add3A_39, %dot_general3A_49 : vector<128x1024xf32>
    %get3A_51 = arith.constant 5 : index
    %get3A_52 = arith.constant 0 : index
    %get3A_53 = arith.constant 0 : index
    %get3A_54 = vector.load %arg7[%get3A_51, %get3A_52, %get3A_53] : memref<6x128x128xf32, #tpu.memory_space<vmem>>, vector<1x128x128xf32>
    %get3A_55 = vector.shape_cast %get3A_54 : vector<1x128x128xf32> to vector<128x128xf32>
    %get3A_56 = arith.constant 0 : index
    %get3A_57 = arith.constant 0 : index
    %get3A_58 = vector.load %arg6[%get3A_56, %get3A_57] : memref<1024x128xf32, #tpu.memory_space<vmem>>, vector<1024x128xf32>
    %dot_general3A_59 = arith.constant dense<0.000000e+00> : vector<128x1024xf32>
    %dot_general3A_60 = tpu.matmul %get3A_55, %get3A_58, %dot_general3A_59 {dimension_numbers = #tpu.dot_dimension_numbers<[0], [1], [1], [0], [0, 1, 1, 0], [], []>, transpose_lhs_hint = false} : vector<128x128xf32>, vector<1024x128xf32>, vector<128x1024xf32> -> vector<128x1024xf32>
    %add3A_61 = arith.addf %add3A_50, %dot_general3A_60 : vector<128x1024xf32>
    %get3A_62 = arith.constant 0 : index
    %get3A_63 = arith.constant 0 : index
    %get3A_64 = vector.load %arg8[%get3A_62, %get3A_63] : memref<128x1xf32, #tpu.memory_space<vmem>>, vector<128x1xf32>
    %add3A_65 = vector.broadcast %get3A_64 : vector<128x1xf32> to vector<128x1024xf32>
    %add3A_66 = arith.addf %add3A_61, %add3A_65 : vector<128x1024xf32>
    %max3A = arith.constant 0.000000e+00 : f32
    %max3A_67 = vector.broadcast %max3A : f32 to vector<128x1024xf32>
    %max3A_68 = arith.maximumf %add3A_66, %max3A_67 : vector<128x1024xf32>
    %get3A_69 = arith.constant 0 : index
    %get3A_70 = arith.constant 0 : index
    %get3A_71 = vector.load %arg9[%get3A_69, %get3A_70] : memref<128x91xf32, #tpu.memory_space<vmem>>, vector<128x91xf32>
    %dot_general3A_72 = arith.constant dense<0.000000e+00> : vector<91x1024xf32>
    %dot_general3A_73 = tpu.matmul %get3A_71, %max3A_68, %dot_general3A_72 {dimension_numbers = #tpu.dot_dimension_numbers<[0], [0], [1], [1], [0, 1, 1, 1], [], []>, transpose_lhs_hint = false} : vector<128x91xf32>, vector<128x1024xf32>, vector<91x1024xf32> -> vector<91x1024xf32>
    %get3A_74 = arith.constant 0 : index
    %get3A_75 = arith.constant 0 : index
    %get3A_76 = vector.load %arg10[%get3A_74, %get3A_75] : memref<91x1xf32, #tpu.memory_space<vmem>>, vector<91x1xf32>
    %add3A_77 = vector.broadcast %get3A_76 : vector<91x1xf32> to vector<91x1024xf32>
    %add3A_78 = arith.addf %dot_general3A_73, %add3A_77 : vector<91x1024xf32>
    %swap3A = arith.constant 0 : index
    %swap3A_79 = arith.constant 0 : index
    %swap3A_80 = vector.load %arg11[%swap3A, %swap3A_79] : memref<91x1024xf32, #tpu.memory_space<vmem>>, vector<91x1024xf32>
    tpu.vector_store %arg11[%swap3A, %swap3A_79], %add3A_78 {strides = array<i32>} : memref<91x1024xf32, #tpu.memory_space<vmem>>, vector<91x1024xf32>,
    return
  }
  func.func @transform_0(%arg0: i32) -> (i32, i32) {
    %add3A = arith.constant 0 : i32
    %add3A_0 = arith.addi %add3A, %arg0 : i32
    %c0_i32 = arith.constant 0 : i32
    %c0_i32_1 = arith.constant 0 : i32
    return %add3A_0, %c0_i32 : i32, i32
  }
  func.func @transform_1(%arg0: i32) -> (i32, i32) {
    %add3A = arith.constant 10 : i32
    %add3A_0 = arith.addi %add3A, %arg0 : i32
    %c0_i32 = arith.constant 0 : i32
    %c0_i32_1 = arith.constant 0 : i32
    return %add3A_0, %c0_i32 : i32, i32
  }
  func.func @transform_2(%arg0: i32) -> (i32, i32) {
    %add3A = arith.constant 20 : i32
    %add3A_0 = arith.addi %add3A, %arg0 : i32
    %c0_i32 = arith.constant 0 : i32
    %c0_i32_1 = arith.constant 0 : i32
    return %add3A_0, %c0_i32 : i32, i32
  }
  func.func @transform_3(%arg0: i32) -> (i32, i32) {
    %add3A = arith.constant 30 : i32
    %add3A_0 = arith.addi %add3A, %arg0 : i32
    %c0_i32 = arith.constant 0 : i32
    %c0_i32_1 = arith.constant 0 : i32
    return %add3A_0, %c0_i32 : i32, i32
  }
  func.func @transform_4(%arg0: i32) -> (i32, i32) {
    %add3A = arith.constant 40 : i32
    %add3A_0 = arith.addi %add3A, %arg0 : i32
    %c0_i32 = arith.constant 0 : i32
    %c0_i32_1 = arith.constant 0 : i32
    return %add3A_0, %c0_i32 : i32, i32
  }
  func.func @transform_5(%arg0: i32) -> (i32, i32) {
    %add3A = arith.constant 50 : i32
    %add3A_0 = arith.addi %add3A, %arg0 : i32
    %c0_i32 = arith.constant 0 : i32
    %c0_i32_1 = arith.constant 0 : i32
    return %add3A_0, %c0_i32 : i32, i32
  }
  func.func @transform_6(%arg0: i32) -> (i32, i32, i32) {
    %c0_i32 = arith.constant 0 : i32
    %c0_i32_0 = arith.constant 0 : i32
    %c0_i32_1 = arith.constant 0 : i32
    %c0_i32_2 = arith.constant 0 : i32
    return %c0_i32, %c0_i32_0, %c0_i32_1 : i32, i32, i32
  }
  func.func @transform_7(%arg0: i32) -> (i32, i32) {
    %c0_i32 = arith.constant 0 : i32
    %c0_i32_0 = arith.constant 0 : i32
    %c0_i32_1 = arith.constant 0 : i32
    return %c0_i32, %c0_i32_0 : i32, i32
  }
  func.func @transform_8(%arg0: i32) -> (i32, i32) {
    %c0_i32 = arith.constant 0 : i32
    %c0_i32_0 = arith.constant 0 : i32
    %c0_i32_1 = arith.constant 0 : i32
    return %c0_i32, %c0_i32_0 : i32, i32
  }
  func.func @transform_9(%arg0: i32) -> (i32, i32) {
    %c0_i32 = arith.constant 0 : i32
    %c0_i32_0 = arith.constant 0 : i32
    %c0_i32_1 = arith.constant 0 : i32
    return %c0_i32, %c0_i32_0 : i32, i32
  }
  func.func @transform_10(%arg0: i32) -> (i32, i32) {
    %add3A = arith.constant 0 : i32
    %add3A_0 = arith.addi %add3A, %arg0 : i32
    %c0_i32 = arith.constant 0 : i32
    %c0_i32_1 = arith.constant 0 : i32
    return %c0_i32, %add3A_0 : i32, i32
  }
}

</mosaic_0001>

<sc_bundles>
// kernel: kernel.6.cloned.1.call-start
scs
__scs_entry_jumppad:
0x0: {  	(pc) =	sbr.rel $0x88, $3  }
0x1: {  	(tag) =	ssettag $0x0;
	lr =	simm.s32 $0x1  }
0x2: {  	[smem:$0x3F9B] =	sst lr;
	_ =	strace $0xD0000000  }
0x3: {  	_ = 	snop  }
0x4: {  	_ = 	snop  }
0x5: {  	_ = 	snop  }
0x6: {  	_ = 	snop  }
0x7: {  	_ = 	snop  }
__scs_overlays_trampoline_lowered:
0x8: {  	[smem:$0x3FAA] =	sst s0  }
0x9: {  	[smem:$0x3FAB] =	sst s1  }
0xa: {  	[smem:$0x3FAC] =	sst s2  }
0xb: {  	[smem:$0x3FAD] =	sst s3  }
0xc: {  	[smem:$0x3FAE] =	sst s4  }
0xd: {  	[smem:$0x3FAF] =	sst s5  }
0xe: {  	[smem:$0x3FB0] =	sst s6  }
0xf: {  	[smem:$0x3FB1] =	sst s7  }
0x10: {  	[smem:$0x3FB2] =	sst s8  }
0x11: {  	[smem:$0x3FB3] =	sst s9;
	s0 =	simm.s32 @!p0 $0x0  }
0x12: {  	s1 =	sld [smem:$0x3F99];
	s0 =	simm.s32 @p0 $0x1  }
0x13: {  	[smem:$0x3FB4] =	sst s0;
	s0 =	simm.s32 @!p1 $0x0  }
0x14: {  	s2 =	sld [smem:$0x3F98];
	s0 =	simm.s32 @p1 $0x1  }
0x15: {  	[smem:$0x3FB5] =	sst s0;
	s0 =	simm.s32 @!p2 $0x0  }
0x16: {  	s3 =	sld [smem:$0x3FDB];
	s0 =	simm.s32 @p2 $0x1  }
0x17: {  	s4 =	simm.s32 $0x1BF5;
	[smem:$0x3FB7] =	sst s0  }
0x18: {  	s0 =	sld [smem:$0x3F9A];
	_ =	swait.ge [sflag:s4], $0x0  }
0x19: {  	s7 =	sld [smem:$0x3F9B]  }
0x1a: {  	s8 =	sadd.s32 $0xFFFFE003, lr  }
0x1b: {  	s9 =	sadd.s32 $0xFFFFFEF7, lr;
	s5 =	simm.s32 $0xFFFFFFFF;
	p2 =	slt.u32 s8, $0xFFFFF086  }
0x1c: {  	p1 =	slt.u32 s9, $0xF7A;
	s5 =	simm.s32 @!p2 $0x0  }
0x1d: {  	s5 =	simm.s32 @p1 $0x1;
	p0 =	seq.s32 s7, s2  }
0x1e: {  	s7 =	smul.u32 @!p0 $0xF7A, s2;
	p2 =	seq.s32 @!p0 s5, $0x0  }
0x1f: {  	s9 =	smul.u32 $0xF7A, s1;
	s8 =	simm.s32 @!p0 $0x1BF5;
	p2 =	por !p2, p0  }
0x20: {  	[sflag:s8] =	ssyncset.s32 @!p0 $0xFFFFF086;
	s6 =	sadd.s32 @!p0 s3, s7;
	s7 =	simm.s32 @!p0 $0x108  }
0x21: {  	s3 =	sadd.s32 s3, s9;
	s6 =	sadd.s32 @!p0 $0x88, s6;
	s7 =	simm.s32 @p2 $0x1082  }
0x22: {  	[simem:s7], [sflag:s8] =	dma.local @!p0 [hbm:s6], $0xF7A  }
0x23: {  	s9 =	sor.u32 $0xD0000000, s2;
	s6 =	simm.s32 $0x108;
	_ =	swait.ge @!p0 [sflag:s8], $0x0  }
0x24: {  	s3 =	sadd.s32 $0x88, s3;
	s6 =	simm.s32 @!p1 $0x1082;
	[sflag:s4] =	ssyncset.s32 $0xFFFFF086  }
0x25: {  	[simem:s6], [sflag:s4] =	dma.local [hbm:s3], $0xF7A  }
0x26: {  	[smem:$0x3F9B] =	sst s1;
	(tag) =	ssettag s2;
	_ =	strace s9  }
0x27: {  	s1 =	sld [smem:$0x3FAB]  }
0x28: {  	s2 =	sld [smem:$0x3FAC]  }
0x29: {  	s4 =	sld [smem:$0x3FAE]  }
0x2a: {  	p0 =	seq.s32 s5, $0x0;
	s5 =	sld [smem:$0x3FAF]  }
0x2b: {  	s6 =	sld [smem:$0x3FB0]  }
0x2c: {  	s7 =	sld [smem:$0x3FB1]  }
0x2d: {  	s3 =	simm.s32 $0x108;
	s8 =	sld [smem:$0x3FB2]  }
0x2e: {  	s3 =	simm.s32 @!p0 $0x1082;
	s9 =	sld [smem:$0x3FB3]  }
0x2f: {  	lr =	sadd.s32 s0, s3;
	s0 =	sld [smem:$0x3FAA]  }
0x30: {  	s3 =	sld [smem:$0x3FAD]  }
0x31: {  	[smem:$0x3FB6] =	sst s10  }
0x32: {  	s10 =	sld [smem:$0x3FB4];
	_ =	sdelay $0x3  }
0x33: {  	p0 =	seq.s32 s10, $0x1;
	s10 =	sld [smem:$0x3FB6];
	_ =	sdelay $0x3  }
0x34: {  	[smem:$0x3FB6] =	sst s10  }
0x35: {  	s10 =	sld [smem:$0x3FB5];
	_ =	sdelay $0x3  }
0x36: {  	p1 =	seq.s32 s10, $0x1;
	s10 =	sld [smem:$0x3FB6];
	_ =	sdelay $0x3  }
0x37: {  	[smem:$0x3FB6] =	sst s10  }
0x38: {  	s10 =	sld [smem:$0x3FB7]  }
0x39: {  	_ = 	snop;
	(pc) =	sbr.ind lr, $3  }
0x3a: {  	_ = 	snop  }
0x3b: {  	_ = 	snop  }
0x3c: {  	p2 =	seq.s32 s10, $0x1;
	s10 =	sld [smem:$0x3FB6]  }
0x3d: {  	_ =	shalt  }
0x3e: {  	_ =	shalt  }
0x3f: {  	_ =	shalt  }
0x40: {  	_ =	shalt  }
0x41: {  	_ =	shalt  }
0x42: {  	_ =	shalt  }
0x43: {  	_ =	shalt  }
0x44: {  	_ =	shalt  }
0x45: {  	_ =	shalt  }
0x46: {  	_ =	shalt  }
0x47: {  	_ =	shalt  }
0x48: {  	_ =	shalt  }
0x49: {  	_ =	shalt  }
0x4a: {  	_ =	shalt  }
0x4b: {  	_ =	shalt  }
0x4c: {  	_ =	shalt  }
0x4d: {  	_ =	shalt  }
0x4e: {  	_ =	shalt  }
0x4f: {  	_ =	shalt  }
0x50: {  	_ =	shalt  }
0x51: {  	_ =	shalt  }
0x52: {  	_ =	shalt  }
0x53: {  	_ =	shalt  }
0x54: {  	_ =	shalt  }
0x55: {  	_ =	shalt  }
0x56: {  	_ =	shalt  }
0x57: {  	_ =	shalt  }
0x58: {  	_ =	shalt  }
0x59: {  	_ =	shalt  }
0x5a: {  	_ =	shalt  }
0x5b: {  	_ =	shalt  }
0x5c: {  	_ =	shalt  }
0x5d: {  	_ =	shalt  }
0x5e: {  	_ =	shalt  }
0x5f: {  	_ =	shalt  }
0x60: {  	_ =	shalt  }
0x61: {  	_ =	shalt  }
0x62: {  	_ =	shalt  }
0x63: {  	_ =	shalt  }
0x64: {  	_ =	shalt  }
0x65: {  	_ =	shalt  }
0x66: {  	_ =	shalt  }
0x67: {  	_ =	shalt  }
0x68: {  	_ =	shalt  }
0x69: {  	_ =	shalt  }
0x6a: {  	_ =	shalt  }
0x6b: {  	_ =	shalt  }
0x6c: {  	_ =	shalt  }
0x6d: {  	_ =	shalt  }
0x6e: {  	_ =	shalt  }
0x6f: {  	_ =	shalt  }
0x70: {  	_ =	shalt  }
0x71: {  	_ =	shalt  }
0x72: {  	_ =	shalt  }
0x73: {  	_ =	shalt  }
0x74: {  	_ =	shalt  }
0x75: {  	_ =	shalt  }
0x76: {  	_ =	shalt  }
0x77: {  	_ =	shalt  }
0x78: {  	_ =	shalt  }
0x79: {  	_ =	shalt  }
0x7a: {  	_ =	shalt  }
0x7b: {  	_ =	shalt  }
0x7c: {  	_ =	shalt  }
0x7d: {  	_ =	shalt  }
0x7e: {  	_ =	shalt  }
0x7f: {  	_ =	shalt  }
0x80: {  	_ =	shalt  }
0x81: {  	_ =	shalt  }
0x82: {  	_ =	shalt  }
0x83: {  	_ =	shalt  }
0x84: {  	_ =	shalt  }
0x85: {  	_ =	shalt  }
0x86: {  	_ =	shalt  }
0x87: {  	_ =	shalt  }
.Lfunc_end0:
.L_simem_size_0:
called_computation_lowered:
.L_overlay_start_0:
0x88: {  	s2 =	sld [smem:$0x3FD9]  }
0x89: {  	s3 =	sld [smem:$0x3FFE];
	_ =	sdelay $0x1  }
0x8a: {  	s1 =	srdreg.scid  }
0x8b: {  	s0 =	sand.u32 $0x1, s1  }
0x8c: {  	s17 =	sshll.u32 s0, $0xA;
	s2 =	sadd.s32 s3, s2  }
0x8d: {  	s2 =	sadd.s32 s2, s17  }
0x8e: {  	[smem:$0x3FC2] =	sst s2  }
0x8f: {  	_ = 	snop  }
0x90: {  	s2 =	sld [smem:$0x3FC8]  }
0x91: {  	s18 =	sld [smem:$0x3FD0];
	(tm) =	ssettm $0x1  }
0x92: {  	s4 =	sld [smem:$0x3FFB];
	_ =	sdelay $0x3  }
0x93: {  	_ =	strace s4  }
0x94: {  	s4 =	sld [smem:$0x3FFC];
	_ =	sdelay $0x3  }
0x95: {  	_ =	strace s4  }
0x96: {  	s4 =	sld [smem:$0x3FFD];
	_ =	sdelay $0x3  }
0x97: {  	_ =	strace s4  }
0x98: {  	_ =	strace $0x8FFFFFFF  }
0x99: {  	s19 =	sld [smem:$0x3FDB];
	_ =	sdelay $0x1  }
0x9a: {  	s5 =	simm.s32 $_scs_section_size  }
0x9b: {  	s6 =	simm.s32 $_size__tile_overlayer_lowered;
	s7 =	simm.s32 $_tile_overlayer_lowered  }
0x9c: {  	s22 =	simm.s32 $0x1BFF;
	s21 =	sshll.u32 s7, $0x1;
	s4 =	sadd.s32 s5, s19  }
0x9d: {  	s8 =	simm.s32 $0x0;
	s20 =	sshll.u32 s6, $0x1;
	s6 =	sadd.s32 s21, s4  }
0x9e: {  	[timem:s8], [sflag:s22] =	dma.local [hbm:s6], s20  }
0x9f: {  	_ =	swait.ge [sflag:s22], s20  }
0xa0: {  	s5 =	ssub.s32 $0x0, s20;
	[sflag:s22] =	ssyncset.done $0x0  }
0xa1: {  	[sflag:s22] =	ssyncadd.s32 s5;
	_ =	sdelay $0x1  }
0xa2: {  	s23 =	simm.s32 $0x1B8B  }
0xa3: {  	_ =	swait.ge [sflag:s23], $0x1  }
0xa4: {  	[sflag:s23] =	ssyncset.done $0x0  }
0xa5: {  	s25 =	simm.s32 $0x1B8E;
	s24 =	sld [smem:$0x3FFE];
	[sflag:s23] =	ssyncadd.s32 $0xFFFFFFFF  }
0xa6: {  	s26 =	simm.s32 $execute0_lowered;
	[smem:$0x3FD2] =	sst s25  }
0xa7: {  	s6 =	sshll.u32 s26, $0x1;
	_ =	strace $0x80000046;
	[dreg:$0x1] =	wrdreg $0xFFFFFFFF  }
0xa8: {  	s28 =	simm.s32 $_size_execute0_lowered;
	s4 =	sadd.s32 s4, s6;
	[dreg:$0x0] =	wrdreg $0x0  }
0xa9: {  	s6 =	sshll.u32 s28, $0x1;
	[dreg:$0x2] =	wrdreg s4  }
0xaa: {  	[dreg:$0x3] =	wrdreg s6  }
0xab: {  	[dreg:$0x4] =	wrdreg $0xC0  }
0xac: {  	_ =	task [dreg:s8], $0x5FFFF  }
0xad: {  	[dreg:$0x1] =	wrdreg $0xFFFFFFFF  }
0xae: {  	[dreg:$0x0] =	wrdreg $0x60  }
0xaf: {  	[dreg:$0x2] =	wrdreg s18  }
0xb0: {  	[dreg:$0x3] =	wrdreg s2  }
0xb1: {  	[dreg:$0x4] =	wrdreg s24  }
0xb2: {  	[dreg:$0x5] =	wrdreg $0x9  }
0xb3: {  	_ =	task.clear_ibuf [dreg:s8], $0x6FFFF;
	_ =	strace $0x90000046  }
0xb4: {  	s29 =	simm.s32 $0x9;
	_ =	strace $0x80000048  }
0xb5: {  	_ =	swait.ge [sflag:s29], $0x1  }
0xb6: {  	[sflag:s29] =	ssyncadd.s32 $0xFFFFFFFF  }
0xb7: {  	_ =	strace $0x90000048  }
0xb8: {  	_ =	sfence  }
0xb9: {  	s30 =	sld [smem:$0x0];
	_ =	sdelay $0x2  }
0xba: {  	s31 =	sshll.u32 s1, $0xD;
	s1 =	sshrl.u32 s1, $0x2  }
0xbb: {  	s3 =	sand.u32 $0x4000, s31;
	s1 =	sadd.s32 s1, s30  }
0xbc: {  	s0 =	sor.u32 s3, s0;
	s1 =	sshll.u32 s1, $0x11  }
0xbd: {  	s0 =	sor.u32 s1, s0  }
0xbe: {  	s0 =	sadd.s32 $0x8F2B, s0  }
0xbf: {  	[sflag:s0] =	ssyncadd.remote.s32 $0x1  }
0xc0: {  	_ =	sfence.sel $0xFFFF  }
0xc1: {  	[dreg:$0x0] =	wrdreg $0xFFFFFFFF;
	(pc) =	sbr.abs _section_cstart, $3  }
0xc2: {  	[dreg:$0x1] =	wrdreg $0xFFFFFFFF  }
0xc3: {  	_ =	task.clear_ibuf [dreg:s8], $0x2FFFF;
	_ =	strace $0x9FFFFFFF  }
0xc4: {  	(tm) =	ssettm $0x7FFFFFFF  }
0xc5: {  	_ =	shalt  }
tec
execute0_lowered:
.L_overlay_start_1:
0x0: {  	(tag) =	ssettag $0x1  }
0x1: {  	s0 =	rddreg [dreg:$0x0];
	s1 =	srdreg.scid  }
0x2: {  	s2 =	stileid.u32;
	s3 =	rddreg [dreg:$0x1]  }
0x3: {  	s4 =	rddreg [dreg:$0x2];
	s30 =	simm.s32 $0x7;
	s12 =	simm.s32 $0x80  }
0x4: {  	s10 =	simm.s32 $0x800;
	s8 =	simm.s32 $0x4800;
	s31 =	simm.s32 $0x100  }
0x5: {  	s11 =	simm.s32 $0x2;
	s9 =	simm.s32 $0x3;
	s29 =	simm.s32 $0x180  }
0x6: {  	s28 =	simm.s32 $0x200;
	s1 =	sand.u32 $0x1, s1;
	s2 =	sshll.u32 s2, $0x1  }
0x7: {  	p0 =	por $0x0, $0x0;
	s4 =	sadd.s32 $0x1200, s4;
	s5 =	sor.u32 s1, s2  }
0x8: {  	s2 =	simm.s32 $0x0;
	s1 =	ssub.s32 $0x2, s1;
	s6 =	smul.u32 $0x3C000, s5  }
0x9: {  	[smem:$0x7FF] =	sst s2;
	s7 =	sshll.u32 s5, $0x8;
	s5 =	smul.u32 $0x7800, s5  }
0xa: {  	s23 =	sshrl.u32 s1, $0x1;
	_ =	strace $0x80000047;
	s0 =	sadd.s32 s0, s7  }
0xb: {  	s1 =	ssub.s32 s1, s23;
	s7 =	simm.s32 $0x4;
	s23 =	simm.s32 $0x380  }
0xc: {  	s6 =	sshrl.u32 s6, $0x3;
	[dreg:$0x4] =	wrdreg s0;
	s24 =	sadd.s32 s4, s5  }
0xd: {  	s1 =	smax.u32 s1, $0x1;
	s16 =	sadd.s32 $0x800, s24;
	s0 =	rddreg [dreg:$0x4]  }
0xe: {  	s5 =	simm.s32 $0x8800;
	s17 =	sadd.s32 $0x1000, s24;
	[dreg:$0x8] =	wrdreg s16  }
0xf: {  	s6 =	sadd.s32 s4, s6;
	s18 =	sadd.s32 $0x1800, s24;
	[dreg:$0x9] =	wrdreg s17  }
0x10: {  	s19 =	sadd.s32 $0x2000, s24;
	s20 =	sadd.s32 $0x2800, s24;
	[dreg:$0xa] =	wrdreg s18  }
0x11: {  	s21 =	sadd.s32 $0x3000, s24;
	s22 =	sadd.s32 $0x3800, s24;
	[dreg:$0xb] =	wrdreg s19  }
0x12: {  	s25 =	sadd.s32 $0x4000, s24;
	s26 =	sadd.s32 $0x4800, s24;
	[dreg:$0xc] =	wrdreg s20  }
0x13: {  	s4 =	simm.s32 $0x6;
	p1 =	sne.s32 s1, $0x1;
	[dreg:$0xd] =	wrdreg s21  }
0x14: {  	s1 =	sadd.s32 $0xFFFFFFFF, s1;
	s13 =	sadd.s32 $0x6000, s6;
	[dreg:$0xe] =	wrdreg s22  }
0x15: {  	s14 =	sadd.s32 $0x6800, s6;
	s15 =	sadd.s32 $0x7000, s6;
	[dreg:$0xf] =	wrdreg s25  }
0x16: {  	[dreg:$0x10] =	wrdreg s26;
	s6 =	simm.s32 $0x5;
	s26 =	simm.s32 $0x280  }
.Ltmp0:
0x17: {  	s25 =	simm.s32 $0x300;
	s22 =	simm.s32 $0x400;
	(pc) =	sbr.rel @!p1 .LBB2_3-.Ltmp0, $4  }
0x18: {  	s21 =	simm.s32 $0x480;
	s20 =	simm.s32 $0x500;
	[dreg:$0x5] =	wrdreg s13  }
0x19: {  	s19 =	simm.s32 $0x580;
	s18 =	simm.s32 $0x600;
	[dreg:$0x6] =	wrdreg s14  }
0x1a: {  	s17 =	simm.s32 $0x680;
	s16 =	simm.s32 $0x700;
	[dreg:$0x7] =	wrdreg s15  }
0x1b: {  	s15 =	sadd.s32 $0x5000, s24;
	s14 =	sadd.s32 $0x5800, s24;
	s13 =	simm.s32 $0x1  }
0x1c: {  	[tilespmem:s2], [sflag:$0x7] =	stream.linear.gather [hbm4b:s0+s2], $0x780, $0x38;
	[tilespmem:$0xC800] =	vst v63  }
0x1d: {  	_ =	swait.ge [sflag:s30], $0x780  }
0x1e: {  	[sflag:s30] =	ssyncset.done $0x0  }
0x1f: {  	[sflag:s30] =	ssyncadd.s32 $0xFFFFF880  }
0x20: {  	[tilespmem:s10], [sflag:$0x1] =	stream.indirect.gather [hbm4b:s3+s12], $0x80, s2, s12, $0xb8;
	[tilespmem:$0xC800] =	vst v63  }
0x21: {  	_ = 	snop  }
0x22: {  	[tilespmem:s8], [sflag:$0x2] =	stream.indirect.gather [hbm4b:s3+s12], $0x80, s12, s12, $0xb8;
	[tilespmem:$0xC800] =	vst v63  }
0x23: {  	_ = 	snop  }
0x24: {  	[tilespmem:s5], [sflag:$0x3] =	stream.indirect.gather [hbm4b:s3+s12], $0x80, s31, s12, $0xb8;
	[tilespmem:$0xC800] =	vst v63  }
0x25: {  	_ =	swait.ge [sflag:s13], $0x4000  }
0x26: {  	[sflag:s13] =	ssyncset.done $0x0  }
0x27: {  	[sflag:s13] =	ssyncadd.s32 $0xFFFFC000  }
0x28: {  	[hbm4b:s24+s2] =	stream.linear.scatter [tilespmem:s10], [sflag:$0x4], $0x4000, $0x38;
	[tilespmem:$0xC800] =	vst v63  }
0x29: {  	_ =	swait.ge [sflag:s11], $0x4000  }
0x2a: {  	[sflag:s11] =	ssyncset.done $0x0  }
0x2b: {  	s0 =	rddreg [dreg:$0x8];
	[sflag:s11] =	ssyncadd.s32 $0xFFFFC000  }
0x2c: {  	[hbm4b:s0+s2] =	stream.linear.scatter [tilespmem:s8], [sflag:$0x5], $0x4000, $0x38;
	[tilespmem:$0xC800] =	vst v63  }
0x2d: {  	_ =	swait.ge [sflag:s9], $0x4000  }
0x2e: {  	[sflag:s9] =	ssyncset.done $0x0  }
0x2f: {  	s0 =	rddreg [dreg:$0x9];
	[sflag:s9] =	ssyncadd.s32 $0xFFFFC000  }
0x30: {  	[hbm4b:s0+s2] =	stream.linear.scatter [tilespmem:s5], [sflag:$0x6], $0x4000, $0x38;
	[tilespmem:$0xC800] =	vst v63  }
0x31: {  	_ =	swait.ge [sflag:s7], $0x4000  }
0x32: {  	[sflag:s7] =	ssyncset.done $0x0  }
0x33: {  	[sflag:s7] =	ssyncadd.s32 $0xFFFFC000  }
0x34: {  	[tilespmem:s10], [sflag:$0x1] =	stream.indirect.gather [hbm4b:s3+s12], $0x80, s29, s12, $0xb8;
	[tilespmem:$0xC800] =	vst v63  }
0x35: {  	_ =	swait.ge [sflag:s6], $0x4000  }
0x36: {  	[sflag:s6] =	ssyncset.done $0x0  }
0x37: {  	[sflag:s6] =	ssyncadd.s32 $0xFFFFC000  }
0x38: {  	[tilespmem:s8], [sflag:$0x2] =	stream.indirect.gather [hbm4b:s3+s12], $0x80, s28, s12, $0xb8;
	[tilespmem:$0xC800] =	vst v63  }
0x39: {  	_ =	swait.ge [sflag:s4], $0x4000  }
0x3a: {  	[sflag:s4] =	ssyncset.done $0x0  }
0x3b: {  	[sflag:s4] =	ssyncadd.s32 $0xFFFFC000  }
0x3c: {  	[tilespmem:s5], [sflag:$0x3] =	stream.indirect.gather [hbm4b:s3+s12], $0x80, s26, s12, $0xb8;
	[tilespmem:$0xC800] =	vst v63  }
0x3d: {  	_ =	swait.ge [sflag:s13], $0x4000  }
0x3e: {  	[sflag:s13] =	ssyncset.done $0x0  }
0x3f: {  	s0 =	rddreg [dreg:$0xa];
	[sflag:s13] =	ssyncadd.s32 $0xFFFFC000  }
0x40: {  	[hbm4b:s0+s2] =	stream.linear.scatter [tilespmem:s10], [sflag:$0x4], $0x4000, $0x38;
	[tilespmem:$0xC800] =	vst v63  }
0x41: {  	_ =	swait.ge [sflag:s11], $0x4000  }
0x42: {  	[sflag:s11] =	ssyncset.done $0x0  }
0x43: {  	s0 =	rddreg [dreg:$0xb];
	[sflag:s11] =	ssyncadd.s32 $0xFFFFC000  }
0x44: {  	[hbm4b:s0+s2] =	stream.linear.scatter [tilespmem:s8], [sflag:$0x5], $0x4000, $0x38;
	[tilespmem:$0xC800] =	vst v63  }
0x45: {  	_ =	swait.ge [sflag:s9], $0x4000  }
0x46: {  	[sflag:s9] =	ssyncset.done $0x0  }
0x47: {  	s0 =	rddreg [dreg:$0xc];
	[sflag:s9] =	ssyncadd.s32 $0xFFFFC000  }
0x48: {  	[hbm4b:s0+s2] =	stream.linear.scatter [tilespmem:s5], [sflag:$0x6], $0x4000, $0x38;
	[tilespmem:$0xC800] =	vst v63  }
0x49: {  	_ =	swait.ge [sflag:s7], $0x4000  }
0x4a: {  	[sflag:s7] =	ssyncset.done $0x0  }
0x4b: {  	[sflag:s7] =	ssyncadd.s32 $0xFFFFC000  }
0x4c: {  	[tilespmem:s10], [sflag:$0x1] =	stream.indirect.gather [hbm4b:s3+s12], $0x80, s25, s12, $0xb8;
	[tilespmem:$0xC800] =	vst v63  }
0x4d: {  	_ =	swait.ge [sflag:s6], $0x4000  }
0x4e: {  	[sflag:s6] =	ssyncset.done $0x0  }
0x4f: {  	[sflag:s6] =	ssyncadd.s32 $0xFFFFC000  }
0x50: {  	[tilespmem:s8], [sflag:$0x2] =	stream.indirect.gather [hbm4b:s3+s12], $0x80, s23, s12, $0xb8;
	[tilespmem:$0xC800] =	vst v63  }
0x51: {  	_ =	swait.ge [sflag:s4], $0x4000  }
0x52: {  	[sflag:s4] =	ssyncset.done $0x0  }
0x53: {  	[sflag:s4] =	ssyncadd.s32 $0xFFFFC000  }
0x54: {  	[tilespmem:s5], [sflag:$0x3] =	stream.indirect.gather [hbm4b:s3+s12], $0x80, s22, s12, $0xb8;
	[tilespmem:$0xC800] =	vst v63  }
0x55: {  	_ =	swait.ge [sflag:s13], $0x4000  }
0x56: {  	[sflag:s13] =	ssyncset.done $0x0  }
0x57: {  	s0 =	rddreg [dreg:$0xd];
	[sflag:s13] =	ssyncadd.s32 $0xFFFFC000  }
0x58: {  	[hbm4b:s0+s2] =	stream.linear.scatter [tilespmem:s10], [sflag:$0x4], $0x4000, $0x38;
	[tilespmem:$0xC800] =	vst v63  }
0x59: {  	_ =	swait.ge [sflag:s11], $0x4000  }
0x5a: {  	[sflag:s11] =	ssyncset.done $0x0  }
0x5b: {  	s0 =	rddreg [dreg:$0xe];
	[sflag:s11] =	ssyncadd.s32 $0xFFFFC000  }
0x5c: {  	[hbm4b:s0+s2] =	stream.linear.scatter [tilespmem:s8], [sflag:$0x5], $0x4000, $0x38;
	[tilespmem:$0xC800] =	vst v63  }
0x5d: {  	_ =	swait.ge [sflag:s9], $0x4000  }
0x5e: {  	[sflag:s9] =	ssyncset.done $0x0  }
0x5f: {  	s0 =	rddreg [dreg:$0xf];
	[sflag:s9] =	ssyncadd.s32 $0xFFFFC000  }
0x60: {  	[hbm4b:s0+s2] =	stream.linear.scatter [tilespmem:s5], [sflag:$0x6], $0x4000, $0x38;
	[tilespmem:$0xC800] =	vst v63  }
0x61: {  	_ =	swait.ge [sflag:s7], $0x4000  }
0x62: {  	[sflag:s7] =	ssyncset.done $0x0  }
0x63: {  	[sflag:s7] =	ssyncadd.s32 $0xFFFFC000  }
0x64: {  	[tilespmem:s10], [sflag:$0x1] =	stream.indirect.gather [hbm4b:s3+s12], $0x80, s21, s12, $0xb8;
	[tilespmem:$0xC800] =	vst v63  }
0x65: {  	_ =	swait.ge [sflag:s6], $0x4000  }
0x66: {  	[sflag:s6] =	ssyncset.done $0x0  }
0x67: {  	[sflag:s6] =	ssyncadd.s32 $0xFFFFC000  }
0x68: {  	[tilespmem:s8], [sflag:$0x2] =	stream.indirect.gather [hbm4b:s3+s12], $0x80, s20, s12, $0xb8;
	[tilespmem:$0xC800] =	vst v63  }
0x69: {  	_ =	swait.ge [sflag:s4], $0x4000  }
0x6a: {  	[sflag:s4] =	ssyncset.done $0x0  }
0x6b: {  	[sflag:s4] =	ssyncadd.s32 $0xFFFFC000  }
0x6c: {  	[tilespmem:s5], [sflag:$0x3] =	stream.indirect.gather [hbm4b:s3+s12], $0x80, s19, s12, $0xb8;
	[tilespmem:$0xC800] =	vst v63  }
0x6d: {  	_ =	swait.ge [sflag:s13], $0x4000  }
0x6e: {  	[sflag:s13] =	ssyncset.done $0x0  }
0x6f: {  	s0 =	rddreg [dreg:$0x10];
	[sflag:s13] =	ssyncadd.s32 $0xFFFFC000  }
0x70: {  	[hbm4b:s0+s2] =	stream.linear.scatter [tilespmem:s10], [sflag:$0x4], $0x4000, $0x38;
	[tilespmem:$0xC800] =	vst v63  }
0x71: {  	_ =	swait.ge [sflag:s11], $0x4000  }
0x72: {  	[sflag:s11] =	ssyncset.done $0x0  }
0x73: {  	[sflag:s11] =	ssyncadd.s32 $0xFFFFC000  }
0x74: {  	[hbm4b:s15+s2] =	stream.linear.scatter [tilespmem:s8], [sflag:$0x5], $0x4000, $0x38;
	[tilespmem:$0xC800] =	vst v63  }
0x75: {  	_ =	swait.ge [sflag:s9], $0x4000  }
0x76: {  	[sflag:s9] =	ssyncset.done $0x0  }
0x77: {  	[sflag:s9] =	ssyncadd.s32 $0xFFFFC000  }
0x78: {  	[hbm4b:s14+s2] =	stream.linear.scatter [tilespmem:s5], [sflag:$0x6], $0x4000, $0x38;
	[tilespmem:$0xC800] =	vst v63  }
0x79: {  	_ =	swait.ge [sflag:s7], $0x4000  }
0x7a: {  	[sflag:s7] =	ssyncset.done $0x0  }
0x7b: {  	[sflag:s7] =	ssyncadd.s32 $0xFFFFC000  }
0x7c: {  	[tilespmem:s10], [sflag:$0x1] =	stream.indirect.gather [hbm4b:s3+s12], $0x80, s18, s12, $0xb8;
	[tilespmem:$0xC800] =	vst v63  }
0x7d: {  	_ =	swait.ge [sflag:s6], $0x4000  }
0x7e: {  	[sflag:s6] =	ssyncset.done $0x0  }
0x7f: {  	[sflag:s6] =	ssyncadd.s32 $0xFFFFC000  }
0x80: {  	[tilespmem:s8], [sflag:$0x2] =	stream.indirect.gather [hbm4b:s3+s12], $0x80, s17, s12, $0xb8;
	[tilespmem:$0xC800] =	vst v63  }
0x81: {  	_ =	swait.ge [sflag:s4], $0x4000  }
0x82: {  	[sflag:s4] =	ssyncset.done $0x0  }
0x83: {  	[sflag:s4] =	ssyncadd.s32 $0xFFFFC000  }
0x84: {  	[tilespmem:s5], [sflag:$0x3] =	stream.indirect.gather [hbm4b:s3+s12], $0x80, s16, s12, $0xb8;
	[tilespmem:$0xC800] =	vst v63  }
0x85: {  	_ =	swait.ge [sflag:s13], $0x4000  }
0x86: {  	[sflag:s13] =	ssyncset.done $0x0  }
0x87: {  	s0 =	rddreg [dreg:$0x5];
	[sflag:s13] =	ssyncadd.s32 $0xFFFFC000  }
0x88: {  	[hbm4b:s0+s2] =	stream.linear.scatter [tilespmem:s10], [sflag:$0x4], $0x4000, $0x38;
	[tilespmem:$0xC800] =	vst v63  }
0x89: {  	_ =	swait.ge [sflag:s11], $0x4000  }
0x8a: {  	[sflag:s11] =	ssyncset.done $0x0  }
0x8b: {  	s0 =	rddreg [dreg:$0x6];
	[sflag:s11] =	ssyncadd.s32 $0xFFFFC000  }
0x8c: {  	[hbm4b:s0+s2] =	stream.linear.scatter [tilespmem:s8], [sflag:$0x5], $0x4000, $0x38;
	[tilespmem:$0xC800] =	vst v63  }
0x8d: {  	_ =	swait.ge [sflag:s9], $0x4000  }
0x8e: {  	[sflag:s9] =	ssyncset.done $0x0  }
0x8f: {  	s0 =	rddreg [dreg:$0x7];
	[sflag:s9] =	ssyncadd.s32 $0xFFFFC000  }
0x90: {  	[hbm4b:s0+s2] =	stream.linear.scatter [tilespmem:s5], [sflag:$0x6], $0x4000, $0x38;
	[tilespmem:$0xC800] =	vst v63  }
0x91: {  	_ =	swait.ge [sflag:s7], $0x4000  }
0x92: {  	[sflag:s7] =	ssyncset.done $0x0  }
0x93: {  	p1 =	sne.s32 s1, $0x1;
	[sflag:s7] =	ssyncadd.s32 $0xFFFFC000  }
.Ltmp1:
0x94: {  	_ =	swait.ge [sflag:s6], $0x4000;
	(pc) =	sbr.rel @!p1 .LBB2_3-.Ltmp1, $4  }
0x95: {  	[sflag:s6] =	ssyncset.done $0x0  }
0x96: {  	[sflag:s6] =	ssyncadd.s32 $0xFFFFC000  }
0x97: {  	s1 =	sadd.s32 $0xFFFFFFFF, s1;
	_ =	swait.ge [sflag:s4], $0x4000  }
0x98: {  	p0 =	por $0x1, $0x1;
	s0 =	rddreg [dreg:$0x4];
	[sflag:s4] =	ssyncset.done $0x0  }
.LBB2_2:
0x99: {  	[sflag:s4] =	ssyncadd.s32 $0xFFFFC000  }
0x9a: {  	[tilespmem:s2], [sflag:$0x7] =	stream.linear.gather [hbm4b:s0+s2], $0x780, $0x38;
	[tilespmem:$0xC800] =	vst v63  }
0x9b: {  	_ =	swait.ge [sflag:s30], $0x780  }
0x9c: {  	[sflag:s30] =	ssyncset.done $0x0  }
0x9d: {  	[sflag:s30] =	ssyncadd.s32 $0xFFFFF880  }
0x9e: {  	[tilespmem:s10], [sflag:$0x1] =	stream.indirect.gather [hbm4b:s3+s12], $0x80, s2, s12, $0xb8;
	[tilespmem:$0xC800] =	vst v63  }
0x9f: {  	_ = 	snop  }
0xa0: {  	[tilespmem:s8], [sflag:$0x2] =	stream.indirect.gather [hbm4b:s3+s12], $0x80, s12, s12, $0xb8;
	[tilespmem:$0xC800] =	vst v63  }
0xa1: {  	_ = 	snop  }
0xa2: {  	[tilespmem:s5], [sflag:$0x3] =	stream.indirect.gather [hbm4b:s3+s12], $0x80, s31, s12, $0xb8;
	[tilespmem:$0xC800] =	vst v63  }
0xa3: {  	_ =	swait.ge [sflag:s13], $0x4000  }
0xa4: {  	[sflag:s13] =	ssyncset.done $0x0  }
0xa5: {  	[sflag:s13] =	ssyncadd.s32 $0xFFFFC000  }
0xa6: {  	[hbm4b:s24+s2] =	stream.linear.scatter [tilespmem:s10], [sflag:$0x4], $0x4000, $0x38;
	[tilespmem:$0xC800] =	vst v63  }
0xa7: {  	_ =	swait.ge [sflag:s11], $0x4000  }
0xa8: {  	[sflag:s11] =	ssyncset.done $0x0  }
0xa9: {  	s0 =	rddreg [dreg:$0x8];
	[sflag:s11] =	ssyncadd.s32 $0xFFFFC000  }
0xaa: {  	[hbm4b:s0+s2] =	stream.linear.scatter [tilespmem:s8], [sflag:$0x5], $0x4000, $0x38;
	[tilespmem:$0xC800] =	vst v63  }
0xab: {  	_ =	swait.ge [sflag:s9], $0x4000  }
0xac: {  	[sflag:s9] =	ssyncset.done $0x0  }
0xad: {  	s0 =	rddreg [dreg:$0x9];
	[sflag:s9] =	ssyncadd.s32 $0xFFFFC000  }
0xae: {  	[hbm4b:s0+s2] =	stream.linear.scatter [tilespmem:s5], [sflag:$0x6], $0x4000, $0x38;
	[tilespmem:$0xC800] =	vst v63  }
0xaf: {  	_ =	swait.ge [sflag:s7], $0x4000  }
0xb0: {  	[sflag:s7] =	ssyncset.done $0x0  }
0xb1: {  	[sflag:s7] =	ssyncadd.s32 $0xFFFFC000  }
0xb2: {  	[tilespmem:s10], [sflag:$0x1] =	stream.indirect.gather [hbm4b:s3+s12], $0x80, s29, s12, $0xb8;
	[tilespmem:$0xC800] =	vst v63  }
0xb3: {  	_ =	swait.ge [sflag:s6], $0x4000  }
0xb4: {  	[sflag:s6] =	ssyncset.done $0x0  }
0xb5: {  	[sflag:s6] =	ssyncadd.s32 $0xFFFFC000  }
0xb6: {  	[tilespmem:s8], [sflag:$0x2] =	stream.indirect.gather [hbm4b:s3+s12], $0x80, s28, s12, $0xb8;
	[tilespmem:$0xC800] =	vst v63  }
0xb7: {  	_ =	swait.ge [sflag:s4], $0x4000  }
0xb8: {  	[sflag:s4] =	ssyncset.done $0x0  }
0xb9: {  	[sflag:s4] =	ssyncadd.s32 $0xFFFFC000  }
0xba: {  	[tilespmem:s5], [sflag:$0x3] =	stream.indirect.gather [hbm4b:s3+s12], $0x80, s26, s12, $0xb8;
	[tilespmem:$0xC800] =	vst v63  }
0xbb: {  	_ =	swait.ge [sflag:s13], $0x4000  }
0xbc: {  	[sflag:s13] =	ssyncset.done $0x0  }
0xbd: {  	s0 =	rddreg [dreg:$0xa];
	[sflag:s13] =	ssyncadd.s32 $0xFFFFC000  }
0xbe: {  	[hbm4b:s0+s2] =	stream.linear.scatter [tilespmem:s10], [sflag:$0x4], $0x4000, $0x38;
	[tilespmem:$0xC800] =	vst v63  }
0xbf: {  	_ =	swait.ge [sflag:s11], $0x4000  }
0xc0: {  	[sflag:s11] =	ssyncset.done $0x0  }
0xc1: {  	s0 =	rddreg [dreg:$0xb];
	[sflag:s11] =	ssyncadd.s32 $0xFFFFC000  }
0xc2: {  	[hbm4b:s0+s2] =	stream.linear.scatter [tilespmem:s8], [sflag:$0x5], $0x4000, $0x38;
	[tilespmem:$0xC800] =	vst v63  }
0xc3: {  	_ =	swait.ge [sflag:s9], $0x4000  }
0xc4: {  	[sflag:s9] =	ssyncset.done $0x0  }
0xc5: {  	s0 =	rddreg [dreg:$0xc];
	[sflag:s9] =	ssyncadd.s32 $0xFFFFC000  }
0xc6: {  	[hbm4b:s0+s2] =	stream.linear.scatter [tilespmem:s5], [sflag:$0x6], $0x4000, $0x38;
	[tilespmem:$0xC800] =	vst v63  }
0xc7: {  	_ =	swait.ge [sflag:s7], $0x4000  }
0xc8: {  	[sflag:s7] =	ssyncset.done $0x0  }
0xc9: {  	[sflag:s7] =	ssyncadd.s32 $0xFFFFC000  }
0xca: {  	[tilespmem:s10], [sflag:$0x1] =	stream.indirect.gather [hbm4b:s3+s12], $0x80, s25, s12, $0xb8;
	[tilespmem:$0xC800] =	vst v63  }
0xcb: {  	_ =	swait.ge [sflag:s6], $0x4000  }
0xcc: {  	[sflag:s6] =	ssyncset.done $0x0  }
0xcd: {  	[sflag:s6] =	ssyncadd.s32 $0xFFFFC000  }
0xce: {  	[tilespmem:s8], [sflag:$0x2] =	stream.indirect.gather [hbm4b:s3+s12], $0x80, s23, s12, $0xb8;
	[tilespmem:$0xC800] =	vst v63  }
0xcf: {  	_ =	swait.ge [sflag:s4], $0x4000  }
0xd0: {  	[sflag:s4] =	ssyncset.done $0x0  }
0xd1: {  	[sflag:s4] =	ssyncadd.s32 $0xFFFFC000  }
0xd2: {  	[tilespmem:s5], [sflag:$0x3] =	stream.indirect.gather [hbm4b:s3+s12], $0x80, s22, s12, $0xb8;
	[tilespmem:$0xC800] =	vst v63  }
0xd3: {  	_ =	swait.ge [sflag:s13], $0x4000  }
0xd4: {  	[sflag:s13] =	ssyncset.done $0x0  }
0xd5: {  	s0 =	rddreg [dreg:$0xd];
	[sflag:s13] =	ssyncadd.s32 $0xFFFFC000  }
0xd6: {  	[hbm4b:s0+s2] =	stream.linear.scatter [tilespmem:s10], [sflag:$0x4], $0x4000, $0x38;
	[tilespmem:$0xC800] =	vst v63  }
0xd7: {  	_ =	swait.ge [sflag:s11], $0x4000  }
0xd8: {  	[sflag:s11] =	ssyncset.done $0x0  }
0xd9: {  	s0 =	rddreg [dreg:$0xe];
	[sflag:s11] =	ssyncadd.s32 $0xFFFFC000  }
0xda: {  	[hbm4b:s0+s2] =	stream.linear.scatter [tilespmem:s8], [sflag:$0x5], $0x4000, $0x38;
	[tilespmem:$0xC800] =	vst v63  }
0xdb: {  	_ =	swait.ge [sflag:s9], $0x4000  }
0xdc: {  	[sflag:s9] =	ssyncset.done $0x0  }
0xdd: {  	s0 =	rddreg [dreg:$0xf];
	[sflag:s9] =	ssyncadd.s32 $0xFFFFC000  }
0xde: {  	[hbm4b:s0+s2] =	stream.linear.scatter [tilespmem:s5], [sflag:$0x6], $0x4000, $0x38;
	[tilespmem:$0xC800] =	vst v63  }
0xdf: {  	_ =	swait.ge [sflag:s7], $0x4000  }
0xe0: {  	[sflag:s7] =	ssyncset.done $0x0  }
0xe1: {  	[sflag:s7] =	ssyncadd.s32 $0xFFFFC000  }
0xe2: {  	[tilespmem:s10], [sflag:$0x1] =	stream.indirect.gather [hbm4b:s3+s12], $0x80, s21, s12, $0xb8;
	[tilespmem:$0xC800] =	vst v63  }
0xe3: {  	_ =	swait.ge [sflag:s6], $0x4000  }
0xe4: {  	[sflag:s6] =	ssyncset.done $0x0  }
0xe5: {  	[sflag:s6] =	ssyncadd.s32 $0xFFFFC000  }
0xe6: {  	[tilespmem:s8], [sflag:$0x2] =	stream.indirect.gather [hbm4b:s3+s12], $0x80, s20, s12, $0xb8;
	[tilespmem:$0xC800] =	vst v63  }
0xe7: {  	_ =	swait.ge [sflag:s4], $0x4000  }
0xe8: {  	[sflag:s4] =	ssyncset.done $0x0  }
0xe9: {  	[sflag:s4] =	ssyncadd.s32 $0xFFFFC000  }
0xea: {  	[tilespmem:s5], [sflag:$0x3] =	stream.indirect.gather [hbm4b:s3+s12], $0x80, s19, s12, $0xb8;
	[tilespmem:$0xC800] =	vst v63  }
0xeb: {  	_ =	swait.ge [sflag:s13], $0x4000  }
0xec: {  	[sflag:s13] =	ssyncset.done $0x0  }
0xed: {  	s0 =	rddreg [dreg:$0x10];
	[sflag:s13] =	ssyncadd.s32 $0xFFFFC000  }
0xee: {  	[hbm4b:s0+s2] =	stream.linear.scatter [tilespmem:s10], [sflag:$0x4], $0x4000, $0x38;
	[tilespmem:$0xC800] =	vst v63  }
0xef: {  	_ =	swait.ge [sflag:s11], $0x4000  }
0xf0: {  	[sflag:s11] =	ssyncset.done $0x0  }
0xf1: {  	[sflag:s11] =	ssyncadd.s32 $0xFFFFC000  }
0xf2: {  	[hbm4b:s15+s2] =	stream.linear.scatter [tilespmem:s8], [sflag:$0x5], $0x4000, $0x38;
	[tilespmem:$0xC800] =	vst v63  }
0xf3: {  	_ =	swait.ge [sflag:s9], $0x4000  }
0xf4: {  	[sflag:s9] =	ssyncset.done $0x0  }
0xf5: {  	[sflag:s9] =	ssyncadd.s32 $0xFFFFC000  }
0xf6: {  	[hbm4b:s14+s2] =	stream.linear.scatter [tilespmem:s5], [sflag:$0x6], $0x4000, $0x38;
	[tilespmem:$0xC800] =	vst v63  }
0xf7: {  	_ =	swait.ge [sflag:s7], $0x4000  }
0xf8: {  	[sflag:s7] =	ssyncset.done $0x0  }
0xf9: {  	[sflag:s7] =	ssyncadd.s32 $0xFFFFC000  }
0xfa: {  	[tilespmem:s10], [sflag:$0x1] =	stream.indirect.gather [hbm4b:s3+s12], $0x80, s18, s12, $0xb8;
	[tilespmem:$0xC800] =	vst v63  }
0xfb: {  	_ =	swait.ge [sflag:s6], $0x4000  }
0xfc: {  	[sflag:s6] =	ssyncset.done $0x0  }
0xfd: {  	[sflag:s6] =	ssyncadd.s32 $0xFFFFC000  }
0xfe: {  	[tilespmem:s8], [sflag:$0x2] =	stream.indirect.gather [hbm4b:s3+s12], $0x80, s17, s12, $0xb8;
	[tilespmem:$0xC800] =	vst v63  }
0xff: {  	_ =	swait.ge [sflag:s4], $0x4000  }
0x100: {  	[sflag:s4] =	ssyncset.done $0x0  }
0x101: {  	[sflag:s4] =	ssyncadd.s32 $0xFFFFC000  }
0x102: {  	[tilespmem:s5], [sflag:$0x3] =	stream.indirect.gather [hbm4b:s3+s12], $0x80, s16, s12, $0xb8;
	[tilespmem:$0xC800] =	vst v63  }
0x103: {  	_ =	swait.ge [sflag:s13], $0x4000  }
0x104: {  	[sflag:s13] =	ssyncset.done $0x0  }
0x105: {  	s0 =	rddreg [dreg:$0x5];
	[sflag:s13] =	ssyncadd.s32 $0xFFFFC000  }
0x106: {  	[hbm4b:s0+s2] =	stream.linear.scatter [tilespmem:s10], [sflag:$0x4], $0x4000, $0x38;
	[tilespmem:$0xC800] =	vst v63  }
0x107: {  	_ =	swait.ge [sflag:s11], $0x4000  }
0x108: {  	[sflag:s11] =	ssyncset.done $0x0  }
0x109: {  	s0 =	rddreg [dreg:$0x6];
	[sflag:s11] =	ssyncadd.s32 $0xFFFFC000  }
0x10a: {  	[hbm4b:s0+s2] =	stream.linear.scatter [tilespmem:s8], [sflag:$0x5], $0x4000, $0x38;
	[tilespmem:$0xC800] =	vst v63  }
0x10b: {  	_ =	swait.ge [sflag:s9], $0x4000  }
0x10c: {  	[sflag:s9] =	ssyncset.done $0x0  }
0x10d: {  	s0 =	rddreg [dreg:$0x7];
	[sflag:s9] =	ssyncadd.s32 $0xFFFFC000  }
0x10e: {  	[hbm4b:s0+s2] =	stream.linear.scatter [tilespmem:s5], [sflag:$0x6], $0x4000, $0x38;
	[tilespmem:$0xC800] =	vst v63  }
0x10f: {  	_ =	swait.ge [sflag:s7], $0x4000  }
0x110: {  	[sflag:s7] =	ssyncset.done $0x0  }
0x111: {  	p1 =	sne.s32 s1, $0x1;
	[sflag:s7] =	ssyncadd.s32 $0xFFFFC000  }
.Ltmp2:
0x112: {  	_ =	swait.ge [sflag:s6], $0x4000;
	(pc) =	sbr.rel @p1 .LBB2_2-.Ltmp2, $4  }
0x113: {  	[sflag:s6] =	ssyncset.done $0x0  }
0x114: {  	[sflag:s6] =	ssyncadd.s32 $0xFFFFC000  }
0x115: {  	_ =	swait.ge [sflag:s4], $0x4000  }
0x116: {  	s1 =	sadd.s32 $0xFFFFFFFF, s1;
	s0 =	rddreg [dreg:$0x4];
	[sflag:s4] =	ssyncset.done $0x0  }
.LBB2_3:
0x117: {  	[sflag:s4] =	ssyncadd.s32 @p0 $0xFFFFC000  }
0x118: {  	[tilespmem:s2], [sflag:$0x7] =	stream.linear.gather [hbm4b:s0+s2], $0x780, $0x38;
	[tilespmem:$0xC800] =	vst v63  }
0x119: {  	_ =	swait.ge [sflag:s30], $0x780  }
0x11a: {  	[sflag:s30] =	ssyncset.done $0x0  }
0x11b: {  	[sflag:s30] =	ssyncadd.s32 $0xFFFFF880  }
0x11c: {  	[tilespmem:s10], [sflag:$0x1] =	stream.indirect.gather [hbm4b:s3+s12], $0x80, s2, s12, $0xb8;
	[tilespmem:$0xC800] =	vst v63  }
0x11d: {  	_ = 	snop  }
0x11e: {  	[tilespmem:s8], [sflag:$0x2] =	stream.indirect.gather [hbm4b:s3+s12], $0x80, s12, s12, $0xb8;
	[tilespmem:$0xC800] =	vst v63  }
0x11f: {  	_ = 	snop  }
0x120: {  	[tilespmem:s5], [sflag:$0x3] =	stream.indirect.gather [hbm4b:s3+s12], $0x80, s31, s12, $0xb8;
	[tilespmem:$0xC800] =	vst v63  }
0x121: {  	_ =	swait.ge [sflag:s13], $0x4000  }
0x122: {  	[sflag:s13] =	ssyncset.done $0x0  }
0x123: {  	[sflag:s13] =	ssyncadd.s32 $0xFFFFC000  }
0x124: {  	[hbm4b:s24+s2] =	stream.linear.scatter [tilespmem:s10], [sflag:$0x4], $0x4000, $0x38;
	[tilespmem:$0xC800] =	vst v63  }
0x125: {  	_ =	swait.ge [sflag:s11], $0x4000  }
0x126: {  	[sflag:s11] =	ssyncset.done $0x0  }
0x127: {  	s1 =	rddreg [dreg:$0x8];
	[sflag:s11] =	ssyncadd.s32 $0xFFFFC000  }
0x128: {  	[hbm4b:s1+s2] =	stream.linear.scatter [tilespmem:s8], [sflag:$0x5], $0x4000, $0x38;
	[tilespmem:$0xC800] =	vst v63  }
0x129: {  	_ =	swait.ge [sflag:s9], $0x4000  }
0x12a: {  	[sflag:s9] =	ssyncset.done $0x0  }
0x12b: {  	s24 =	rddreg [dreg:$0x9];
	[sflag:s9] =	ssyncadd.s32 $0xFFFFC000  }
0x12c: {  	[hbm4b:s24+s2] =	stream.linear.scatter [tilespmem:s5], [sflag:$0x6], $0x4000, $0x38;
	[tilespmem:$0xC800] =	vst v63  }
0x12d: {  	_ =	swait.ge [sflag:s7], $0x4000  }
0x12e: {  	[sflag:s7] =	ssyncset.done $0x0  }
0x12f: {  	[sflag:s7] =	ssyncadd.s32 $0xFFFFC000  }
0x130: {  	[tilespmem:s10], [sflag:$0x1] =	stream.indirect.gather [hbm4b:s3+s12], $0x80, s29, s12, $0xb8;
	[tilespmem:$0xC800] =	vst v63  }
0x131: {  	_ =	swait.ge [sflag:s6], $0x4000  }
0x132: {  	[sflag:s6] =	ssyncset.done $0x0  }
0x133: {  	[sflag:s6] =	ssyncadd.s32 $0xFFFFC000  }
0x134: {  	[tilespmem:s8], [sflag:$0x2] =	stream.indirect.gather [hbm4b:s3+s12], $0x80, s28, s12, $0xb8;
	[tilespmem:$0xC800] =	vst v63  }
0x135: {  	_ =	swait.ge [sflag:s4], $0x4000  }
0x136: {  	[sflag:s4] =	ssyncset.done $0x0  }
0x137: {  	[sflag:s4] =	ssyncadd.s32 $0xFFFFC000  }
0x138: {  	[tilespmem:s5], [sflag:$0x3] =	stream.indirect.gather [hbm4b:s3+s12], $0x80, s26, s12, $0xb8;
	[tilespmem:$0xC800] =	vst v63  }
0x139: {  	_ =	swait.ge [sflag:s13], $0x4000  }
0x13a: {  	[sflag:s13] =	ssyncset.done $0x0  }
0x13b: {  	s30 =	rddreg [dreg:$0xa];
	[sflag:s13] =	ssyncadd.s32 $0xFFFFC000  }
0x13c: {  	[hbm4b:s30+s2] =	stream.linear.scatter [tilespmem:s10], [sflag:$0x4], $0x4000, $0x38;
	[tilespmem:$0xC800] =	vst v63  }
0x13d: {  	_ =	swait.ge [sflag:s11], $0x4000  }
0x13e: {  	[sflag:s11] =	ssyncset.done $0x0  }
0x13f: {  	s31 =	rddreg [dreg:$0xb];
	[sflag:s11] =	ssyncadd.s32 $0xFFFFC000  }
0x140: {  	[hbm4b:s31+s2] =	stream.linear.scatter [tilespmem:s8], [sflag:$0x5], $0x4000, $0x38;
	[tilespmem:$0xC800] =	vst v63  }
0x141: {  	_ =	swait.ge [sflag:s9], $0x4000  }
0x142: {  	[sflag:s9] =	ssyncset.done $0x0  }
0x143: {  	s1 =	rddreg [dreg:$0xc];
	[sflag:s9] =	ssyncadd.s32 $0xFFFFC000  }
0x144: {  	[hbm4b:s1+s2] =	stream.linear.scatter [tilespmem:s5], [sflag:$0x6], $0x4000, $0x38;
	[tilespmem:$0xC800] =	vst v63  }
0x145: {  	_ =	swait.ge [sflag:s7], $0x4000  }
0x146: {  	[sflag:s7] =	ssyncset.done $0x0  }
0x147: {  	[sflag:s7] =	ssyncadd.s32 $0xFFFFC000  }
0x148: {  	[tilespmem:s10], [sflag:$0x1] =	stream.indirect.gather [hbm4b:s3+s12], $0x80, s25, s12, $0xb8;
	[tilespmem:$0xC800] =	vst v63  }
0x149: {  	_ =	swait.ge [sflag:s6], $0x4000  }
0x14a: {  	[sflag:s6] =	ssyncset.done $0x0  }
0x14b: {  	[sflag:s6] =	ssyncadd.s32 $0xFFFFC000  }
0x14c: {  	[tilespmem:s8], [sflag:$0x2] =	stream.indirect.gather [hbm4b:s3+s12], $0x80, s23, s12, $0xb8;
	[tilespmem:$0xC800] =	vst v63  }
0x14d: {  	_ =	swait.ge [sflag:s4], $0x4000  }
0x14e: {  	[sflag:s4] =	ssyncset.done $0x0  }
0x14f: {  	[sflag:s4] =	ssyncadd.s32 $0xFFFFC000  }
0x150: {  	[tilespmem:s5], [sflag:$0x3] =	stream.indirect.gather [hbm4b:s3+s12], $0x80, s22, s12, $0xb8;
	[tilespmem:$0xC800] =	vst v63  }
0x151: {  	_ =	swait.ge [sflag:s13], $0x4000  }
0x152: {  	[sflag:s13] =	ssyncset.done $0x0  }
0x153: {  	s23 =	rddreg [dreg:$0xd];
	[sflag:s13] =	ssyncadd.s32 $0xFFFFC000  }
0x154: {  	[hbm4b:s23+s2] =	stream.linear.scatter [tilespmem:s10], [sflag:$0x4], $0x4000, $0x38;
	[tilespmem:$0xC800] =	vst v63  }
0x155: {  	_ =	swait.ge [sflag:s11], $0x4000  }
0x156: {  	[sflag:s11] =	ssyncset.done $0x0  }
0x157: {  	s24 =	rddreg [dreg:$0xe];
	[sflag:s11] =	ssyncadd.s32 $0xFFFFC000  }
0x158: {  	[hbm4b:s24+s2] =	stream.linear.scatter [tilespmem:s8], [sflag:$0x5], $0x4000, $0x38;
	[tilespmem:$0xC800] =	vst v63  }
0x159: {  	_ =	swait.ge [sflag:s9], $0x4000  }
0x15a: {  	[sflag:s9] =	ssyncset.done $0x0  }
0x15b: {  	s25 =	rddreg [dreg:$0xf];
	[sflag:s9] =	ssyncadd.s32 $0xFFFFC000  }
0x15c: {  	[hbm4b:s25+s2] =	stream.linear.scatter [tilespmem:s5], [sflag:$0x6], $0x4000, $0x38;
	[tilespmem:$0xC800] =	vst v63  }
0x15d: {  	_ =	swait.ge [sflag:s7], $0x4000  }
0x15e: {  	[sflag:s7] =	ssyncset.done $0x0  }
0x15f: {  	[sflag:s7] =	ssyncadd.s32 $0xFFFFC000  }
0x160: {  	[tilespmem:s10], [sflag:$0x1] =	stream.indirect.gather [hbm4b:s3+s12], $0x80, s21, s12, $0xb8;
	[tilespmem:$0xC800] =	vst v63  }
0x161: {  	_ =	swait.ge [sflag:s6], $0x4000  }
0x162: {  	[sflag:s6] =	ssyncset.done $0x0  }
0x163: {  	[sflag:s6] =	ssyncadd.s32 $0xFFFFC000  }
0x164: {  	[tilespmem:s8], [sflag:$0x2] =	stream.indirect.gather [hbm4b:s3+s12], $0x80, s20, s12, $0xb8;
	[tilespmem:$0xC800] =	vst v63  }
0x165: {  	_ =	swait.ge [sflag:s4], $0x4000  }
0x166: {  	[sflag:s4] =	ssyncset.done $0x0  }
0x167: {  	[sflag:s4] =	ssyncadd.s32 $0xFFFFC000  }
0x168: {  	[tilespmem:s5], [sflag:$0x3] =	stream.indirect.gather [hbm4b:s3+s12], $0x80, s19, s12, $0xb8;
	[tilespmem:$0xC800] =	vst v63  }
0x169: {  	_ =	swait.ge [sflag:s13], $0x4000  }
0x16a: {  	[sflag:s13] =	ssyncset.done $0x0  }
0x16b: {  	s26 =	rddreg [dreg:$0x10];
	[sflag:s13] =	ssyncadd.s32 $0xFFFFC000  }
0x16c: {  	[hbm4b:s26+s2] =	stream.linear.scatter [tilespmem:s10], [sflag:$0x4], $0x4000, $0x38;
	[tilespmem:$0xC800] =	vst v63  }
0x16d: {  	_ =	swait.ge [sflag:s11], $0x4000  }
0x16e: {  	[sflag:s11] =	ssyncset.done $0x0  }
0x16f: {  	[sflag:s11] =	ssyncadd.s32 $0xFFFFC000  }
0x170: {  	[hbm4b:s15+s2] =	stream.linear.scatter [tilespmem:s8], [sflag:$0x5], $0x4000, $0x38;
	[tilespmem:$0xC800] =	vst v63  }
0x171: {  	_ =	swait.ge [sflag:s9], $0x4000  }
0x172: {  	[sflag:s9] =	ssyncset.done $0x0  }
0x173: {  	[sflag:s9] =	ssyncadd.s32 $0xFFFFC000  }
0x174: {  	[hbm4b:s14+s2] =	stream.linear.scatter [tilespmem:s5], [sflag:$0x6], $0x4000, $0x38;
	[tilespmem:$0xC800] =	vst v63  }
0x175: {  	_ =	swait.ge [sflag:s7], $0x4000  }
0x176: {  	[sflag:s7] =	ssyncset.done $0x0  }
0x177: {  	[sflag:s7] =	ssyncadd.s32 $0xFFFFC000  }
0x178: {  	[tilespmem:s10], [sflag:$0x1] =	stream.indirect.gather [hbm4b:s3+s12], $0x80, s18, s12, $0xb8;
	[tilespmem:$0xC800] =	vst v63  }
0x179: {  	_ =	swait.ge [sflag:s6], $0x4000  }
0x17a: {  	[sflag:s6] =	ssyncset.done $0x0  }
0x17b: {  	[sflag:s6] =	ssyncadd.s32 $0xFFFFC000  }
0x17c: {  	[tilespmem:s8], [sflag:$0x2] =	stream.indirect.gather [hbm4b:s3+s12], $0x80, s17, s12, $0xb8;
	[tilespmem:$0xC800] =	vst v63  }
0x17d: {  	_ =	swait.ge [sflag:s4], $0x4000  }
0x17e: {  	[sflag:s4] =	ssyncset.done $0x0  }
0x17f: {  	[sflag:s4] =	ssyncadd.s32 $0xFFFFC000  }
0x180: {  	[tilespmem:s5], [sflag:$0x3] =	stream.indirect.gather [hbm4b:s3+s12], $0x80, s16, s12, $0xb8;
	[tilespmem:$0xC800] =	vst v63  }
0x181: {  	_ =	swait.ge [sflag:s13], $0x4000  }
0x182: {  	[sflag:s13] =	ssyncset.done $0x0  }
0x183: {  	s28 =	rddreg [dreg:$0x5];
	[sflag:s13] =	ssyncadd.s32 $0xFFFFC000  }
0x184: {  	[hbm4b:s28+s2] =	stream.linear.scatter [tilespmem:s10], [sflag:$0x4], $0x4000, $0x38;
	[tilespmem:$0xC800] =	vst v63  }
0x185: {  	_ =	swait.ge [sflag:s11], $0x4000  }
0x186: {  	[sflag:s11] =	ssyncset.done $0x0  }
0x187: {  	s29 =	rddreg [dreg:$0x6];
	[sflag:s11] =	ssyncadd.s32 $0xFFFFC000  }
0x188: {  	[hbm4b:s29+s2] =	stream.linear.scatter [tilespmem:s8], [sflag:$0x5], $0x4000, $0x38;
	[tilespmem:$0xC800] =	vst v63  }
0x189: {  	_ =	swait.ge [sflag:s9], $0x4000  }
0x18a: {  	[sflag:s9] =	ssyncset.done $0x0  }
0x18b: {  	s30 =	rddreg [dreg:$0x7];
	[sflag:s9] =	ssyncadd.s32 $0xFFFFC000  }
0x18c: {  	[hbm4b:s30+s2] =	stream.linear.scatter [tilespmem:s5], [sflag:$0x6], $0x4000, $0x38;
	[tilespmem:$0xC800] =	vst v63  }
0x18d: {  	_ =	swait.ge [sflag:s7], $0x4000  }
0x18e: {  	[sflag:s7] =	ssyncset.done $0x0  }
0x18f: {  	[sflag:s7] =	ssyncadd.s32 $0xFFFFC000  }
0x190: {  	_ =	swait.ge [sflag:s6], $0x4000  }
0x191: {  	[sflag:s6] =	ssyncset.done $0x0  }
0x192: {  	[sflag:s6] =	ssyncadd.s32 $0xFFFFC000  }
0x193: {  	_ =	swait.ge [sflag:s4], $0x4000  }
0x194: {  	[sflag:s4] =	ssyncset.done $0x0  }
0x195: {  	[sflag:s4] =	ssyncadd.s32 $0xFFFFC000  }
0x196: {  	_ =	sfence.sel $0x180000  }
0x197: {  	[bflag:$0x0] =	sbarrier.arrive $0xFFFF  }
0x198: {  	_ =	strace $0x90000047  }
0x199: {  	s31 =	stileid.u32;
	[bflag:$0x2] =	sbarrier.arrive $0xFFFF  }
0x19a: {  	p0 =	sne.s32 s31, $0x0;
	s0 =	rddreg [dreg:$0x3]  }
0x19b: {  	s0 =	sadd.s32 @!p0 $0x100000, s0  }
0x19c: {  	[sflag:s0] =	ssyncadd.tile.s32 @!p0 $0x1;
	_ =	shalt  }
.Lfunc_end2:
_tile_overlayer_lowered:
.L_overlay_start_2:
0x19d: {  	(tag) =	ssettag $0x2  }
0x19e: {  	s0 =	rddreg [dreg:$0x0];
	s2 =	stileid.u32  }
0x19f: {  	s1 =	rddreg [dreg:$0x1];
	p0 =	sne.s32 s2, $0x0  }
0x1a0: {  	s3 =	rddreg [dreg:$0x2];
	[bflag:$0x3] =	sbarrier.arrive $0xFFFF;
	s2 =	simm.s32 @!p0 $0x1C07  }
0x1a1: {  	[timem:s3], [sflag:s2] =	dma.local @!p0 [hbm:s0], s1  }
0x1a2: {  	s0 =	simm.s32 @!p0 $0x7  }
0x1a3: {  	_ =	swait.ge @!p0 [sflag:s0], s1  }
0x1a4: {  	s1 =	ssub.s32 @!p0 $0x0, s1;
	[sflag:s0] =	ssyncset.done @!p0 $0x0  }
0x1a5: {  	[sflag:s0] =	ssyncadd.s32 @!p0 s1  }
0x1a6: {  	[bflag:$0x3] =	sbarrier.arrive $0xFFFF  }
0x1a7: {  	_ =	shalt  }

// kernel: kernel.9.cloned.1.call-start
scs
__scs_entry_jumppad:
0x0: {  	(pc) =	sbr.rel $0x88, $3  }
0x1: {  	(tag) =	ssettag $0x0;
	lr =	simm.s32 $0x1  }
0x2: {  	[smem:$0x3F9B] =	sst lr;
	_ =	strace $0xD0000000  }
0x3: {  	_ = 	snop  }
0x4: {  	_ = 	snop  }
0x5: {  	_ = 	snop  }
0x6: {  	_ = 	snop  }
0x7: {  	_ = 	snop  }
__scs_overlays_trampoline_lowered:
0x8: {  	[smem:$0x3FAA] =	sst s0  }
0x9: {  	[smem:$0x3FAB] =	sst s1  }
0xa: {  	[smem:$0x3FAC] =	sst s2  }
0xb: {  	[smem:$0x3FAD] =	sst s3  }
0xc: {  	[smem:$0x3FAE] =	sst s4  }
0xd: {  	[smem:$0x3FAF] =	sst s5  }
0xe: {  	[smem:$0x3FB0] =	sst s6  }
0xf: {  	[smem:$0x3FB1] =	sst s7  }
0x10: {  	[smem:$0x3FB2] =	sst s8  }
0x11: {  	[smem:$0x3FB3] =	sst s9;
	s0 =	simm.s32 @!p0 $0x0  }
0x12: {  	s1 =	sld [smem:$0x3F99];
	s0 =	simm.s32 @p0 $0x1  }
0x13: {  	[smem:$0x3FB4] =	sst s0;
	s0 =	simm.s32 @!p1 $0x0  }
0x14: {  	s2 =	sld [smem:$0x3F98];
	s0 =	simm.s32 @p1 $0x1  }
0x15: {  	[smem:$0x3FB5] =	sst s0;
	s0 =	simm.s32 @!p2 $0x0  }
0x16: {  	s3 =	sld [smem:$0x3FDB];
	s0 =	simm.s32 @p2 $0x1  }
0x17: {  	s4 =	simm.s32 $0x1BF5;
	[smem:$0x3FB7] =	sst s0  }
0x18: {  	s0 =	sld [smem:$0x3F9A];
	_ =	swait.ge [sflag:s4], $0x0  }
0x19: {  	s7 =	sld [smem:$0x3F9B]  }
0x1a: {  	s8 =	sadd.s32 $0xFFFFE003, lr  }
0x1b: {  	s9 =	sadd.s32 $0xFFFFFEF7, lr;
	s5 =	simm.s32 $0xFFFFFFFF;
	p2 =	slt.u32 s8, $0xFFFFF086  }
0x1c: {  	p1 =	slt.u32 s9, $0xF7A;
	s5 =	simm.s32 @!p2 $0x0  }
0x1d: {  	s5 =	simm.s32 @p1 $0x1;
	p0 =	seq.s32 s7, s2  }
0x1e: {  	s7 =	smul.u32 @!p0 $0xF7A, s2;
	p2 =	seq.s32 @!p0 s5, $0x0  }
0x1f: {  	s9 =	smul.u32 $0xF7A, s1;
	s8 =	simm.s32 @!p0 $0x1BF5;
	p2 =	por !p2, p0  }
0x20: {  	[sflag:s8] =	ssyncset.s32 @!p0 $0xFFFFF086;
	s6 =	sadd.s32 @!p0 s3, s7;
	s7 =	simm.s32 @!p0 $0x108  }
0x21: {  	s3 =	sadd.s32 s3, s9;
	s6 =	sadd.s32 @!p0 $0x88, s6;
	s7 =	simm.s32 @p2 $0x1082  }
0x22: {  	[simem:s7], [sflag:s8] =	dma.local @!p0 [hbm:s6], $0xF7A  }
0x23: {  	s9 =	sor.u32 $0xD0000000, s2;
	s6 =	simm.s32 $0x108;
	_ =	swait.ge @!p0 [sflag:s8], $0x0  }
0x24: {  	s3 =	sadd.s32 $0x88, s3;
	s6 =	simm.s32 @!p1 $0x1082;
	[sflag:s4] =	ssyncset.s32 $0xFFFFF086  }
0x25: {  	[simem:s6], [sflag:s4] =	dma.local [hbm:s3], $0xF7A  }
0x26: {  	[smem:$0x3F9B] =	sst s1;
	(tag) =	ssettag s2;
	_ =	strace s9  }
0x27: {  	s1 =	sld [smem:$0x3FAB]  }
0x28: {  	s2 =	sld [smem:$0x3FAC]  }
0x29: {  	s4 =	sld [smem:$0x3FAE]  }
0x2a: {  	p0 =	seq.s32 s5, $0x0;
	s5 =	sld [smem:$0x3FAF]  }
0x2b: {  	s6 =	sld [smem:$0x3FB0]  }
0x2c: {  	s7 =	sld [smem:$0x3FB1]  }
0x2d: {  	s3 =	simm.s32 $0x108;
	s8 =	sld [smem:$0x3FB2]  }
0x2e: {  	s3 =	simm.s32 @!p0 $0x1082;
	s9 =	sld [smem:$0x3FB3]  }
0x2f: {  	lr =	sadd.s32 s0, s3;
	s0 =	sld [smem:$0x3FAA]  }
0x30: {  	s3 =	sld [smem:$0x3FAD]  }
0x31: {  	[smem:$0x3FB6] =	sst s10  }
0x32: {  	s10 =	sld [smem:$0x3FB4];
	_ =	sdelay $0x3  }
0x33: {  	p0 =	seq.s32 s10, $0x1;
	s10 =	sld [smem:$0x3FB6];
	_ =	sdelay $0x3  }
0x34: {  	[smem:$0x3FB6] =	sst s10  }
0x35: {  	s10 =	sld [smem:$0x3FB5];
	_ =	sdelay $0x3  }
0x36: {  	p1 =	seq.s32 s10, $0x1;
	s10 =	sld [smem:$0x3FB6];
	_ =	sdelay $0x3  }
0x37: {  	[smem:$0x3FB6] =	sst s10  }
0x38: {  	s10 =	sld [smem:$0x3FB7]  }
0x39: {  	_ = 	snop;
	(pc) =	sbr.ind lr, $3  }
0x3a: {  	_ = 	snop  }
0x3b: {  	_ = 	snop  }
0x3c: {  	p2 =	seq.s32 s10, $0x1;
	s10 =	sld [smem:$0x3FB6]  }
0x3d: {  	_ =	shalt  }
0x3e: {  	_ =	shalt  }
0x3f: {  	_ =	shalt  }
0x40: {  	_ =	shalt  }
0x41: {  	_ =	shalt  }
0x42: {  	_ =	shalt  }
0x43: {  	_ =	shalt  }
0x44: {  	_ =	shalt  }
0x45: {  	_ =	shalt  }
0x46: {  	_ =	shalt  }
0x47: {  	_ =	shalt  }
0x48: {  	_ =	shalt  }
0x49: {  	_ =	shalt  }
0x4a: {  	_ =	shalt  }
0x4b: {  	_ =	shalt  }
0x4c: {  	_ =	shalt  }
0x4d: {  	_ =	shalt  }
0x4e: {  	_ =	shalt  }
0x4f: {  	_ =	shalt  }
0x50: {  	_ =	shalt  }
0x51: {  	_ =	shalt  }
0x52: {  	_ =	shalt  }
0x53: {  	_ =	shalt  }
0x54: {  	_ =	shalt  }
0x55: {  	_ =	shalt  }
0x56: {  	_ =	shalt  }
0x57: {  	_ =	shalt  }
0x58: {  	_ =	shalt  }
0x59: {  	_ =	shalt  }
0x5a: {  	_ =	shalt  }
0x5b: {  	_ =	shalt  }
0x5c: {  	_ =	shalt  }
0x5d: {  	_ =	shalt  }
0x5e: {  	_ =	shalt  }
0x5f: {  	_ =	shalt  }
0x60: {  	_ =	shalt  }
0x61: {  	_ =	shalt  }
0x62: {  	_ =	shalt  }
0x63: {  	_ =	shalt  }
0x64: {  	_ =	shalt  }
0x65: {  	_ =	shalt  }
0x66: {  	_ =	shalt  }
0x67: {  	_ =	shalt  }
0x68: {  	_ =	shalt  }
0x69: {  	_ =	shalt  }
0x6a: {  	_ =	shalt  }
0x6b: {  	_ =	shalt  }
0x6c: {  	_ =	shalt  }
0x6d: {  	_ =	shalt  }
0x6e: {  	_ =	shalt  }
0x6f: {  	_ =	shalt  }
0x70: {  	_ =	shalt  }
0x71: {  	_ =	shalt  }
0x72: {  	_ =	shalt  }
0x73: {  	_ =	shalt  }
0x74: {  	_ =	shalt  }
0x75: {  	_ =	shalt  }
0x76: {  	_ =	shalt  }
0x77: {  	_ =	shalt  }
0x78: {  	_ =	shalt  }
0x79: {  	_ =	shalt  }
0x7a: {  	_ =	shalt  }
0x7b: {  	_ =	shalt  }
0x7c: {  	_ =	shalt  }
0x7d: {  	_ =	shalt  }
0x7e: {  	_ =	shalt  }
0x7f: {  	_ =	shalt  }
0x80: {  	_ =	shalt  }
0x81: {  	_ =	shalt  }
0x82: {  	_ =	shalt  }
0x83: {  	_ =	shalt  }
0x84: {  	_ =	shalt  }
0x85: {  	_ =	shalt  }
0x86: {  	_ =	shalt  }
0x87: {  	_ =	shalt  }
.Lfunc_end0:
.L_simem_size_0:
called_computation.1_lowered:
.L_overlay_start_0:
0x88: {  	s2 =	sld [smem:$0x3FD9]  }
0x89: {  	s3 =	sld [smem:$0x3FFE];
	_ =	sdelay $0x1  }
0x8a: {  	s1 =	srdreg.scid  }
0x8b: {  	s0 =	sand.u32 $0x1, s1  }
0x8c: {  	s17 =	sshll.u32 s0, $0xA;
	s2 =	sadd.s32 s3, s2  }
0x8d: {  	s2 =	sadd.s32 s2, s17  }
0x8e: {  	[smem:$0x3FC2] =	sst s2  }
0x8f: {  	_ = 	snop  }
0x90: {  	s18 =	sld [smem:$0x3FC8];
	(tm) =	ssettm $0x1  }
0x91: {  	s19 =	sld [smem:$0x3FFB];
	_ =	sdelay $0x3  }
0x92: {  	_ =	strace s19  }
0x93: {  	s2 =	sld [smem:$0x3FFC];
	_ =	sdelay $0x3  }
0x94: {  	_ =	strace s2  }
0x95: {  	s2 =	sld [smem:$0x3FFD];
	_ =	sdelay $0x3  }
0x96: {  	_ =	strace s2  }
0x97: {  	_ =	strace $0x8FFFFFFF  }
0x98: {  	s20 =	sld [smem:$0x3FDB];
	_ =	sdelay $0x1  }
0x99: {  	s4 =	simm.s32 $_scs_section_size  }
0x9a: {  	s5 =	simm.s32 $_size__tile_overlayer_lowered;
	s6 =	simm.s32 $_tile_overlayer_lowered  }
0x9b: {  	s7 =	simm.s32 $0x1BFF;
	s21 =	sshll.u32 s6, $0x1;
	s4 =	sadd.s32 s4, s20  }
0x9c: {  	s22 =	simm.s32 $0x0;
	s5 =	sshll.u32 s5, $0x1;
	s6 =	sadd.s32 s21, s4  }
0x9d: {  	[timem:s22], [sflag:s7] =	dma.local [hbm:s6], s5  }
0x9e: {  	_ =	swait.ge [sflag:s7], s5  }
0x9f: {  	s5 =	ssub.s32 $0x0, s5;
	[sflag:s7] =	ssyncset.done $0x0  }
0xa0: {  	[sflag:s7] =	ssyncadd.s32 s5;
	_ =	sdelay $0x1  }
0xa1: {  	s23 =	simm.s32 $0x1B8B  }
0xa2: {  	_ =	swait.ge [sflag:s23], $0x1  }
0xa3: {  	[sflag:s23] =	ssyncset.done $0x0  }
0xa4: {  	[sflag:s23] =	ssyncadd.s32 $0xFFFFFFFF  }
0xa5: {  	s5 =	sld [smem:$0x0]  }
0xa6: {  	s6 =	sand.u32 $0xFFFFFFFE, s1  }
0xa7: {  	p0 =	sne.s32 s1, s6  }
0xa8: {  	s6 =	sshll.u32 @p0 s6, $0xE  }
0xa9: {  	s6 =	sadd.s32 @p0 $0x11B8D, s6;
	s7 =	sshll.u32 @p0 s5, $0x11  }
0xaa: {  	s6 =	sor.u32 @p0 s7, s6  }
0xab: {  	[sflag:s6] =	ssyncadd.remote.s32 @p0 $0x1;
	_ =	sdelay $0x1  }
0xac: {  	s6 =	simm.s32 @p0 $0x1B8D  }
0xad: {  	_ =	swait.eq @p0 [sflag:s6], $0x1  }
0xae: {  	[sflag:s6] =	ssyncadd.s32 @p0 $0xFFFFFFFF  }
0xaf: {  	s7 =	sshll.u32 @!p0 s1, $0xE  }
0xb0: {  	s7 =	sor.u32 @!p0 $0x4000, s7;
	s6 =	simm.s32 @!p0 $0x1B8D  }
0xb1: {  	s5 =	sshll.u32 @!p0 s5, $0x11;
	s7 =	sadd.s32 @!p0 $0x11B8D, s7;
	_ =	swait.eq @!p0 [sflag:s6], $0x1  }
0xb2: {  	s5 =	sor.u32 @!p0 s5, s7;
	[sflag:s6] =	ssyncadd.s32 @!p0 $0xFFFFFFFF  }
0xb3: {  	s25 =	simm.s32 $0x1B8E;
	s24 =	sld [smem:$0x3FFE];
	[sflag:s5] =	ssyncadd.remote.s32 @!p0 $0x1  }
0xb4: {  	s26 =	simm.s32 $execute0_lowered;
	[smem:$0x3FD2] =	sst s25  }
0xb5: {  	s6 =	sshll.u32 s26, $0x1;
	_ =	strace $0x80000049;
	[dreg:$0x1] =	wrdreg $0xFFFFFFFF  }
0xb6: {  	s28 =	simm.s32 $_size_execute0_lowered;
	s4 =	sadd.s32 s4, s6;
	[dreg:$0x0] =	wrdreg $0x0  }
0xb7: {  	s6 =	sshll.u32 s28, $0x1;
	[dreg:$0x2] =	wrdreg s4  }
0xb8: {  	[dreg:$0x3] =	wrdreg s6  }
0xb9: {  	[dreg:$0x4] =	wrdreg $0xC0  }
0xba: {  	_ =	task [dreg:s22], $0x5FFFF  }
0xbb: {  	[dreg:$0x1] =	wrdreg $0xFFFFFFFF  }
0xbc: {  	[dreg:$0x0] =	wrdreg $0x60  }
0xbd: {  	[dreg:$0x2] =	wrdreg s24  }
0xbe: {  	[dreg:$0x3] =	wrdreg s18  }
0xbf: {  	[dreg:$0x4] =	wrdreg $0xA  }
0xc0: {  	_ =	task.clear_ibuf [dreg:s22], $0x5FFFF;
	_ =	strace $0x90000049  }
0xc1: {  	s29 =	simm.s32 $0xA;
	_ =	strace $0x8000004B  }
0xc2: {  	_ =	swait.ge [sflag:s29], $0x1  }
0xc3: {  	[sflag:s29] =	ssyncadd.s32 $0xFFFFFFFF  }
0xc4: {  	_ =	strace $0x9000004B  }
0xc5: {  	_ =	sfence  }
0xc6: {  	s30 =	sld [smem:$0x0];
	_ =	sdelay $0x2  }
0xc7: {  	s31 =	sshll.u32 s1, $0xD;
	s1 =	sshrl.u32 s1, $0x2  }
0xc8: {  	s4 =	sand.u32 $0x4000, s31;
	s1 =	sadd.s32 s1, s30  }
0xc9: {  	s0 =	sor.u32 s4, s0;
	s1 =	sshll.u32 s1, $0x11  }
0xca: {  	s0 =	sor.u32 s1, s0  }
0xcb: {  	s0 =	sadd.s32 $0x8F2B, s0  }
0xcc: {  	[sflag:s0] =	ssyncadd.remote.s32 $0x1  }
0xcd: {  	_ =	sfence.sel $0xFFFF  }
0xce: {  	[dreg:$0x0] =	wrdreg $0xFFFFFFFF;
	(pc) =	sbr.abs _section_cstart, $3  }
0xcf: {  	[dreg:$0x1] =	wrdreg $0xFFFFFFFF  }
0xd0: {  	_ =	task.clear_ibuf [dreg:s22], $0x2FFFF;
	_ =	strace $0x9FFFFFFF  }
0xd1: {  	(tm) =	ssettm $0x7FFFFFFF  }
tec
execute0_lowered:
.L_overlay_start_1:
0x0: {  	(tag) =	ssettag $0x1  }
0x1: {  	s1 =	srdreg.scid;
	s0 =	stileid.u32  }
0x2: {  	s1 =	sand.u32 $0x1, s1;
	s3 =	sshll.u32 s0, $0x1  }
0x3: {  	s28 =	sor.u32 s1, s3  }
0x4: {  	s11 =	rddreg [dreg:$0x0];
	s4 =	sshll.u32 s28, $0x8  }
0x5: {  	s2 =	rddreg [dreg:$0x1];
	s3 =	simm.s32 $0x0;
	s4 =	sadd.s32 s4, s11  }
0x6: {  	[smem:$0x7FF] =	sst s3;
	s4 =	sadd.s32 $0xF1200, s4  }
0x7: {  	_ =	strace $0x8000004A;
	[dreg:$0x3] =	wrdreg s4  }
0x8: {  	s4 =	simm.s32 $0x7;
	s5 =	rddreg [dreg:$0x3]  }
0x9: {  	[tilespmem:s3], [sflag:$0x7] =	stream.linear.gather [hbm4b:s5+s3], $0x480, $0x38;
	[tilespmem:$0xC800] =	vst v63  }
0xa: {  	_ =	swait.ge [sflag:s4], $0x480  }
0xb: {  	[sflag:s4] =	ssyncset.done $0x0  }
0xc: {  	s6 =	simm.s32 $0x800;
	s5 =	simm.s32 $0x80;
	[sflag:s4] =	ssyncadd.s32 $0xFFFFFB80  }
0xd: {  	[tilespmem:s6], [sflag:$0x1] =	stream.indirect.gather [hbm4b:s2+s5], $0x80, s3, s5, $0xb8;
	[tilespmem:$0xC800] =	vst v63  }
0xe: {  	s7 =	simm.s32 $0x4800  }
0xf: {  	[tilespmem:s7], [sflag:$0x2] =	stream.indirect.gather [hbm4b:s2+s5], $0x80, s5, s5, $0xb8;
	[tilespmem:$0xC800] =	vst v63  }
0x10: {  	s8 =	simm.s32 $0x100;
	s9 =	simm.s32 $0x8800;
	s10 =	simm.s32 $0x1  }
0x11: {  	[tilespmem:s9], [sflag:$0x3] =	stream.indirect.gather [hbm4b:s2+s5], $0x80, s8, s5, $0xb8;
	[tilespmem:$0xC800] =	vst v63  }
0x12: {  	s12 =	smul.u32 $0x4800, s28;
	_ =	swait.ge [sflag:s10], $0x4000  }
0x13: {  	s29 =	sadd.s32 $0xF3200, s11;
	[sflag:s10] =	ssyncset.done $0x0  }
0x14: {  	s11 =	sadd.s32 s29, s12;
	s12 =	simm.s32 $0x2;
	[sflag:s10] =	ssyncadd.s32 $0xFFFFC000  }
0x15: {  	[hbm4b:s11+s3] =	stream.linear.scatter [tilespmem:s6], [sflag:$0x4], $0x4000, $0x38;
	[tilespmem:$0xC800] =	vst v63  }
0x16: {  	_ =	swait.ge [sflag:s12], $0x4000  }
0x17: {  	[sflag:s12] =	ssyncset.done $0x0  }
0x18: {  	s14 =	simm.s32 $0x3;
	s13 =	sadd.s32 $0x800, s11;
	[sflag:s12] =	ssyncadd.s32 $0xFFFFC000  }
0x19: {  	[hbm4b:s13+s3] =	stream.linear.scatter [tilespmem:s7], [sflag:$0x5], $0x4000, $0x38;
	[tilespmem:$0xC800] =	vst v63  }
0x1a: {  	_ =	swait.ge [sflag:s14], $0x4000  }
0x1b: {  	[sflag:s14] =	ssyncset.done $0x0  }
0x1c: {  	s16 =	simm.s32 $0x4;
	s15 =	sadd.s32 $0x1000, s11;
	[sflag:s14] =	ssyncadd.s32 $0xFFFFC000  }
0x1d: {  	[hbm4b:s15+s3] =	stream.linear.scatter [tilespmem:s9], [sflag:$0x6], $0x4000, $0x38;
	[tilespmem:$0xC800] =	vst v63  }
0x1e: {  	_ =	swait.ge [sflag:s16], $0x4000  }
0x1f: {  	[sflag:s16] =	ssyncset.done $0x0  }
0x20: {  	s17 =	simm.s32 $0x180;
	s18 =	simm.s32 $0x5;
	[sflag:s16] =	ssyncadd.s32 $0xFFFFC000  }
0x21: {  	[tilespmem:s6], [sflag:$0x1] =	stream.indirect.gather [hbm4b:s2+s5], $0x80, s17, s5, $0xb8;
	[tilespmem:$0xC800] =	vst v63  }
0x22: {  	_ =	swait.ge [sflag:s18], $0x4000  }
0x23: {  	[sflag:s18] =	ssyncset.done $0x0  }
0x24: {  	s20 =	simm.s32 $0x200;
	s19 =	simm.s32 $0x6;
	[sflag:s18] =	ssyncadd.s32 $0xFFFFC000  }
0x25: {  	[tilespmem:s7], [sflag:$0x2] =	stream.indirect.gather [hbm4b:s2+s5], $0x80, s20, s5, $0xb8;
	[tilespmem:$0xC800] =	vst v63  }
0x26: {  	_ =	swait.ge [sflag:s19], $0x4000  }
0x27: {  	[sflag:s19] =	ssyncset.done $0x0  }
0x28: {  	s21 =	simm.s32 $0x280;
	[sflag:s19] =	ssyncadd.s32 $0xFFFFC000  }
0x29: {  	[tilespmem:s9], [sflag:$0x3] =	stream.indirect.gather [hbm4b:s2+s5], $0x80, s21, s5, $0xb8;
	[tilespmem:$0xC800] =	vst v63  }
0x2a: {  	_ =	swait.ge [sflag:s10], $0x4000  }
0x2b: {  	[sflag:s10] =	ssyncset.done $0x0  }
0x2c: {  	s22 =	sadd.s32 $0x1800, s11;
	[sflag:s10] =	ssyncadd.s32 $0xFFFFC000  }
0x2d: {  	[hbm4b:s22+s3] =	stream.linear.scatter [tilespmem:s6], [sflag:$0x4], $0x4000, $0x38;
	[tilespmem:$0xC800] =	vst v63  }
0x2e: {  	_ =	swait.ge [sflag:s12], $0x4000  }
0x2f: {  	[sflag:s12] =	ssyncset.done $0x0  }
0x30: {  	s23 =	sadd.s32 $0x2000, s11;
	[sflag:s12] =	ssyncadd.s32 $0xFFFFC000  }
0x31: {  	[hbm4b:s23+s3] =	stream.linear.scatter [tilespmem:s7], [sflag:$0x5], $0x4000, $0x38;
	[tilespmem:$0xC800] =	vst v63  }
0x32: {  	_ =	swait.ge [sflag:s14], $0x4000  }
0x33: {  	[sflag:s14] =	ssyncset.done $0x0  }
0x34: {  	s24 =	sadd.s32 $0x2800, s11;
	[sflag:s14] =	ssyncadd.s32 $0xFFFFC000  }
0x35: {  	[hbm4b:s24+s3] =	stream.linear.scatter [tilespmem:s9], [sflag:$0x6], $0x4000, $0x38;
	[tilespmem:$0xC800] =	vst v63  }
0x36: {  	_ =	swait.ge [sflag:s16], $0x4000  }
0x37: {  	[sflag:s16] =	ssyncset.done $0x0  }
0x38: {  	s25 =	simm.s32 $0x300;
	[sflag:s16] =	ssyncadd.s32 $0xFFFFC000  }
0x39: {  	[tilespmem:s6], [sflag:$0x1] =	stream.indirect.gather [hbm4b:s2+s5], $0x80, s25, s5, $0xb8;
	[tilespmem:$0xC800] =	vst v63  }
0x3a: {  	_ =	swait.ge [sflag:s18], $0x4000  }
0x3b: {  	[sflag:s18] =	ssyncset.done $0x0  }
0x3c: {  	s26 =	simm.s32 $0x380;
	[sflag:s18] =	ssyncadd.s32 $0xFFFFC000  }
0x3d: {  	[tilespmem:s7], [sflag:$0x2] =	stream.indirect.gather [hbm4b:s2+s5], $0x80, s26, s5, $0xb8;
	[tilespmem:$0xC800] =	vst v63  }
0x3e: {  	_ =	swait.ge [sflag:s19], $0x4000  }
0x3f: {  	[sflag:s19] =	ssyncset.done $0x0  }
0x40: {  	s30 =	smul.u32 $0x24000, s28;
	s28 =	simm.s32 $0x400;
	[sflag:s19] =	ssyncadd.s32 $0xFFFFC000  }
0x41: {  	[tilespmem:s9], [sflag:$0x3] =	stream.indirect.gather [hbm4b:s2+s5], $0x80, s28, s5, $0xb8;
	[tilespmem:$0xC800] =	vst v63  }
0x42: {  	s30 =	sshrl.u32 s30, $0x3;
	_ =	swait.ge [sflag:s10], $0x4000  }
0x43: {  	s31 =	sadd.s32 s29, s30;
	[sflag:s10] =	ssyncset.done $0x0  }
0x44: {  	s29 =	sadd.s32 $0x3000, s31;
	[sflag:s10] =	ssyncadd.s32 $0xFFFFC000  }
0x45: {  	[hbm4b:s29+s3] =	stream.linear.scatter [tilespmem:s6], [sflag:$0x4], $0x4000, $0x38;
	[tilespmem:$0xC800] =	vst v63  }
0x46: {  	_ =	swait.ge [sflag:s12], $0x4000  }
0x47: {  	[sflag:s12] =	ssyncset.done $0x0  }
0x48: {  	s30 =	sadd.s32 $0x3800, s31;
	[sflag:s12] =	ssyncadd.s32 $0xFFFFC000  }
0x49: {  	[hbm4b:s30+s3] =	stream.linear.scatter [tilespmem:s7], [sflag:$0x5], $0x4000, $0x38;
	[tilespmem:$0xC800] =	vst v63  }
0x4a: {  	s1 =	ssub.s32 $0x2, s1;
	_ =	swait.ge [sflag:s14], $0x4000  }
0x4b: {  	s0 =	sshrl.u32 s1, $0x1;
	[sflag:s14] =	ssyncset.done $0x0  }
0x4c: {  	s0 =	ssub.s32 s1, s0;
	s31 =	sadd.s32 $0x4000, s31;
	[sflag:s14] =	ssyncadd.s32 $0xFFFFC000  }
0x4d: {  	[hbm4b:s31+s3] =	stream.linear.scatter [tilespmem:s9], [sflag:$0x6], $0x4000, $0x38;
	[tilespmem:$0xC800] =	vst v63  }
0x4e: {  	s0 =	smax.u32 s0, $0x1;
	_ =	swait.ge [sflag:s16], $0x4000  }
0x4f: {  	p0 =	sne.s32 s0, $0x1;
	[sflag:s16] =	ssyncset.done $0x0  }
.Ltmp0:
0x50: {  	[sflag:s16] =	ssyncadd.s32 $0xFFFFC000;
	(pc) =	sbr.rel @!p0 .LBB2_2-.Ltmp0, $4  }
0x51: {  	_ =	swait.ge [sflag:s18], $0x4000  }
0x52: {  	[sflag:s18] =	ssyncset.done $0x0  }
0x53: {  	[sflag:s18] =	ssyncadd.s32 $0xFFFFC000  }
0x54: {  	s1 =	sadd.s32 $0xFFFFFFFF, s0;
	_ =	swait.ge [sflag:s19], $0x4000  }
.LBB2_1:
0x55: {  	[sflag:s19] =	ssyncset.done $0x0  }
0x56: {  	s0 =	rddreg [dreg:$0x3];
	[sflag:s19] =	ssyncadd.s32 $0xFFFFC000  }
0x57: {  	[tilespmem:s3], [sflag:$0x7] =	stream.linear.gather [hbm4b:s0+s3], $0x480, $0x38;
	[tilespmem:$0xC800] =	vst v63  }
0x58: {  	_ =	swait.ge [sflag:s4], $0x480  }
0x59: {  	[sflag:s4] =	ssyncset.done $0x0  }
0x5a: {  	[sflag:s4] =	ssyncadd.s32 $0xFFFFFB80  }
0x5b: {  	[tilespmem:s6], [sflag:$0x1] =	stream.indirect.gather [hbm4b:s2+s5], $0x80, s3, s5, $0xb8;
	[tilespmem:$0xC800] =	vst v63  }
0x5c: {  	_ = 	snop  }
0x5d: {  	[tilespmem:s7], [sflag:$0x2] =	stream.indirect.gather [hbm4b:s2+s5], $0x80, s5, s5, $0xb8;
	[tilespmem:$0xC800] =	vst v63  }
0x5e: {  	_ = 	snop  }
0x5f: {  	[tilespmem:s9], [sflag:$0x3] =	stream.indirect.gather [hbm4b:s2+s5], $0x80, s8, s5, $0xb8;
	[tilespmem:$0xC800] =	vst v63  }
0x60: {  	_ =	swait.ge [sflag:s10], $0x4000  }
0x61: {  	[sflag:s10] =	ssyncset.done $0x0  }
0x62: {  	[sflag:s10] =	ssyncadd.s32 $0xFFFFC000  }
0x63: {  	[hbm4b:s11+s3] =	stream.linear.scatter [tilespmem:s6], [sflag:$0x4], $0x4000, $0x38;
	[tilespmem:$0xC800] =	vst v63  }
0x64: {  	_ =	swait.ge [sflag:s12], $0x4000  }
0x65: {  	[sflag:s12] =	ssyncset.done $0x0  }
0x66: {  	[sflag:s12] =	ssyncadd.s32 $0xFFFFC000  }
0x67: {  	[hbm4b:s13+s3] =	stream.linear.scatter [tilespmem:s7], [sflag:$0x5], $0x4000, $0x38;
	[tilespmem:$0xC800] =	vst v63  }
0x68: {  	_ =	swait.ge [sflag:s14], $0x4000  }
0x69: {  	[sflag:s14] =	ssyncset.done $0x0  }
0x6a: {  	[sflag:s14] =	ssyncadd.s32 $0xFFFFC000  }
0x6b: {  	[hbm4b:s15+s3] =	stream.linear.scatter [tilespmem:s9], [sflag:$0x6], $0x4000, $0x38;
	[tilespmem:$0xC800] =	vst v63  }
0x6c: {  	_ =	swait.ge [sflag:s16], $0x4000  }
0x6d: {  	[sflag:s16] =	ssyncset.done $0x0  }
0x6e: {  	[sflag:s16] =	ssyncadd.s32 $0xFFFFC000  }
0x6f: {  	[tilespmem:s6], [sflag:$0x1] =	stream.indirect.gather [hbm4b:s2+s5], $0x80, s17, s5, $0xb8;
	[tilespmem:$0xC800] =	vst v63  }
0x70: {  	_ =	swait.ge [sflag:s18], $0x4000  }
0x71: {  	[sflag:s18] =	ssyncset.done $0x0  }
0x72: {  	[sflag:s18] =	ssyncadd.s32 $0xFFFFC000  }
0x73: {  	[tilespmem:s7], [sflag:$0x2] =	stream.indirect.gather [hbm4b:s2+s5], $0x80, s20, s5, $0xb8;
	[tilespmem:$0xC800] =	vst v63  }
0x74: {  	_ =	swait.ge [sflag:s19], $0x4000  }
0x75: {  	[sflag:s19] =	ssyncset.done $0x0  }
0x76: {  	[sflag:s19] =	ssyncadd.s32 $0xFFFFC000  }
0x77: {  	[tilespmem:s9], [sflag:$0x3] =	stream.indirect.gather [hbm4b:s2+s5], $0x80, s21, s5, $0xb8;
	[tilespmem:$0xC800] =	vst v63  }
0x78: {  	_ =	swait.ge [sflag:s10], $0x4000  }
0x79: {  	[sflag:s10] =	ssyncset.done $0x0  }
0x7a: {  	[sflag:s10] =	ssyncadd.s32 $0xFFFFC000  }
0x7b: {  	[hbm4b:s22+s3] =	stream.linear.scatter [tilespmem:s6], [sflag:$0x4], $0x4000, $0x38;
	[tilespmem:$0xC800] =	vst v63  }
0x7c: {  	_ =	swait.ge [sflag:s12], $0x4000  }
0x7d: {  	[sflag:s12] =	ssyncset.done $0x0  }
0x7e: {  	[sflag:s12] =	ssyncadd.s32 $0xFFFFC000  }
0x7f: {  	[hbm4b:s23+s3] =	stream.linear.scatter [tilespmem:s7], [sflag:$0x5], $0x4000, $0x38;
	[tilespmem:$0xC800] =	vst v63  }
0x80: {  	_ =	swait.ge [sflag:s14], $0x4000  }
0x81: {  	[sflag:s14] =	ssyncset.done $0x0  }
0x82: {  	[sflag:s14] =	ssyncadd.s32 $0xFFFFC000  }
0x83: {  	[hbm4b:s24+s3] =	stream.linear.scatter [tilespmem:s9], [sflag:$0x6], $0x4000, $0x38;
	[tilespmem:$0xC800] =	vst v63  }
0x84: {  	_ =	swait.ge [sflag:s16], $0x4000  }
0x85: {  	[sflag:s16] =	ssyncset.done $0x0  }
0x86: {  	[sflag:s16] =	ssyncadd.s32 $0xFFFFC000  }
0x87: {  	[tilespmem:s6], [sflag:$0x1] =	stream.indirect.gather [hbm4b:s2+s5], $0x80, s25, s5, $0xb8;
	[tilespmem:$0xC800] =	vst v63  }
0x88: {  	_ =	swait.ge [sflag:s18], $0x4000  }
0x89: {  	[sflag:s18] =	ssyncset.done $0x0  }
0x8a: {  	[sflag:s18] =	ssyncadd.s32 $0xFFFFC000  }
0x8b: {  	[tilespmem:s7], [sflag:$0x2] =	stream.indirect.gather [hbm4b:s2+s5], $0x80, s26, s5, $0xb8;
	[tilespmem:$0xC800] =	vst v63  }
0x8c: {  	_ =	swait.ge [sflag:s19], $0x4000  }
0x8d: {  	[sflag:s19] =	ssyncset.done $0x0  }
0x8e: {  	[sflag:s19] =	ssyncadd.s32 $0xFFFFC000  }
0x8f: {  	[tilespmem:s9], [sflag:$0x3] =	stream.indirect.gather [hbm4b:s2+s5], $0x80, s28, s5, $0xb8;
	[tilespmem:$0xC800] =	vst v63  }
0x90: {  	_ =	swait.ge [sflag:s10], $0x4000  }
0x91: {  	[sflag:s10] =	ssyncset.done $0x0  }
0x92: {  	[sflag:s10] =	ssyncadd.s32 $0xFFFFC000  }
0x93: {  	[hbm4b:s29+s3] =	stream.linear.scatter [tilespmem:s6], [sflag:$0x4], $0x4000, $0x38;
	[tilespmem:$0xC800] =	vst v63  }
0x94: {  	_ =	swait.ge [sflag:s12], $0x4000  }
0x95: {  	[sflag:s12] =	ssyncset.done $0x0  }
0x96: {  	[sflag:s12] =	ssyncadd.s32 $0xFFFFC000  }
0x97: {  	[hbm4b:s30+s3] =	stream.linear.scatter [tilespmem:s7], [sflag:$0x5], $0x4000, $0x38;
	[tilespmem:$0xC800] =	vst v63  }
0x98: {  	_ =	swait.ge [sflag:s14], $0x4000  }
0x99: {  	[sflag:s14] =	ssyncset.done $0x0  }
0x9a: {  	[sflag:s14] =	ssyncadd.s32 $0xFFFFC000  }
0x9b: {  	[hbm4b:s31+s3] =	stream.linear.scatter [tilespmem:s9], [sflag:$0x6], $0x4000, $0x38;
	[tilespmem:$0xC800] =	vst v63  }
0x9c: {  	_ =	swait.ge [sflag:s16], $0x4000  }
0x9d: {  	p0 =	sne.s32 s1, $0x1;
	[sflag:s16] =	ssyncset.done $0x0  }
.Ltmp1:
0x9e: {  	[sflag:s16] =	ssyncadd.s32 $0xFFFFC000;
	(pc) =	sbr.rel @p0 .LBB2_1-.Ltmp1, $4  }
0x9f: {  	_ =	swait.ge [sflag:s18], $0x4000  }
0xa0: {  	[sflag:s18] =	ssyncset.done $0x0  }
0xa1: {  	[sflag:s18] =	ssyncadd.s32 $0xFFFFC000  }
0xa2: {  	s1 =	sadd.s32 $0xFFFFFFFF, s1;
	_ =	swait.ge [sflag:s19], $0x4000  }
.LBB2_2:
0xa3: {  	[sflag:s19] =	ssyncset.done $0x0  }
0xa4: {  	[sflag:s19] =	ssyncadd.s32 $0xFFFFC000  }
0xa5: {  	_ =	sfence.sel $0x180000  }
0xa6: {  	[bflag:$0x0] =	sbarrier.arrive $0xFFFF  }
0xa7: {  	_ =	strace $0x9000004A  }
0xa8: {  	s0 =	stileid.u32;
	[bflag:$0x2] =	sbarrier.arrive $0xFFFF  }
0xa9: {  	p0 =	sne.s32 s0, $0x0;
	s0 =	rddreg [dreg:$0x2]  }
0xaa: {  	s0 =	sadd.s32 @!p0 $0x100000, s0  }
0xab: {  	[sflag:s0] =	ssyncadd.tile.s32 @!p0 $0x1;
	_ =	shalt  }
.Lfunc_end2:
_tile_overlayer_lowered:
.L_overlay_start_2:
0xac: {  	(tag) =	ssettag $0x2  }
0xad: {  	s0 =	rddreg [dreg:$0x0];
	s2 =	stileid.u32  }
0xae: {  	s1 =	rddreg [dreg:$0x1];
	p0 =	sne.s32 s2, $0x0  }
0xaf: {  	s3 =	rddreg [dreg:$0x2];
	[bflag:$0x3] =	sbarrier.arrive $0xFFFF;
	s2 =	simm.s32 @!p0 $0x1C07  }
0xb0: {  	[timem:s3], [sflag:s2] =	dma.local @!p0 [hbm:s0], s1  }
0xb1: {  	s0 =	simm.s32 @!p0 $0x7  }
0xb2: {  	_ =	swait.ge @!p0 [sflag:s0], s1  }
0xb3: {  	s1 =	ssub.s32 @!p0 $0x0, s1;
	[sflag:s0] =	ssyncset.done @!p0 $0x0  }
0xb4: {  	[sflag:s0] =	ssyncadd.s32 @!p0 s1  }
0xb5: {  	[bflag:$0x3] =	sbarrier.arrive $0xFFFF  }
0xb6: {  	_ =	shalt  }

</sc_bundles>
